<compile_context>
chip_gen: v7x
topology: tpu7x:2x2x1
jax: 0.10.2.dev20260603
libtpu: 0.0.44.dev20260713+nightly
codegen_flags: <defaults>
</compile_context>

<pallas_src>
import functools

import jax
import jax.numpy as jnp
from jax import lax
from jax.experimental import pallas as pl
from jax.experimental.pallas import tpu as pltpu
from jax.experimental.pallas import tpu_sc as plsc

_NC = 2
_NS = 16
_NW = _NC * _NS
_L = 16


def _lo(v):
    return lax.bitcast_convert_type(lax.shift_left(v, 16), jnp.float32)


def _hi(v):
    return lax.bitcast_convert_type(
        lax.bitwise_and(v, jnp.int32(-65536)), jnp.float32)



def _mlp_rows(x, param_sets, block, pack_halves=False):
    M, H0 = x.shape
    nsets = len(param_sets)
    grid = M // block
    assert grid * block == M

    def body(x_ref, *refs):
        out_refs = refs[-nsets:]
        wrefs = refs[:-nsets]
        j = 0
        for si, params in enumerate(param_sets):
            n = len(params)
            h = x_ref[...]
            for i in range(n):
                W = wrefs[j][...]
                b = wrefs[j + 1][...]
                j += 2
                h = jnp.dot(h, W, preferred_element_type=jnp.float32) + b
                if i < n - 1:
                    h = jnp.maximum(h, 0.0)
            if pack_halves:
                d = h.shape[1] // 2
                lo = lax.bitcast_convert_type(
                    h[:, :d].astype(jnp.bfloat16), jnp.uint16)
                hi = lax.bitcast_convert_type(
                    h[:, d:].astype(jnp.bfloat16), jnp.uint16)
                z = (hi.astype(jnp.uint32) << 16) | lo.astype(jnp.uint32)
                out_refs[si][...] = lax.bitcast_convert_type(z, jnp.int32)
            else:
                out_refs[si][...] = h

    in_specs = [pl.BlockSpec((block, H0), lambda i: (i, 0))]
    flat = []
    for params in param_sets:
        for W, b in params:
            in_specs.append(pl.BlockSpec(W.shape, lambda i: (0, 0)))
            in_specs.append(pl.BlockSpec((1, W.shape[1]), lambda i: (0, 0)))
            flat += [W, b.reshape(1, -1)]
    out_shapes = []
    out_specs = []
    for params in param_sets:
        out_dim = params[-1][0].shape[1]
        if pack_halves:
            out_dim //= 2
            out_shapes.append(jax.ShapeDtypeStruct((M, out_dim), jnp.int32))
        else:
            out_shapes.append(jax.ShapeDtypeStruct((M, out_dim),
                                                   jnp.float32))
        out_specs.append(pl.BlockSpec((block, out_dim), lambda i: (i, 0)))
    res = pl.pallas_call(
        body,
        grid=(grid,),
        in_specs=in_specs,
        out_specs=out_specs,
        out_shape=out_shapes,
    )(x, *flat)
    return res


def _edge_mlp_z(ea, params, block):
    M, H = ea.shape
    n = len(params)
    grid = M // block

    def body(x_ref, *refs):
        out_ref = refs[-1]
        xb = x_ref[...]
        h = xb
        for i in range(n):
            W = refs[2 * i][...]
            b = refs[2 * i + 1][...]
            h = jnp.dot(h, W, preferred_element_type=jnp.float32) + b
            if i < n - 1:
                h = jnp.maximum(h, 0.0)
        hb = lax.bitcast_convert_type(h.astype(jnp.bfloat16), jnp.uint16)
        xbb = lax.bitcast_convert_type(xb.astype(jnp.bfloat16), jnp.uint16)
        z = (xbb.astype(jnp.uint32) << 16) | hb.astype(jnp.uint32)
        out_ref[...] = lax.bitcast_convert_type(z, jnp.int32)

    in_specs = [pl.BlockSpec((block, H), lambda i: (i, 0))]
    flat = []
    for W, b in params:
        in_specs.append(pl.BlockSpec(W.shape, lambda i: (0, 0)))
        in_specs.append(pl.BlockSpec((1, W.shape[1]), lambda i: (0, 0)))
        flat += [W, b.reshape(1, -1)]
    return pl.pallas_call(
        body,
        grid=(grid,),
        in_specs=in_specs,
        out_specs=pl.BlockSpec((block, H), lambda i: (i, 0)),
        out_shape=jax.ShapeDtypeStruct((M, H), jnp.int32),
    )(ea, *flat)


def _node_mlp(x, aggp, params, block):
    M, H = x.shape
    n = len(params)
    (W0, b0) = params[0]
    W0x, W0a = W0[:H], W0[H:]
    grid = M // block

    def body(x_ref, ap_ref, w0x, w0a, b0r, *refs):
        out_ref = refs[-1]
        xb = x_ref[...]
        agg = ap_ref[0] + ap_ref[1]
        h = jnp.dot(xb, w0x[...], preferred_element_type=jnp.float32)
        h = h + jnp.dot(agg, w0a[...], preferred_element_type=jnp.float32)
        h = jnp.maximum(h + b0r[...], 0.0)
        for i in range(1, n):
            W = refs[2 * (i - 1)][...]
            b = refs[2 * (i - 1) + 1][...]
            h = jnp.dot(h, W, preferred_element_type=jnp.float32) + b
            if i < n - 1:
                h = jnp.maximum(h, 0.0)
        out_ref[...] = h + xb

    in_specs = [
        pl.BlockSpec((block, H), lambda i: (i, 0)),
        pl.BlockSpec((2, block, H), lambda i: (0, i, 0)),
        pl.BlockSpec(W0x.shape, lambda i: (0, 0)),
        pl.BlockSpec(W0a.shape, lambda i: (0, 0)),
        pl.BlockSpec((1, W0.shape[1]), lambda i: (0, 0)),
    ]
    flat = [x, aggp, W0x, W0a, b0.reshape(1, -1)]
    for W, b in params[1:]:
        in_specs.append(pl.BlockSpec(W.shape, lambda i: (0, 0)))
        in_specs.append(pl.BlockSpec((1, W.shape[1]), lambda i: (0, 0)))
        flat += [W, b.reshape(1, -1)]
    out_dim = params[-1][0].shape[1]
    return pl.pallas_call(
        body,
        grid=(grid,),
        in_specs=in_specs,
        out_specs=pl.BlockSpec((block, out_dim), lambda i: (i, 0)),
        out_shape=jax.ShapeDtypeStruct((M, out_dim), jnp.float32),
    )(*flat)



@functools.lru_cache(maxsize=None)
def _sc_edges(N, E, H):
    EPW = E // _NW
    C = 40
    NCHUNK = EPW // C
    assert EPW * _NW == E and NCHUNK * C == EPW and NCHUNK % 2 == 0
    NP = ((N + 2047) // 2048) * 2048
    RPS = NP // _NS
    assert RPS % C == 0
    VPR = H // _L

    mesh = plsc.VectorSubcoreMesh(
        core_axis_name="c", subcore_axis_name="s",
        num_cores=_NC, num_subcores=_NS)

    @functools.partial(
        pl.kernel,
        out_type=[
            jax.ShapeDtypeStruct((E, H), jnp.float32),
            jax.ShapeDtypeStruct((_NC, NP, H), jnp.float32),
        ],
        mesh=mesh,
        scratch_types=[
            [pltpu.VMEM((C,), jnp.int32)] * 2,
            [pltpu.VMEM((C,), jnp.int32)] * 2,
            [pltpu.VMEM((C, H), jnp.float32)] * 2,
            [pltpu.VMEM((C, H), jnp.float32)] * 2,
            [pltpu.VMEM((C, H), jnp.int32)] * 2,
            [pltpu.VMEM((C, H), jnp.float32)] * 2,
            pltpu.VMEM((C, H), jnp.float32),
            pltpu.VMEM_SHARED((NP, H), jnp.float32),
            [pltpu.SemaphoreType.DMA] * 2,
            [pltpu.SemaphoreType.DMA] * 2,
            [pltpu.SemaphoreType.DMA] * 2,
            pltpu.SemaphoreType.DMA,
            [pltpu.SemaphoreType.DMA] * 2,
        ],
    )
    def k(s_hbm, r_hbm, z_hbm, src_hbm, dst_hbm,
          eout_hbm, aggp_hbm,
          src_v, dst_v, sg_v, rg_v, zb_v, en_v, eo_v, agg_sh,
          sems, semr, semz, semw, semc):
        cid = lax.axis_index("c")
        sid = lax.axis_index("s")
        wid = sid * _NC + cid

        zero = jnp.zeros((_L,), jnp.float32)

        def zrow(r, _):
            for c8 in range(VPR):
                eo_v[r, pl.ds(c8 * _L, _L)] = zero
            return 0
        lax.fori_loop(0, C, zrow, 0)

        def zcopy(kk, _):
            pltpu.sync_copy(eo_v, agg_sh.at[pl.ds(sid * RPS + kk * C, C)])
            return 0
        lax.fori_loop(0, RPS // C, zcopy, 0)
        plsc.subcore_barrier()

        def issue(ci, b):
            base = wid * EPW + ci * C
            pltpu.sync_copy(src_hbm.at[pl.ds(base, C)], src_v[b])
            pltpu.sync_copy(dst_hbm.at[pl.ds(base, C)], dst_v[b])
            pltpu.async_copy(s_hbm.at[src_v[b]], sg_v[b], sems[b])
            pltpu.async_copy(r_hbm.at[dst_v[b]], rg_v[b], semr[b])
            pltpu.async_copy(z_hbm.at[pl.ds(base, C)], zb_v[b], semz[b])

        def drain_eout():
            pltpu.make_async_copy(eo_v, eout_hbm.at[pl.ds(0, C)],
                                  semw).wait()

        def drain_scatter(b):
            pltpu.make_async_copy(en_v[b], agg_sh.at[dst_v[b]],
                                  semc[b]).wait()

        issue(0, 0)

        def pair(g, _):
            ci0 = g * 2
            for b in range(2):
                ci = ci0 + b
                nb = 1 - b

                @pl.when(ci + 1 < NCHUNK)
                def _():

                    @pl.when(ci >= 1)
                    def _():
                        drain_scatter(nb)
                    issue(ci + 1, nb)

                pltpu.make_async_copy(s_hbm.at[src_v[b]], sg_v[b],
                                      sems[b]).wait()
                pltpu.make_async_copy(r_hbm.at[dst_v[b]], rg_v[b],
                                      semr[b]).wait()
                base = wid * EPW + ci * C
                pltpu.make_async_copy(z_hbm.at[pl.ds(base, C)], zb_v[b],
                                      semz[b]).wait()

                @pl.when(ci >= 1)
                def _():
                    drain_eout()

                @plsc.parallel_loop(0, C, unroll=4)
                def row(r):
                    for c8 in range(VPR):
                        s = pl.ds(c8 * _L, _L)
                        zv = zb_v[b][r, s]
                        en = _lo(zv) + (sg_v[b][r, s] + rg_v[b][r, s])
                        en_v[b][r, s] = en
                        eo_v[r, s] = en + _hi(zv)

                pltpu.async_copy(eo_v, eout_hbm.at[pl.ds(base, C)],
                                 semw)
                pltpu.async_copy(en_v[b], agg_sh.at[dst_v[b]], semc[b],
                                 add=True)
            return 0
        lax.fori_loop(0, NCHUNK // 2, pair, 0)
        drain_eout()
        drain_scatter(0)
        drain_scatter(1)
        plsc.subcore_barrier()
        pltpu.sync_copy(agg_sh.at[pl.ds(sid * RPS, RPS)],
                        aggp_hbm.at[cid, pl.ds(sid * RPS, RPS)])

    return k



def kernel(x, edge_index, edge_attr, sender_params, receiver_params,
           edge_params, node_params):
    N, H = x.shape
    E = edge_attr.shape[0]
    src = edge_index[0]
    dst = edge_index[1]

    S, R = _mlp_rows(x, [sender_params, receiver_params], 1000)
    Z = _edge_mlp_z(edge_attr, edge_params, 3200)

    e_out, aggp = _sc_edges(N, E, H)(S, R, Z, src, dst)

    x_out = _node_mlp(x, aggp[:, :N], node_params, 1000)
    return (x_out, e_out)

# --- scband reference (transcript-rebuilt; emitter-appended) ---
"""Pipeline reference for scband-gn-block-59296318488577 (READ-ONLY COPY).

The authoritative reference and input builder live on the scoring server;
editing this copy changes nothing except your own understanding.
"""

import jax, jax.numpy as jnp
import numpy as np

N = 10000
E = 320000
H = 128


def init_mlp(key, in_size, hidden_size, out_size):
    sizes = [(in_size, hidden_size), (hidden_size, hidden_size), (hidden_size, hidden_size), (hidden_size, out_size)]
    keys = jax.random.split(key, len(sizes))
    params = []
    for k, (i, o) in zip(keys, sizes):
        W = jax.random.normal(k, (i, o), dtype=jnp.float32) * (1.0 / np.sqrt(i))
        b = jnp.zeros((o,), dtype=jnp.float32)
        params.append((W, b))
    return params


def mlp_apply(params, x):
    n = len(params)
    for i, (W, b) in enumerate(params):
        x = x @ W + b
        if i < n - 1:
            x = jax.nn.relu(x)
    return x


def setup_inputs(seed: int = 0):
    key = jax.random.key(seed)
    k = jax.random.split(key, 7)
    x = jax.random.normal(k[0], (N, H), dtype=jnp.float32)
    edge_attr = jax.random.normal(k[1], (E, H), dtype=jnp.float32)
    edge_index = jax.random.randint(k[2], (2, E), 0, N, dtype=jnp.int32)
    sender_params = init_mlp(k[3], H, H, H)
    receiver_params = init_mlp(k[4], H, H, H)
    edge_params = init_mlp(k[5], H, H, H)
    node_params = init_mlp(k[6], 2 * H, H, H)
    return {"x": x, "edge_index": edge_index, "edge_attr": edge_attr,
            "sender_params": sender_params, "receiver_params": receiver_params,
            "edge_params": edge_params, "node_params": node_params}


def reference(x, edge_index, edge_attr, sender_params, receiver_params, edge_params, node_params):
    # EdgeBlock: per-edge update combining transformed sender nodes, receiver nodes, and edge features
    src = edge_index[0]
    dst = edge_index[1]
    e_new = (mlp_apply(edge_params, edge_attr)
             + mlp_apply(sender_params, jnp.take(x, src, axis=0))
             + mlp_apply(receiver_params, jnp.take(x, dst, axis=0)))
    # NodeBlock: scatter-add aggregation of incoming edges, concat with node attr, MLP
    agg = jax.ops.segment_sum(e_new, dst, num_segments=x.shape[0])
    n_new = mlp_apply(node_params, jnp.concatenate([x, agg], axis=1))
    # residual connections from GnBlock.forward
    x_out = n_new + x
    e_out = e_new + edge_attr
    return (x_out, e_out)

if __name__ == "__main__":
    import jax
    _d = setup_inputs()
    print(jax.jit(kernel)(*tuple(_d.values())))

</pallas_src>

<mosaic_0001>
#map = affine_map<(d0, d1) -> (0, 0)>
#map1 = affine_map<(d0, d1) -> (0)>
#map2 = affine_map<(d0, d1) -> (0, 0, 0)>
module attributes {stable_mosaic.version = 14 : i64} {
  func.func @k(%arg0: i32, %arg1: i32, %arg2: memref<10000x128xf32, #tpu.memory_space<hbm>>, %arg3: memref<10000x128xf32, #tpu.memory_space<hbm>>, %arg4: memref<320000x128xi32, #tpu.memory_space<hbm>>, %arg5: memref<320000xi32, #tpu.memory_space<hbm>>, %arg6: memref<320000xi32, #tpu.memory_space<hbm>>, %arg7: memref<320000x128xf32, #tpu.memory_space<hbm>>, %arg8: memref<2x10240x128xf32, #tpu.memory_space<hbm>>, %arg9: memref<40xi32, #tpu.memory_space<vmem>>, %arg10: memref<40xi32, #tpu.memory_space<vmem>>, %arg11: memref<40xi32, #tpu.memory_space<vmem>>, %arg12: memref<40xi32, #tpu.memory_space<vmem>>, %arg13: memref<40x128xf32, #tpu.memory_space<vmem>>, %arg14: memref<40x128xf32, #tpu.memory_space<vmem>>, %arg15: memref<40x128xf32, #tpu.memory_space<vmem>>, %arg16: memref<40x128xf32, #tpu.memory_space<vmem>>, %arg17: memref<40x128xi32, #tpu.memory_space<vmem>>, %arg18: memref<40x128xi32, #tpu.memory_space<vmem>>, %arg19: memref<40x128xf32, #tpu.memory_space<vmem>>, %arg20: memref<40x128xf32, #tpu.memory_space<vmem>>, %arg21: memref<40x128xf32, #tpu.memory_space<vmem>>, %arg22: memref<10240x128xf32, #tpu.memory_space<vmem_shared>>, %arg23: memref<!tpu.dma_semaphore, #tpu.memory_space<semaphore_mem>>, %arg24: memref<!tpu.dma_semaphore, #tpu.memory_space<semaphore_mem>>, %arg25: memref<!tpu.dma_semaphore, #tpu.memory_space<semaphore_mem>>, %arg26: memref<!tpu.dma_semaphore, #tpu.memory_space<semaphore_mem>>, %arg27: memref<!tpu.dma_semaphore, #tpu.memory_space<semaphore_mem>>, %arg28: memref<!tpu.dma_semaphore, #tpu.memory_space<semaphore_mem>>, %arg29: memref<!tpu.dma_semaphore, #tpu.memory_space<semaphore_mem>>, %arg30: memref<!tpu.dma_semaphore, #tpu.memory_space<semaphore_mem>>, %arg31: memref<!tpu.dma_semaphore, #tpu.memory_space<semaphore_mem>>) attributes {dimension_semantics = [#tpu.dimension_semantics<core_parallel>, #tpu.dimension_semantics<subcore_parallel>], iteration_bounds = array<i64: 2, 16>, scalar_prefetch = 0 : i64, scratch_operands = 23 : i64, tpu.core_type = #tpu.core_type<sc_vector_subcore>, window_params = [{transform_indices = #map}, {transform_indices = #map}, {transform_indices = #map}, {transform_indices = #map1}, {transform_indices = #map1}, {transform_indices = #map}, {transform_indices = #map2}]} {
    %mul3A = arith.constant 2 : i32
    %mul3A_0 = arith.muli %arg1, %mul3A : i32
    %add3A = arith.addi %mul3A_0, %arg0 : i32
    %broadcast_in_dim3A = arith.constant 0.000000e+00 : f32
    %broadcast_in_dim3A_1 = vector.broadcast %broadcast_in_dim3A : f32 to vector<16xf32>
    %scan3A = arith.constant 0 : i32
    %scan3A_2 = arith.constant 0 : i32
    %scan3A_3 = arith.constant 40 : i32
    %scan3A_4 = arith.addi %scan3A_2, %scan3A_3 : i32
    %scan3A_5 = arith.constant 1 : i32
    %scan3A_6 = scf.for %scan3A_51 = %scan3A_2 to %scan3A_4 step %scan3A_5 iter_args(%scan3A_52 = %scan3A) -> (i32)  : i32 {
      %swap3A = arith.index_cast %scan3A_51 : i32 to index
      %swap3A_53 = arith.constant 0 : index
      %swap3A_54 = tpu.vector_load %arg21[%swap3A, %swap3A_53] {strides = array<i32>} : memref<40x128xf32, #tpu.memory_space<vmem>>, vector<1x16xf32>,
      %swap3A_55 = vector.shape_cast %swap3A_54 : vector<1x16xf32> to vector<16xf32>
      %swap3A_56 = vector.shape_cast %broadcast_in_dim3A_1 : vector<16xf32> to vector<1x16xf32>
      tpu.vector_store %arg21[%swap3A, %swap3A_53], %swap3A_56 {strides = array<i32>} : memref<40x128xf32, #tpu.memory_space<vmem>>, vector<1x16xf32>,
      %swap3A_57 = arith.index_cast %scan3A_51 : i32 to index
      %swap3A_58 = arith.constant 16 : index
      %swap3A_59 = tpu.vector_load %arg21[%swap3A_57, %swap3A_58] {strides = array<i32>} : memref<40x128xf32, #tpu.memory_space<vmem>>, vector<1x16xf32>,
      %swap3A_60 = vector.shape_cast %swap3A_59 : vector<1x16xf32> to vector<16xf32>
      %swap3A_61 = vector.shape_cast %broadcast_in_dim3A_1 : vector<16xf32> to vector<1x16xf32>
      tpu.vector_store %arg21[%swap3A_57, %swap3A_58], %swap3A_61 {strides = array<i32>} : memref<40x128xf32, #tpu.memory_space<vmem>>, vector<1x16xf32>,
      %swap3A_62 = arith.index_cast %scan3A_51 : i32 to index
      %swap3A_63 = arith.constant 32 : index
      %swap3A_64 = tpu.vector_load %arg21[%swap3A_62, %swap3A_63] {strides = array<i32>} : memref<40x128xf32, #tpu.memory_space<vmem>>, vector<1x16xf32>,
      %swap3A_65 = vector.shape_cast %swap3A_64 : vector<1x16xf32> to vector<16xf32>
      %swap3A_66 = vector.shape_cast %broadcast_in_dim3A_1 : vector<16xf32> to vector<1x16xf32>
      tpu.vector_store %arg21[%swap3A_62, %swap3A_63], %swap3A_66 {strides = array<i32>} : memref<40x128xf32, #tpu.memory_space<vmem>>, vector<1x16xf32>,
      %swap3A_67 = arith.index_cast %scan3A_51 : i32 to index
      %swap3A_68 = arith.constant 48 : index
      %swap3A_69 = tpu.vector_load %arg21[%swap3A_67, %swap3A_68] {strides = array<i32>} : memref<40x128xf32, #tpu.memory_space<vmem>>, vector<1x16xf32>,
      %swap3A_70 = vector.shape_cast %swap3A_69 : vector<1x16xf32> to vector<16xf32>
      %swap3A_71 = vector.shape_cast %broadcast_in_dim3A_1 : vector<16xf32> to vector<1x16xf32>
      tpu.vector_store %arg21[%swap3A_67, %swap3A_68], %swap3A_71 {strides = array<i32>} : memref<40x128xf32, #tpu.memory_space<vmem>>, vector<1x16xf32>,
      %swap3A_72 = arith.index_cast %scan3A_51 : i32 to index
      %swap3A_73 = arith.constant 64 : index
      %swap3A_74 = tpu.vector_load %arg21[%swap3A_72, %swap3A_73] {strides = array<i32>} : memref<40x128xf32, #tpu.memory_space<vmem>>, vector<1x16xf32>,
      %swap3A_75 = vector.shape_cast %swap3A_74 : vector<1x16xf32> to vector<16xf32>
      %swap3A_76 = vector.shape_cast %broadcast_in_dim3A_1 : vector<16xf32> to vector<1x16xf32>
      tpu.vector_store %arg21[%swap3A_72, %swap3A_73], %swap3A_76 {strides = array<i32>} : memref<40x128xf32, #tpu.memory_space<vmem>>, vector<1x16xf32>,
      %swap3A_77 = arith.index_cast %scan3A_51 : i32 to index
      %swap3A_78 = arith.constant 80 : index
      %swap3A_79 = tpu.vector_load %arg21[%swap3A_77, %swap3A_78] {strides = array<i32>} : memref<40x128xf32, #tpu.memory_space<vmem>>, vector<1x16xf32>,
      %swap3A_80 = vector.shape_cast %swap3A_79 : vector<1x16xf32> to vector<16xf32>
      %swap3A_81 = vector.shape_cast %broadcast_in_dim3A_1 : vector<16xf32> to vector<1x16xf32>
      tpu.vector_store %arg21[%swap3A_77, %swap3A_78], %swap3A_81 {strides = array<i32>} : memref<40x128xf32, #tpu.memory_space<vmem>>, vector<1x16xf32>,
      %swap3A_82 = arith.index_cast %scan3A_51 : i32 to index
      %swap3A_83 = arith.constant 96 : index
      %swap3A_84 = tpu.vector_load %arg21[%swap3A_82, %swap3A_83] {strides = array<i32>} : memref<40x128xf32, #tpu.memory_space<vmem>>, vector<1x16xf32>,
      %swap3A_85 = vector.shape_cast %swap3A_84 : vector<1x16xf32> to vector<16xf32>
      %swap3A_86 = vector.shape_cast %broadcast_in_dim3A_1 : vector<16xf32> to vector<1x16xf32>
      tpu.vector_store %arg21[%swap3A_82, %swap3A_83], %swap3A_86 {strides = array<i32>} : memref<40x128xf32, #tpu.memory_space<vmem>>, vector<1x16xf32>,
      %swap3A_87 = arith.index_cast %scan3A_51 : i32 to index
      %swap3A_88 = arith.constant 112 : index
      %swap3A_89 = tpu.vector_load %arg21[%swap3A_87, %swap3A_88] {strides = array<i32>} : memref<40x128xf32, #tpu.memory_space<vmem>>, vector<1x16xf32>,
      %swap3A_90 = vector.shape_cast %swap3A_89 : vector<1x16xf32> to vector<16xf32>
      %swap3A_91 = vector.shape_cast %broadcast_in_dim3A_1 : vector<16xf32> to vector<1x16xf32>
      tpu.vector_store %arg21[%swap3A_87, %swap3A_88], %swap3A_91 {strides = array<i32>} : memref<40x128xf32, #tpu.memory_space<vmem>>, vector<1x16xf32>,
      %scan3A_92 = arith.constant 0 : i32
      scf.yield %scan3A_92 : i32
    }
    %scan3A_7 = arith.constant 40 : i32
    %scan3A_8 = arith.constant 0 : i32
    %scan3A_9 = arith.constant 0 : i32
    %scan3A_10 = arith.constant 16 : i32
    %scan3A_11 = arith.addi %scan3A_9, %scan3A_10 : i32
    %scan3A_12 = arith.constant 1 : i32
    %scan3A_13 = scf.for %scan3A_51 = %scan3A_9 to %scan3A_11 step %scan3A_12 iter_args(%scan3A_52 = %scan3A_8) -> (i32)  : i32 {
      %mul3A_53 = arith.constant 640 : i32
      %mul3A_54 = arith.muli %arg1, %mul3A_53 : i32
      %mul3A_55 = arith.constant 40 : i32
      %mul3A_56 = arith.muli %scan3A_51, %mul3A_55 : i32
      %add3A_57 = arith.addi %mul3A_54, %mul3A_56 : i32
      "tpu.region"() ({
        %run_scoped3A = tpu.sem_alloc : memref<!tpu.dma_semaphore, #tpu.memory_space<semaphore_mem>>
        %dma_start3A_59 = arith.constant 0 : i32
        %dma_start3A_60 = tpu.memref_slice %arg22[%add3A_57, %dma_start3A_59] : memref<10240x128xf32, #tpu.memory_space<vmem_shared>> -> memref<40x128xf32, #tpu.memory_space<vmem_shared>>
        %dma_start3A_61 = arith.constant 0 : i32
        %dma_start3A_62 = tpu.memref_slice %arg22[%add3A_57, %dma_start3A_61] : memref<10240x128xf32, #tpu.memory_space<vmem_shared>> -> memref<40x128xf32, #tpu.memory_space<vmem_shared>>
        tpu.enqueue_dma source(%arg21 : memref<40x128xf32, #tpu.memory_space<vmem>>) target(%dma_start3A_62 : memref<40x128xf32, #tpu.memory_space<vmem_shared>>) target_semaphore(%run_scoped3A : memref<!tpu.dma_semaphore, #tpu.memory_space<semaphore_mem>>)
        %dma_wait3A_63 = arith.constant 0 : i32
        %dma_wait3A_64 = tpu.memref_slice %arg22[%add3A_57, %dma_wait3A_63] : memref<10240x128xf32, #tpu.memory_space<vmem_shared>> -> memref<40x128xf32, #tpu.memory_space<vmem_shared>>
        %dma_wait3A_65 = arith.constant 0 : i32
        %dma_wait3A_66 = tpu.memref_slice %arg22[%add3A_57, %dma_wait3A_65] : memref<10240x128xf32, #tpu.memory_space<vmem_shared>> -> memref<40x128xf32, #tpu.memory_space<vmem_shared>>
        tpu.wait_dma2 semaphore(%run_scoped3A : memref<!tpu.dma_semaphore, #tpu.memory_space<semaphore_mem>>) src(%arg21 : memref<40x128xf32, #tpu.memory_space<vmem>>) dst(%dma_wait3A_66 : memref<40x128xf32, #tpu.memory_space<vmem_shared>>)
        tpu.yield
      }) : () -> ()
      %scan3A_58 = arith.constant 0 : i32
      scf.yield %scan3A_58 : i32
    }
    %scan3A_14 = arith.constant 16 : i32
    %barrier3A = arith.constant 0 : index
    tpu.barrier barrier_id(%barrier3A)
    %mul3A_15 = arith.constant 10000 : i32
    %mul3A_16 = arith.muli %add3A, %mul3A_15 : i32
    %add3A_17 = arith.constant 0 : i32
    %add3A_18 = arith.addi %mul3A_16, %add3A_17 : i32
    "tpu.region"() ({
      %run_scoped3A = tpu.sem_alloc : memref<!tpu.dma_semaphore, #tpu.memory_space<semaphore_mem>>
      %dma_start3A_51 = tpu.memref_slice %arg5[%add3A_18] : memref<320000xi32, #tpu.memory_space<hbm>> -> memref<40xi32, #tpu.memory_space<hbm>>
      %dma_start3A_52 = tpu.memref_slice %arg5[%add3A_18] : memref<320000xi32, #tpu.memory_space<hbm>> -> memref<40xi32, #tpu.memory_space<hbm>>
      tpu.enqueue_dma source(%dma_start3A_52 : memref<40xi32, #tpu.memory_space<hbm>>) target(%arg9 : memref<40xi32, #tpu.memory_space<vmem>>) target_semaphore(%run_scoped3A : memref<!tpu.dma_semaphore, #tpu.memory_space<semaphore_mem>>)
      %dma_wait3A_53 = tpu.memref_slice %arg5[%add3A_18] : memref<320000xi32, #tpu.memory_space<hbm>> -> memref<40xi32, #tpu.memory_space<hbm>>
      %dma_wait3A_54 = tpu.memref_slice %arg5[%add3A_18] : memref<320000xi32, #tpu.memory_space<hbm>> -> memref<40xi32, #tpu.memory_space<hbm>>
      tpu.wait_dma2 semaphore(%run_scoped3A : memref<!tpu.dma_semaphore, #tpu.memory_space<semaphore_mem>>) src(%dma_wait3A_54 : memref<40xi32, #tpu.memory_space<hbm>>) dst(%arg9 : memref<40xi32, #tpu.memory_space<vmem>>)
      tpu.yield
    }) : () -> ()
    "tpu.region"() ({
      %run_scoped3A = tpu.sem_alloc : memref<!tpu.dma_semaphore, #tpu.memory_space<semaphore_mem>>
      %dma_start3A_51 = tpu.memref_slice %arg6[%add3A_18] : memref<320000xi32, #tpu.memory_space<hbm>> -> memref<40xi32, #tpu.memory_space<hbm>>
      %dma_start3A_52 = tpu.memref_slice %arg6[%add3A_18] : memref<320000xi32, #tpu.memory_space<hbm>> -> memref<40xi32, #tpu.memory_space<hbm>>
      tpu.enqueue_dma source(%dma_start3A_52 : memref<40xi32, #tpu.memory_space<hbm>>) target(%arg11 : memref<40xi32, #tpu.memory_space<vmem>>) target_semaphore(%run_scoped3A : memref<!tpu.dma_semaphore, #tpu.memory_space<semaphore_mem>>)
      %dma_wait3A_53 = tpu.memref_slice %arg6[%add3A_18] : memref<320000xi32, #tpu.memory_space<hbm>> -> memref<40xi32, #tpu.memory_space<hbm>>
      %dma_wait3A_54 = tpu.memref_slice %arg6[%add3A_18] : memref<320000xi32, #tpu.memory_space<hbm>> -> memref<40xi32, #tpu.memory_space<hbm>>
      tpu.wait_dma2 semaphore(%run_scoped3A : memref<!tpu.dma_semaphore, #tpu.memory_space<semaphore_mem>>) src(%dma_wait3A_54 : memref<40xi32, #tpu.memory_space<hbm>>) dst(%arg11 : memref<40xi32, #tpu.memory_space<vmem>>)
      tpu.yield
    }) : () -> ()
    %dma_start3A = arith.constant 0 : i32
    %dma_start3A_19 = arith.constant 0 : i32
    %dma_start3A_20 = tpu.memref_slice %arg2[%dma_start3A, %dma_start3A_19] : memref<10000x128xf32, #tpu.memory_space<hbm>> -> memref<10000x128xf32, #tpu.memory_space<hbm>>
    tpu.enqueue_indirect_dma source(%dma_start3A_20 : memref<10000x128xf32, #tpu.memory_space<hbm>>) target(%arg13 : memref<40x128xf32, #tpu.memory_space<vmem>>) offsets(%arg9 : memref<40xi32, #tpu.memory_space<vmem>>) semaphore(%arg23 : memref<!tpu.dma_semaphore, #tpu.memory_space<semaphore_mem>>)
    %dma_start3A_21 = arith.constant 0 : i32
    %dma_start3A_22 = arith.constant 0 : i32
    %dma_start3A_23 = tpu.memref_slice %arg3[%dma_start3A_21, %dma_start3A_22] : memref<10000x128xf32, #tpu.memory_space<hbm>> -> memref<10000x128xf32, #tpu.memory_space<hbm>>
    tpu.enqueue_indirect_dma source(%dma_start3A_23 : memref<10000x128xf32, #tpu.memory_space<hbm>>) target(%arg15 : memref<40x128xf32, #tpu.memory_space<vmem>>) offsets(%arg11 : memref<40xi32, #tpu.memory_space<vmem>>) semaphore(%arg25 : memref<!tpu.dma_semaphore, #tpu.memory_space<semaphore_mem>>)
    %dma_start3A_24 = arith.constant 0 : i32
    %dma_start3A_25 = tpu.memref_slice %arg4[%add3A_18, %dma_start3A_24] : memref<320000x128xi32, #tpu.memory_space<hbm>> -> memref<40x128xi32, #tpu.memory_space<hbm>>
    %dma_start3A_26 = arith.constant 0 : i32
    %dma_start3A_27 = tpu.memref_slice %arg4[%add3A_18, %dma_start3A_26] : memref<320000x128xi32, #tpu.memory_space<hbm>> -> memref<40x128xi32, #tpu.memory_space<hbm>>
    tpu.enqueue_dma source(%dma_start3A_27 : memref<40x128xi32, #tpu.memory_space<hbm>>) target(%arg17 : memref<40x128xi32, #tpu.memory_space<vmem>>) target_semaphore(%arg27 : memref<!tpu.dma_semaphore, #tpu.memory_space<semaphore_mem>>)
    %scan3A_28 = arith.constant 0 : i32
    %scan3A_29 = arith.constant 0 : i32
    %scan3A_30 = arith.constant 125 : i32
    %scan3A_31 = arith.addi %scan3A_29, %scan3A_30 : i32
    %scan3A_32 = arith.constant 1 : i32
    %scan3A_33 = scf.for %scan3A_51 = %scan3A_29 to %scan3A_31 step %scan3A_32 iter_args(%scan3A_52 = %scan3A_28) -> (i32)  : i32 {
      %mul3A_53 = arith.constant 2 : i32
      %mul3A_54 = arith.muli %scan3A_51, %mul3A_53 : i32
      %add3A_55 = arith.constant 0 : i32
      %add3A_56 = arith.addi %mul3A_54, %add3A_55 : i32
      %add3A_57 = arith.constant 1 : i32
      %add3A_58 = arith.addi %add3A_56, %add3A_57 : i32
      %lt3A = arith.constant 250 : i32
      %lt3A_59 = arith.cmpi slt, %add3A_58, %lt3A : i32
      %convert_element_type3A = arith.extui %lt3A_59 : i1 to i32
      %cond3A = arith.constant 0 : i32
      %cond3A_60 = arith.cmpi ne, %convert_element_type3A, %cond3A : i32
      scf.if %cond3A_60 {
        %ge3A_129 = arith.constant 1 : i32
        %ge3A_130 = arith.cmpi sge, %add3A_56, %ge3A_129 : i32
        %convert_element_type3A_131 = arith.extui %ge3A_130 : i1 to i32
        %cond3A_132 = arith.constant 0 : i32
        %cond3A_133 = arith.cmpi ne, %convert_element_type3A_131, %cond3A_132 : i32
        scf.if %cond3A_133 {
          %dma_wait3A_151 = arith.constant 0 : i32
          %dma_wait3A_152 = arith.constant 0 : i32
          %dma_wait3A_153 = tpu.memref_slice %arg22[%dma_wait3A_151, %dma_wait3A_152] : memref<10240x128xf32, #tpu.memory_space<vmem_shared>> -> memref<10240x128xf32, #tpu.memory_space<vmem_shared>>
          tpu.wait_indirect_dma semaphore(%arg31 : memref<!tpu.dma_semaphore, #tpu.memory_space<semaphore_mem>>) src(%arg20 : memref<40x128xf32, #tpu.memory_space<vmem>>) dst(%dma_wait3A_153 : memref<10240x128xf32, #tpu.memory_space<vmem_shared>>)
        } else {
        }
        %add3A_134 = arith.constant 1 : i32
        %add3A_135 = arith.addi %add3A_56, %add3A_134 : i32
        %mul3A_136 = arith.constant 10000 : i32
        %mul3A_137 = arith.muli %add3A, %mul3A_136 : i32
        %mul3A_138 = arith.constant 40 : i32
        %mul3A_139 = arith.muli %add3A_135, %mul3A_138 : i32
        %add3A_140 = arith.addi %mul3A_137, %mul3A_139 : i32
        "tpu.region"() ({
          %run_scoped3A = tpu.sem_alloc : memref<!tpu.dma_semaphore, #tpu.memory_space<semaphore_mem>>
          %dma_start3A_151 = tpu.memref_slice %arg5[%add3A_140] : memref<320000xi32, #tpu.memory_space<hbm>> -> memref<40xi32, #tpu.memory_space<hbm>>
          %dma_start3A_152 = tpu.memref_slice %arg5[%add3A_140] : memref<320000xi32, #tpu.memory_space<hbm>> -> memref<40xi32, #tpu.memory_space<hbm>>
          tpu.enqueue_dma source(%dma_start3A_152 : memref<40xi32, #tpu.memory_space<hbm>>) target(%arg10 : memref<40xi32, #tpu.memory_space<vmem>>) target_semaphore(%run_scoped3A : memref<!tpu.dma_semaphore, #tpu.memory_space<semaphore_mem>>)
          %dma_wait3A_153 = tpu.memref_slice %arg5[%add3A_140] : memref<320000xi32, #tpu.memory_space<hbm>> -> memref<40xi32, #tpu.memory_space<hbm>>
          %dma_wait3A_154 = tpu.memref_slice %arg5[%add3A_140] : memref<320000xi32, #tpu.memory_space<hbm>> -> memref<40xi32, #tpu.memory_space<hbm>>
          tpu.wait_dma2 semaphore(%run_scoped3A : memref<!tpu.dma_semaphore, #tpu.memory_space<semaphore_mem>>) src(%dma_wait3A_154 : memref<40xi32, #tpu.memory_space<hbm>>) dst(%arg10 : memref<40xi32, #tpu.memory_space<vmem>>)
          tpu.yield
        }) : () -> ()
        "tpu.region"() ({
          %run_scoped3A = tpu.sem_alloc : memref<!tpu.dma_semaphore, #tpu.memory_space<semaphore_mem>>
          %dma_start3A_151 = tpu.memref_slice %arg6[%add3A_140] : memref<320000xi32, #tpu.memory_space<hbm>> -> memref<40xi32, #tpu.memory_space<hbm>>
          %dma_start3A_152 = tpu.memref_slice %arg6[%add3A_140] : memref<320000xi32, #tpu.memory_space<hbm>> -> memref<40xi32, #tpu.memory_space<hbm>>
          tpu.enqueue_dma source(%dma_start3A_152 : memref<40xi32, #tpu.memory_space<hbm>>) target(%arg12 : memref<40xi32, #tpu.memory_space<vmem>>) target_semaphore(%run_scoped3A : memref<!tpu.dma_semaphore, #tpu.memory_space<semaphore_mem>>)
          %dma_wait3A_153 = tpu.memref_slice %arg6[%add3A_140] : memref<320000xi32, #tpu.memory_space<hbm>> -> memref<40xi32, #tpu.memory_space<hbm>>
          %dma_wait3A_154 = tpu.memref_slice %arg6[%add3A_140] : memref<320000xi32, #tpu.memory_space<hbm>> -> memref<40xi32, #tpu.memory_space<hbm>>
          tpu.wait_dma2 semaphore(%run_scoped3A : memref<!tpu.dma_semaphore, #tpu.memory_space<semaphore_mem>>) src(%dma_wait3A_154 : memref<40xi32, #tpu.memory_space<hbm>>) dst(%arg12 : memref<40xi32, #tpu.memory_space<vmem>>)
          tpu.yield
        }) : () -> ()
        %dma_start3A_141 = arith.constant 0 : i32
        %dma_start3A_142 = arith.constant 0 : i32
        %dma_start3A_143 = tpu.memref_slice %arg2[%dma_start3A_141, %dma_start3A_142] : memref<10000x128xf32, #tpu.memory_space<hbm>> -> memref<10000x128xf32, #tpu.memory_space<hbm>>
        tpu.enqueue_indirect_dma source(%dma_start3A_143 : memref<10000x128xf32, #tpu.memory_space<hbm>>) target(%arg14 : memref<40x128xf32, #tpu.memory_space<vmem>>) offsets(%arg10 : memref<40xi32, #tpu.memory_space<vmem>>) semaphore(%arg24 : memref<!tpu.dma_semaphore, #tpu.memory_space<semaphore_mem>>)
        %dma_start3A_144 = arith.constant 0 : i32
        %dma_start3A_145 = arith.constant 0 : i32
        %dma_start3A_146 = tpu.memref_slice %arg3[%dma_start3A_144, %dma_start3A_145] : memref<10000x128xf32, #tpu.memory_space<hbm>> -> memref<10000x128xf32, #tpu.memory_space<hbm>>
        tpu.enqueue_indirect_dma source(%dma_start3A_146 : memref<10000x128xf32, #tpu.memory_space<hbm>>) target(%arg16 : memref<40x128xf32, #tpu.memory_space<vmem>>) offsets(%arg12 : memref<40xi32, #tpu.memory_space<vmem>>) semaphore(%arg26 : memref<!tpu.dma_semaphore, #tpu.memory_space<semaphore_mem>>)
        %dma_start3A_147 = arith.constant 0 : i32
        %dma_start3A_148 = tpu.memref_slice %arg4[%add3A_140, %dma_start3A_147] : memref<320000x128xi32, #tpu.memory_space<hbm>> -> memref<40x128xi32, #tpu.memory_space<hbm>>
        %dma_start3A_149 = arith.constant 0 : i32
        %dma_start3A_150 = tpu.memref_slice %arg4[%add3A_140, %dma_start3A_149] : memref<320000x128xi32, #tpu.memory_space<hbm>> -> memref<40x128xi32, #tpu.memory_space<hbm>>
        tpu.enqueue_dma source(%dma_start3A_150 : memref<40x128xi32, #tpu.memory_space<hbm>>) target(%arg18 : memref<40x128xi32, #tpu.memory_space<vmem>>) target_semaphore(%arg28 : memref<!tpu.dma_semaphore, #tpu.memory_space<semaphore_mem>>)
      } else {
      }
      %dma_wait3A_61 = arith.constant 0 : i32
      %dma_wait3A_62 = arith.constant 0 : i32
      %dma_wait3A_63 = tpu.memref_slice %arg2[%dma_wait3A_61, %dma_wait3A_62] : memref<10000x128xf32, #tpu.memory_space<hbm>> -> memref<10000x128xf32, #tpu.memory_space<hbm>>
      tpu.wait_indirect_dma semaphore(%arg23 : memref<!tpu.dma_semaphore, #tpu.memory_space<semaphore_mem>>) src(%dma_wait3A_63 : memref<10000x128xf32, #tpu.memory_space<hbm>>) dst(%arg13 : memref<40x128xf32, #tpu.memory_space<vmem>>)
      %dma_wait3A_64 = arith.constant 0 : i32
      %dma_wait3A_65 = arith.constant 0 : i32
      %dma_wait3A_66 = tpu.memref_slice %arg3[%dma_wait3A_64, %dma_wait3A_65] : memref<10000x128xf32, #tpu.memory_space<hbm>> -> memref<10000x128xf32, #tpu.memory_space<hbm>>
      tpu.wait_indirect_dma semaphore(%arg25 : memref<!tpu.dma_semaphore, #tpu.memory_space<semaphore_mem>>) src(%dma_wait3A_66 : memref<10000x128xf32, #tpu.memory_space<hbm>>) dst(%arg15 : memref<40x128xf32, #tpu.memory_space<vmem>>)
      %mul3A_67 = arith.constant 10000 : i32
      %mul3A_68 = arith.muli %add3A, %mul3A_67 : i32
      %mul3A_69 = arith.constant 40 : i32
      %mul3A_70 = arith.muli %add3A_56, %mul3A_69 : i32
      %add3A_71 = arith.addi %mul3A_68, %mul3A_70 : i32
      %dma_wait3A_72 = arith.constant 0 : i32
      %dma_wait3A_73 = tpu.memref_slice %arg4[%add3A_71, %dma_wait3A_72] : memref<320000x128xi32, #tpu.memory_space<hbm>> -> memref<40x128xi32, #tpu.memory_space<hbm>>
      %dma_wait3A_74 = arith.constant 0 : i32
      %dma_wait3A_75 = tpu.memref_slice %arg4[%add3A_71, %dma_wait3A_74] : memref<320000x128xi32, #tpu.memory_space<hbm>> -> memref<40x128xi32, #tpu.memory_space<hbm>>
      tpu.wait_dma2 semaphore(%arg27 : memref<!tpu.dma_semaphore, #tpu.memory_space<semaphore_mem>>) src(%dma_wait3A_75 : memref<40x128xi32, #tpu.memory_space<hbm>>) dst(%arg17 : memref<40x128xi32, #tpu.memory_space<vmem>>)
      %ge3A = arith.constant 1 : i32
      %ge3A_76 = arith.cmpi sge, %add3A_56, %ge3A : i32
      %convert_element_type3A_77 = arith.extui %ge3A_76 : i1 to i32
      %cond3A_78 = arith.constant 0 : i32
      %cond3A_79 = arith.cmpi ne, %convert_element_type3A_77, %cond3A_78 : i32
      scf.if %cond3A_79 {
        %dma_wait3A_129 = arith.constant 0 : i32
        %dma_wait3A_130 = arith.constant 0 : i32
        %dma_wait3A_131 = tpu.memref_slice %arg7[%dma_wait3A_129, %dma_wait3A_130] : memref<320000x128xf32, #tpu.memory_space<hbm>> -> memref<40x128xf32, #tpu.memory_space<hbm>>
        %dma_wait3A_132 = arith.constant 0 : i32
        %dma_wait3A_133 = arith.constant 0 : i32
        %dma_wait3A_134 = tpu.memref_slice %arg7[%dma_wait3A_132, %dma_wait3A_133] : memref<320000x128xf32, #tpu.memory_space<hbm>> -> memref<40x128xf32, #tpu.memory_space<hbm>>
        tpu.wait_dma2 semaphore(%arg29 : memref<!tpu.dma_semaphore, #tpu.memory_space<semaphore_mem>>) src(%arg21 : memref<40x128xf32, #tpu.memory_space<vmem>>) dst(%dma_wait3A_134 : memref<40x128xf32, #tpu.memory_space<hbm>>)
      } else {
      }
      %parallel_loop3A = arith.constant 0 : i32
      %parallel_loop3A_80 = arith.constant 40 : i32
      %parallel_loop3A_81 = arith.constant 1 : i32
      scf.for %parallel_loop3A_129 = %parallel_loop3A to %parallel_loop3A_80 step %parallel_loop3A_81  : i32 {
        %parallel_loop3A_130 = arith.index_cast %parallel_loop3A_129 : i32 to index
        %parallel_loop3A_131 = arith.constant 0 : index
        %parallel_loop3A_132 = tpu.vector_load %arg17[%parallel_loop3A_130, %parallel_loop3A_131] {strides = array<i32>} : memref<40x128xi32, #tpu.memory_space<vmem>>, vector<1x16xi32>,
        %parallel_loop3A_133 = vector.shape_cast %parallel_loop3A_132 : vector<1x16xi32> to vector<16xi32>
        %parallel_loop3A_134 = arith.constant 16 : i32
        %parallel_loop3A_135 = vector.broadcast %parallel_loop3A_134 : i32 to vector<16xi32>
        %parallel_loop3A_136 = arith.shli %parallel_loop3A_133, %parallel_loop3A_135 : vector<16xi32>
        %parallel_loop3A_137 = tpu.bitcast %parallel_loop3A_136 : vector<16xi32> -> vector<16xf32>
        %parallel_loop3A_138 = arith.index_cast %parallel_loop3A_129 : i32 to index
        %parallel_loop3A_139 = arith.constant 0 : index
        %parallel_loop3A_140 = tpu.vector_load %arg13[%parallel_loop3A_138, %parallel_loop3A_139] {strides = array<i32>} : memref<40x128xf32, #tpu.memory_space<vmem>>, vector<1x16xf32>,
        %parallel_loop3A_141 = vector.shape_cast %parallel_loop3A_140 : vector<1x16xf32> to vector<16xf32>
        %parallel_loop3A_142 = arith.index_cast %parallel_loop3A_129 : i32 to index
        %parallel_loop3A_143 = arith.constant 0 : index
        %parallel_loop3A_144 = tpu.vector_load %arg15[%parallel_loop3A_142, %parallel_loop3A_143] {strides = array<i32>} : memref<40x128xf32, #tpu.memory_space<vmem>>, vector<1x16xf32>,
        %parallel_loop3A_145 = vector.shape_cast %parallel_loop3A_144 : vector<1x16xf32> to vector<16xf32>
        %parallel_loop3A_146 = arith.addf %parallel_loop3A_141, %parallel_loop3A_145 : vector<16xf32>
        %parallel_loop3A_147 = arith.addf %parallel_loop3A_137, %parallel_loop3A_146 : vector<16xf32>
        %parallel_loop3A_148 = arith.index_cast %parallel_loop3A_129 : i32 to index
        %parallel_loop3A_149 = arith.constant 0 : index
        %parallel_loop3A_150 = tpu.vector_load %arg19[%parallel_loop3A_148, %parallel_loop3A_149] {strides = array<i32>} : memref<40x128xf32, #tpu.memory_space<vmem>>, vector<1x16xf32>,
        %parallel_loop3A_151 = vector.shape_cast %parallel_loop3A_150 : vector<1x16xf32> to vector<16xf32>
        %parallel_loop3A_152 = vector.shape_cast %parallel_loop3A_147 : vector<16xf32> to vector<1x16xf32>
        tpu.vector_store %arg19[%parallel_loop3A_148, %parallel_loop3A_149], %parallel_loop3A_152 {strides = array<i32>} : memref<40x128xf32, #tpu.memory_space<vmem>>, vector<1x16xf32>,
        %parallel_loop3A_153 = arith.constant -65536 : i32
        %parallel_loop3A_154 = vector.broadcast %parallel_loop3A_153 : i32 to vector<16xi32>
        %parallel_loop3A_155 = arith.andi %parallel_loop3A_133, %parallel_loop3A_154 : vector<16xi32>
        %parallel_loop3A_156 = tpu.bitcast %parallel_loop3A_155 : vector<16xi32> -> vector<16xf32>
        %parallel_loop3A_157 = arith.addf %parallel_loop3A_147, %parallel_loop3A_156 : vector<16xf32>
        %parallel_loop3A_158 = arith.index_cast %parallel_loop3A_129 : i32 to index
        %parallel_loop3A_159 = arith.constant 0 : index
        %parallel_loop3A_160 = tpu.vector_load %arg21[%parallel_loop3A_158, %parallel_loop3A_159] {strides = array<i32>} : memref<40x128xf32, #tpu.memory_space<vmem>>, vector<1x16xf32>,
        %parallel_loop3A_161 = vector.shape_cast %parallel_loop3A_160 : vector<1x16xf32> to vector<16xf32>
        %parallel_loop3A_162 = vector.shape_cast %parallel_loop3A_157 : vector<16xf32> to vector<1x16xf32>
        tpu.vector_store %arg21[%parallel_loop3A_158, %parallel_loop3A_159], %parallel_loop3A_162 {strides = array<i32>} : memref<40x128xf32, #tpu.memory_space<vmem>>, vector<1x16xf32>,
        %parallel_loop3A_163 = arith.index_cast %parallel_loop3A_129 : i32 to index
        %parallel_loop3A_164 = arith.constant 16 : index
        %parallel_loop3A_165 = tpu.vector_load %arg17[%parallel_loop3A_163, %parallel_loop3A_164] {strides = array<i32>} : memref<40x128xi32, #tpu.memory_space<vmem>>, vector<1x16xi32>,
        %parallel_loop3A_166 = vector.shape_cast %parallel_loop3A_165 : vector<1x16xi32> to vector<16xi32>
        %parallel_loop3A_167 = arith.constant 16 : i32
        %parallel_loop3A_168 = vector.broadcast %parallel_loop3A_167 : i32 to vector<16xi32>
        %parallel_loop3A_169 = arith.shli %parallel_loop3A_166, %parallel_loop3A_168 : vector<16xi32>
        %parallel_loop3A_170 = tpu.bitcast %parallel_loop3A_169 : vector<16xi32> -> vector<16xf32>
        %parallel_loop3A_171 = arith.index_cast %parallel_loop3A_129 : i32 to index
        %parallel_loop3A_172 = arith.constant 16 : index
        %parallel_loop3A_173 = tpu.vector_load %arg13[%parallel_loop3A_171, %parallel_loop3A_172] {strides = array<i32>} : memref<40x128xf32, #tpu.memory_space<vmem>>, vector<1x16xf32>,
        %parallel_loop3A_174 = vector.shape_cast %parallel_loop3A_173 : vector<1x16xf32> to vector<16xf32>
        %parallel_loop3A_175 = arith.index_cast %parallel_loop3A_129 : i32 to index
        %parallel_loop3A_176 = arith.constant 16 : index
        %parallel_loop3A_177 = tpu.vector_load %arg15[%parallel_loop3A_175, %parallel_loop3A_176] {strides = array<i32>} : memref<40x128xf32, #tpu.memory_space<vmem>>, vector<1x16xf32>,
        %parallel_loop3A_178 = vector.shape_cast %parallel_loop3A_177 : vector<1x16xf32> to vector<16xf32>
        %parallel_loop3A_179 = arith.addf %parallel_loop3A_174, %parallel_loop3A_178 : vector<16xf32>
        %parallel_loop3A_180 = arith.addf %parallel_loop3A_170, %parallel_loop3A_179 : vector<16xf32>
        %parallel_loop3A_181 = arith.index_cast %parallel_loop3A_129 : i32 to index
        %parallel_loop3A_182 = arith.constant 16 : index
        %parallel_loop3A_183 = tpu.vector_load %arg19[%parallel_loop3A_181, %parallel_loop3A_182] {strides = array<i32>} : memref<40x128xf32, #tpu.memory_space<vmem>>, vector<1x16xf32>,
        %parallel_loop3A_184 = vector.shape_cast %parallel_loop3A_183 : vector<1x16xf32> to vector<16xf32>
        %parallel_loop3A_185 = vector.shape_cast %parallel_loop3A_180 : vector<16xf32> to vector<1x16xf32>
        tpu.vector_store %arg19[%parallel_loop3A_181, %parallel_loop3A_182], %parallel_loop3A_185 {strides = array<i32>} : memref<40x128xf32, #tpu.memory_space<vmem>>, vector<1x16xf32>,
        %parallel_loop3A_186 = arith.constant -65536 : i32
        %parallel_loop3A_187 = vector.broadcast %parallel_loop3A_186 : i32 to vector<16xi32>
        %parallel_loop3A_188 = arith.andi %parallel_loop3A_166, %parallel_loop3A_187 : vector<16xi32>
        %parallel_loop3A_189 = tpu.bitcast %parallel_loop3A_188 : vector<16xi32> -> vector<16xf32>
        %parallel_loop3A_190 = arith.addf %parallel_loop3A_180, %parallel_loop3A_189 : vector<16xf32>
        %parallel_loop3A_191 = arith.index_cast %parallel_loop3A_129 : i32 to index
        %parallel_loop3A_192 = arith.constant 16 : index
        %parallel_loop3A_193 = tpu.vector_load %arg21[%parallel_loop3A_191, %parallel_loop3A_192] {strides = array<i32>} : memref<40x128xf32, #tpu.memory_space<vmem>>, vector<1x16xf32>,
        %parallel_loop3A_194 = vector.shape_cast %parallel_loop3A_193 : vector<1x16xf32> to vector<16xf32>
        %parallel_loop3A_195 = vector.shape_cast %parallel_loop3A_190 : vector<16xf32> to vector<1x16xf32>
        tpu.vector_store %arg21[%parallel_loop3A_191, %parallel_loop3A_192], %parallel_loop3A_195 {strides = array<i32>} : memref<40x128xf32, #tpu.memory_space<vmem>>, vector<1x16xf32>,
        %parallel_loop3A_196 = arith.index_cast %parallel_loop3A_129 : i32 to index
        %parallel_loop3A_197 = arith.constant 32 : index
        %parallel_loop3A_198 = tpu.vector_load %arg17[%parallel_loop3A_196, %parallel_loop3A_197] {strides = array<i32>} : memref<40x128xi32, #tpu.memory_space<vmem>>, vector<1x16xi32>,
        %parallel_loop3A_199 = vector.shape_cast %parallel_loop3A_198 : vector<1x16xi32> to vector<16xi32>
        %parallel_loop3A_200 = arith.constant 16 : i32
        %parallel_loop3A_201 = vector.broadcast %parallel_loop3A_200 : i32 to vector<16xi32>
        %parallel_loop3A_202 = arith.shli %parallel_loop3A_199, %parallel_loop3A_201 : vector<16xi32>
        %parallel_loop3A_203 = tpu.bitcast %parallel_loop3A_202 : vector<16xi32> -> vector<16xf32>
        %parallel_loop3A_204 = arith.index_cast %parallel_loop3A_129 : i32 to index
        %parallel_loop3A_205 = arith.constant 32 : index
        %parallel_loop3A_206 = tpu.vector_load %arg13[%parallel_loop3A_204, %parallel_loop3A_205] {strides = array<i32>} : memref<40x128xf32, #tpu.memory_space<vmem>>, vector<1x16xf32>,
        %parallel_loop3A_207 = vector.shape_cast %parallel_loop3A_206 : vector<1x16xf32> to vector<16xf32>
        %parallel_loop3A_208 = arith.index_cast %parallel_loop3A_129 : i32 to index
        %parallel_loop3A_209 = arith.constant 32 : index
        %parallel_loop3A_210 = tpu.vector_load %arg15[%parallel_loop3A_208, %parallel_loop3A_209] {strides = array<i32>} : memref<40x128xf32, #tpu.memory_space<vmem>>, vector<1x16xf32>,
        %parallel_loop3A_211 = vector.shape_cast %parallel_loop3A_210 : vector<1x16xf32> to vector<16xf32>
        %parallel_loop3A_212 = arith.addf %parallel_loop3A_207, %parallel_loop3A_211 : vector<16xf32>
        %parallel_loop3A_213 = arith.addf %parallel_loop3A_203, %parallel_loop3A_212 : vector<16xf32>
        %parallel_loop3A_214 = arith.index_cast %parallel_loop3A_129 : i32 to index
        %parallel_loop3A_215 = arith.constant 32 : index
        %parallel_loop3A_216 = tpu.vector_load %arg19[%parallel_loop3A_214, %parallel_loop3A_215] {strides = array<i32>} : memref<40x128xf32, #tpu.memory_space<vmem>>, vector<1x16xf32>,
        %parallel_loop3A_217 = vector.shape_cast %parallel_loop3A_216 : vector<1x16xf32> to vector<16xf32>
        %parallel_loop3A_218 = vector.shape_cast %parallel_loop3A_213 : vector<16xf32> to vector<1x16xf32>
        tpu.vector_store %arg19[%parallel_loop3A_214, %parallel_loop3A_215], %parallel_loop3A_218 {strides = array<i32>} : memref<40x128xf32, #tpu.memory_space<vmem>>, vector<1x16xf32>,
        %parallel_loop3A_219 = arith.constant -65536 : i32
        %parallel_loop3A_220 = vector.broadcast %parallel_loop3A_219 : i32 to vector<16xi32>
        %parallel_loop3A_221 = arith.andi %parallel_loop3A_199, %parallel_loop3A_220 : vector<16xi32>
        %parallel_loop3A_222 = tpu.bitcast %parallel_loop3A_221 : vector<16xi32> -> vector<16xf32>
        %parallel_loop3A_223 = arith.addf %parallel_loop3A_213, %parallel_loop3A_222 : vector<16xf32>
        %parallel_loop3A_224 = arith.index_cast %parallel_loop3A_129 : i32 to index
        %parallel_loop3A_225 = arith.constant 32 : index
        %parallel_loop3A_226 = tpu.vector_load %arg21[%parallel_loop3A_224, %parallel_loop3A_225] {strides = array<i32>} : memref<40x128xf32, #tpu.memory_space<vmem>>, vector<1x16xf32>,
        %parallel_loop3A_227 = vector.shape_cast %parallel_loop3A_226 : vector<1x16xf32> to vector<16xf32>
        %parallel_loop3A_228 = vector.shape_cast %parallel_loop3A_223 : vector<16xf32> to vector<1x16xf32>
        tpu.vector_store %arg21[%parallel_loop3A_224, %parallel_loop3A_225], %parallel_loop3A_228 {strides = array<i32>} : memref<40x128xf32, #tpu.memory_space<vmem>>, vector<1x16xf32>,
        %parallel_loop3A_229 = arith.index_cast %parallel_loop3A_129 : i32 to index
        %parallel_loop3A_230 = arith.constant 48 : index
        %parallel_loop3A_231 = tpu.vector_load %arg17[%parallel_loop3A_229, %parallel_loop3A_230] {strides = array<i32>} : memref<40x128xi32, #tpu.memory_space<vmem>>, vector<1x16xi32>,
        %parallel_loop3A_232 = vector.shape_cast %parallel_loop3A_231 : vector<1x16xi32> to vector<16xi32>
        %parallel_loop3A_233 = arith.constant 16 : i32
        %parallel_loop3A_234 = vector.broadcast %parallel_loop3A_233 : i32 to vector<16xi32>
        %parallel_loop3A_235 = arith.shli %parallel_loop3A_232, %parallel_loop3A_234 : vector<16xi32>
        %parallel_loop3A_236 = tpu.bitcast %parallel_loop3A_235 : vector<16xi32> -> vector<16xf32>
        %parallel_loop3A_237 = arith.index_cast %parallel_loop3A_129 : i32 to index
        %parallel_loop3A_238 = arith.constant 48 : index
        %parallel_loop3A_239 = tpu.vector_load %arg13[%parallel_loop3A_237, %parallel_loop3A_238] {strides = array<i32>} : memref<40x128xf32, #tpu.memory_space<vmem>>, vector<1x16xf32>,
        %parallel_loop3A_240 = vector.shape_cast %parallel_loop3A_239 : vector<1x16xf32> to vector<16xf32>
        %parallel_loop3A_241 = arith.index_cast %parallel_loop3A_129 : i32 to index
        %parallel_loop3A_242 = arith.constant 48 : index
        %parallel_loop3A_243 = tpu.vector_load %arg15[%parallel_loop3A_241, %parallel_loop3A_242] {strides = array<i32>} : memref<40x128xf32, #tpu.memory_space<vmem>>, vector<1x16xf32>,
        %parallel_loop3A_244 = vector.shape_cast %parallel_loop3A_243 : vector<1x16xf32> to vector<16xf32>
        %parallel_loop3A_245 = arith.addf %parallel_loop3A_240, %parallel_loop3A_244 : vector<16xf32>
        %parallel_loop3A_246 = arith.addf %parallel_loop3A_236, %parallel_loop3A_245 : vector<16xf32>
        %parallel_loop3A_247 = arith.index_cast %parallel_loop3A_129 : i32 to index
        %parallel_loop3A_248 = arith.constant 48 : index
        %parallel_loop3A_249 = tpu.vector_load %arg19[%parallel_loop3A_247, %parallel_loop3A_248] {strides = array<i32>} : memref<40x128xf32, #tpu.memory_space<vmem>>, vector<1x16xf32>,
        %parallel_loop3A_250 = vector.shape_cast %parallel_loop3A_249 : vector<1x16xf32> to vector<16xf32>
        %parallel_loop3A_251 = vector.shape_cast %parallel_loop3A_246 : vector<16xf32> to vector<1x16xf32>
        tpu.vector_store %arg19[%parallel_loop3A_247, %parallel_loop3A_248], %parallel_loop3A_251 {strides = array<i32>} : memref<40x128xf32, #tpu.memory_space<vmem>>, vector<1x16xf32>,
        %parallel_loop3A_252 = arith.constant -65536 : i32
        %parallel_loop3A_253 = vector.broadcast %parallel_loop3A_252 : i32 to vector<16xi32>
        %parallel_loop3A_254 = arith.andi %parallel_loop3A_232, %parallel_loop3A_253 : vector<16xi32>
        %parallel_loop3A_255 = tpu.bitcast %parallel_loop3A_254 : vector<16xi32> -> vector<16xf32>
        %parallel_loop3A_256 = arith.addf %parallel_loop3A_246, %parallel_loop3A_255 : vector<16xf32>
        %parallel_loop3A_257 = arith.index_cast %parallel_loop3A_129 : i32 to index
        %parallel_loop3A_258 = arith.constant 48 : index
        %parallel_loop3A_259 = tpu.vector_load %arg21[%parallel_loop3A_257, %parallel_loop3A_258] {strides = array<i32>} : memref<40x128xf32, #tpu.memory_space<vmem>>, vector<1x16xf32>,
        %parallel_loop3A_260 = vector.shape_cast %parallel_loop3A_259 : vector<1x16xf32> to vector<16xf32>
        %parallel_loop3A_261 = vector.shape_cast %parallel_loop3A_256 : vector<16xf32> to vector<1x16xf32>
        tpu.vector_store %arg21[%parallel_loop3A_257, %parallel_loop3A_258], %parallel_loop3A_261 {strides = array<i32>} : memref<40x128xf32, #tpu.memory_space<vmem>>, vector<1x16xf32>,
        %parallel_loop3A_262 = arith.index_cast %parallel_loop3A_129 : i32 to index
        %parallel_loop3A_263 = arith.constant 64 : index
        %parallel_loop3A_264 = tpu.vector_load %arg17[%parallel_loop3A_262, %parallel_loop3A_263] {strides = array<i32>} : memref<40x128xi32, #tpu.memory_space<vmem>>, vector<1x16xi32>,
        %parallel_loop3A_265 = vector.shape_cast %parallel_loop3A_264 : vector<1x16xi32> to vector<16xi32>
        %parallel_loop3A_266 = arith.constant 16 : i32
        %parallel_loop3A_267 = vector.broadcast %parallel_loop3A_266 : i32 to vector<16xi32>
        %parallel_loop3A_268 = arith.shli %parallel_loop3A_265, %parallel_loop3A_267 : vector<16xi32>
        %parallel_loop3A_269 = tpu.bitcast %parallel_loop3A_268 : vector<16xi32> -> vector<16xf32>
        %parallel_loop3A_270 = arith.index_cast %parallel_loop3A_129 : i32 to index
        %parallel_loop3A_271 = arith.constant 64 : index
        %parallel_loop3A_272 = tpu.vector_load %arg13[%parallel_loop3A_270, %parallel_loop3A_271] {strides = array<i32>} : memref<40x128xf32, #tpu.memory_space<vmem>>, vector<1x16xf32>,
        %parallel_loop3A_273 = vector.shape_cast %parallel_loop3A_272 : vector<1x16xf32> to vector<16xf32>
        %parallel_loop3A_274 = arith.index_cast %parallel_loop3A_129 : i32 to index
        %parallel_loop3A_275 = arith.constant 64 : index
        %parallel_loop3A_276 = tpu.vector_load %arg15[%parallel_loop3A_274, %parallel_loop3A_275] {strides = array<i32>} : memref<40x128xf32, #tpu.memory_space<vmem>>, vector<1x16xf32>,
        %parallel_loop3A_277 = vector.shape_cast %parallel_loop3A_276 : vector<1x16xf32> to vector<16xf32>
        %parallel_loop3A_278 = arith.addf %parallel_loop3A_273, %parallel_loop3A_277 : vector<16xf32>
        %parallel_loop3A_279 = arith.addf %parallel_loop3A_269, %parallel_loop3A_278 : vector<16xf32>
        %parallel_loop3A_280 = arith.index_cast %parallel_loop3A_129 : i32 to index
        %parallel_loop3A_281 = arith.constant 64 : index
        %parallel_loop3A_282 = tpu.vector_load %arg19[%parallel_loop3A_280, %parallel_loop3A_281] {strides = array<i32>} : memref<40x128xf32, #tpu.memory_space<vmem>>, vector<1x16xf32>,
        %parallel_loop3A_283 = vector.shape_cast %parallel_loop3A_282 : vector<1x16xf32> to vector<16xf32>
        %parallel_loop3A_284 = vector.shape_cast %parallel_loop3A_279 : vector<16xf32> to vector<1x16xf32>
        tpu.vector_store %arg19[%parallel_loop3A_280, %parallel_loop3A_281], %parallel_loop3A_284 {strides = array<i32>} : memref<40x128xf32, #tpu.memory_space<vmem>>, vector<1x16xf32>,
        %parallel_loop3A_285 = arith.constant -65536 : i32
        %parallel_loop3A_286 = vector.broadcast %parallel_loop3A_285 : i32 to vector<16xi32>
        %parallel_loop3A_287 = arith.andi %parallel_loop3A_265, %parallel_loop3A_286 : vector<16xi32>
        %parallel_loop3A_288 = tpu.bitcast %parallel_loop3A_287 : vector<16xi32> -> vector<16xf32>
        %parallel_loop3A_289 = arith.addf %parallel_loop3A_279, %parallel_loop3A_288 : vector<16xf32>
        %parallel_loop3A_290 = arith.index_cast %parallel_loop3A_129 : i32 to index
        %parallel_loop3A_291 = arith.constant 64 : index
        %parallel_loop3A_292 = tpu.vector_load %arg21[%parallel_loop3A_290, %parallel_loop3A_291] {strides = array<i32>} : memref<40x128xf32, #tpu.memory_space<vmem>>, vector<1x16xf32>,
        %parallel_loop3A_293 = vector.shape_cast %parallel_loop3A_292 : vector<1x16xf32> to vector<16xf32>
        %parallel_loop3A_294 = vector.shape_cast %parallel_loop3A_289 : vector<16xf32> to vector<1x16xf32>
        tpu.vector_store %arg21[%parallel_loop3A_290, %parallel_loop3A_291], %parallel_loop3A_294 {strides = array<i32>} : memref<40x128xf32, #tpu.memory_space<vmem>>, vector<1x16xf32>,
        %parallel_loop3A_295 = arith.index_cast %parallel_loop3A_129 : i32 to index
        %parallel_loop3A_296 = arith.constant 80 : index
        %parallel_loop3A_297 = tpu.vector_load %arg17[%parallel_loop3A_295, %parallel_loop3A_296] {strides = array<i32>} : memref<40x128xi32, #tpu.memory_space<vmem>>, vector<1x16xi32>,
        %parallel_loop3A_298 = vector.shape_cast %parallel_loop3A_297 : vector<1x16xi32> to vector<16xi32>
        %parallel_loop3A_299 = arith.constant 16 : i32
        %parallel_loop3A_300 = vector.broadcast %parallel_loop3A_299 : i32 to vector<16xi32>
        %parallel_loop3A_301 = arith.shli %parallel_loop3A_298, %parallel_loop3A_300 : vector<16xi32>
        %parallel_loop3A_302 = tpu.bitcast %parallel_loop3A_301 : vector<16xi32> -> vector<16xf32>
        %parallel_loop3A_303 = arith.index_cast %parallel_loop3A_129 : i32 to index
        %parallel_loop3A_304 = arith.constant 80 : index
        %parallel_loop3A_305 = tpu.vector_load %arg13[%parallel_loop3A_303, %parallel_loop3A_304] {strides = array<i32>} : memref<40x128xf32, #tpu.memory_space<vmem>>, vector<1x16xf32>,
        %parallel_loop3A_306 = vector.shape_cast %parallel_loop3A_305 : vector<1x16xf32> to vector<16xf32>
        %parallel_loop3A_307 = arith.index_cast %parallel_loop3A_129 : i32 to index
        %parallel_loop3A_308 = arith.constant 80 : index
        %parallel_loop3A_309 = tpu.vector_load %arg15[%parallel_loop3A_307, %parallel_loop3A_308] {strides = array<i32>} : memref<40x128xf32, #tpu.memory_space<vmem>>, vector<1x16xf32>,
        %parallel_loop3A_310 = vector.shape_cast %parallel_loop3A_309 : vector<1x16xf32> to vector<16xf32>
        %parallel_loop3A_311 = arith.addf %parallel_loop3A_306, %parallel_loop3A_310 : vector<16xf32>
        %parallel_loop3A_312 = arith.addf %parallel_loop3A_302, %parallel_loop3A_311 : vector<16xf32>
        %parallel_loop3A_313 = arith.index_cast %parallel_loop3A_129 : i32 to index
        %parallel_loop3A_314 = arith.constant 80 : index
        %parallel_loop3A_315 = tpu.vector_load %arg19[%parallel_loop3A_313, %parallel_loop3A_314] {strides = array<i32>} : memref<40x128xf32, #tpu.memory_space<vmem>>, vector<1x16xf32>,
        %parallel_loop3A_316 = vector.shape_cast %parallel_loop3A_315 : vector<1x16xf32> to vector<16xf32>
        %parallel_loop3A_317 = vector.shape_cast %parallel_loop3A_312 : vector<16xf32> to vector<1x16xf32>
        tpu.vector_store %arg19[%parallel_loop3A_313, %parallel_loop3A_314], %parallel_loop3A_317 {strides = array<i32>} : memref<40x128xf32, #tpu.memory_space<vmem>>, vector<1x16xf32>,
        %parallel_loop3A_318 = arith.constant -65536 : i32
        %parallel_loop3A_319 = vector.broadcast %parallel_loop3A_318 : i32 to vector<16xi32>
        %parallel_loop3A_320 = arith.andi %parallel_loop3A_298, %parallel_loop3A_319 : vector<16xi32>
        %parallel_loop3A_321 = tpu.bitcast %parallel_loop3A_320 : vector<16xi32> -> vector<16xf32>
        %parallel_loop3A_322 = arith.addf %parallel_loop3A_312, %parallel_loop3A_321 : vector<16xf32>
        %parallel_loop3A_323 = arith.index_cast %parallel_loop3A_129 : i32 to index
        %parallel_loop3A_324 = arith.constant 80 : index
        %parallel_loop3A_325 = tpu.vector_load %arg21[%parallel_loop3A_323, %parallel_loop3A_324] {strides = array<i32>} : memref<40x128xf32, #tpu.memory_space<vmem>>, vector<1x16xf32>,
        %parallel_loop3A_326 = vector.shape_cast %parallel_loop3A_325 : vector<1x16xf32> to vector<16xf32>
        %parallel_loop3A_327 = vector.shape_cast %parallel_loop3A_322 : vector<16xf32> to vector<1x16xf32>
        tpu.vector_store %arg21[%parallel_loop3A_323, %parallel_loop3A_324], %parallel_loop3A_327 {strides = array<i32>} : memref<40x128xf32, #tpu.memory_space<vmem>>, vector<1x16xf32>,
        %parallel_loop3A_328 = arith.index_cast %parallel_loop3A_129 : i32 to index
        %parallel_loop3A_329 = arith.constant 96 : index
        %parallel_loop3A_330 = tpu.vector_load %arg17[%parallel_loop3A_328, %parallel_loop3A_329] {strides = array<i32>} : memref<40x128xi32, #tpu.memory_space<vmem>>, vector<1x16xi32>,
        %parallel_loop3A_331 = vector.shape_cast %parallel_loop3A_330 : vector<1x16xi32> to vector<16xi32>
        %parallel_loop3A_332 = arith.constant 16 : i32
        %parallel_loop3A_333 = vector.broadcast %parallel_loop3A_332 : i32 to vector<16xi32>
        %parallel_loop3A_334 = arith.shli %parallel_loop3A_331, %parallel_loop3A_333 : vector<16xi32>
        %parallel_loop3A_335 = tpu.bitcast %parallel_loop3A_334 : vector<16xi32> -> vector<16xf32>
        %parallel_loop3A_336 = arith.index_cast %parallel_loop3A_129 : i32 to index
        %parallel_loop3A_337 = arith.constant 96 : index
        %parallel_loop3A_338 = tpu.vector_load %arg13[%parallel_loop3A_336, %parallel_loop3A_337] {strides = array<i32>} : memref<40x128xf32, #tpu.memory_space<vmem>>, vector<1x16xf32>,
        %parallel_loop3A_339 = vector.shape_cast %parallel_loop3A_338 : vector<1x16xf32> to vector<16xf32>
        %parallel_loop3A_340 = arith.index_cast %parallel_loop3A_129 : i32 to index
        %parallel_loop3A_341 = arith.constant 96 : index
        %parallel_loop3A_342 = tpu.vector_load %arg15[%parallel_loop3A_340, %parallel_loop3A_341] {strides = array<i32>} : memref<40x128xf32, #tpu.memory_space<vmem>>, vector<1x16xf32>,
        %parallel_loop3A_343 = vector.shape_cast %parallel_loop3A_342 : vector<1x16xf32> to vector<16xf32>
        %parallel_loop3A_344 = arith.addf %parallel_loop3A_339, %parallel_loop3A_343 : vector<16xf32>
        %parallel_loop3A_345 = arith.addf %parallel_loop3A_335, %parallel_loop3A_344 : vector<16xf32>
        %parallel_loop3A_346 = arith.index_cast %parallel_loop3A_129 : i32 to index
        %parallel_loop3A_347 = arith.constant 96 : index
        %parallel_loop3A_348 = tpu.vector_load %arg19[%parallel_loop3A_346, %parallel_loop3A_347] {strides = array<i32>} : memref<40x128xf32, #tpu.memory_space<vmem>>, vector<1x16xf32>,
        %parallel_loop3A_349 = vector.shape_cast %parallel_loop3A_348 : vector<1x16xf32> to vector<16xf32>
        %parallel_loop3A_350 = vector.shape_cast %parallel_loop3A_345 : vector<16xf32> to vector<1x16xf32>
        tpu.vector_store %arg19[%parallel_loop3A_346, %parallel_loop3A_347], %parallel_loop3A_350 {strides = array<i32>} : memref<40x128xf32, #tpu.memory_space<vmem>>, vector<1x16xf32>,
        %parallel_loop3A_351 = arith.constant -65536 : i32
        %parallel_loop3A_352 = vector.broadcast %parallel_loop3A_351 : i32 to vector<16xi32>
        %parallel_loop3A_353 = arith.andi %parallel_loop3A_331, %parallel_loop3A_352 : vector<16xi32>
        %parallel_loop3A_354 = tpu.bitcast %parallel_loop3A_353 : vector<16xi32> -> vector<16xf32>
        %parallel_loop3A_355 = arith.addf %parallel_loop3A_345, %parallel_loop3A_354 : vector<16xf32>
        %parallel_loop3A_356 = arith.index_cast %parallel_loop3A_129 : i32 to index
        %parallel_loop3A_357 = arith.constant 96 : index
        %parallel_loop3A_358 = tpu.vector_load %arg21[%parallel_loop3A_356, %parallel_loop3A_357] {strides = array<i32>} : memref<40x128xf32, #tpu.memory_space<vmem>>, vector<1x16xf32>,
        %parallel_loop3A_359 = vector.shape_cast %parallel_loop3A_358 : vector<1x16xf32> to vector<16xf32>
        %parallel_loop3A_360 = vector.shape_cast %parallel_loop3A_355 : vector<16xf32> to vector<1x16xf32>
        tpu.vector_store %arg21[%parallel_loop3A_356, %parallel_loop3A_357], %parallel_loop3A_360 {strides = array<i32>} : memref<40x128xf32, #tpu.memory_space<vmem>>, vector<1x16xf32>,
        %parallel_loop3A_361 = arith.index_cast %parallel_loop3A_129 : i32 to index
        %parallel_loop3A_362 = arith.constant 112 : index
        %parallel_loop3A_363 = tpu.vector_load %arg17[%parallel_loop3A_361, %parallel_loop3A_362] {strides = array<i32>} : memref<40x128xi32, #tpu.memory_space<vmem>>, vector<1x16xi32>,
        %parallel_loop3A_364 = vector.shape_cast %parallel_loop3A_363 : vector<1x16xi32> to vector<16xi32>
        %parallel_loop3A_365 = arith.constant 16 : i32
        %parallel_loop3A_366 = vector.broadcast %parallel_loop3A_365 : i32 to vector<16xi32>
        %parallel_loop3A_367 = arith.shli %parallel_loop3A_364, %parallel_loop3A_366 : vector<16xi32>
        %parallel_loop3A_368 = tpu.bitcast %parallel_loop3A_367 : vector<16xi32> -> vector<16xf32>
        %parallel_loop3A_369 = arith.index_cast %parallel_loop3A_129 : i32 to index
        %parallel_loop3A_370 = arith.constant 112 : index
        %parallel_loop3A_371 = tpu.vector_load %arg13[%parallel_loop3A_369, %parallel_loop3A_370] {strides = array<i32>} : memref<40x128xf32, #tpu.memory_space<vmem>>, vector<1x16xf32>,
        %parallel_loop3A_372 = vector.shape_cast %parallel_loop3A_371 : vector<1x16xf32> to vector<16xf32>
        %parallel_loop3A_373 = arith.index_cast %parallel_loop3A_129 : i32 to index
        %parallel_loop3A_374 = arith.constant 112 : index
        %parallel_loop3A_375 = tpu.vector_load %arg15[%parallel_loop3A_373, %parallel_loop3A_374] {strides = array<i32>} : memref<40x128xf32, #tpu.memory_space<vmem>>, vector<1x16xf32>,
        %parallel_loop3A_376 = vector.shape_cast %parallel_loop3A_375 : vector<1x16xf32> to vector<16xf32>
        %parallel_loop3A_377 = arith.addf %parallel_loop3A_372, %parallel_loop3A_376 : vector<16xf32>
        %parallel_loop3A_378 = arith.addf %parallel_loop3A_368, %parallel_loop3A_377 : vector<16xf32>
        %parallel_loop3A_379 = arith.index_cast %parallel_loop3A_129 : i32 to index
        %parallel_loop3A_380 = arith.constant 112 : index
        %parallel_loop3A_381 = tpu.vector_load %arg19[%parallel_loop3A_379, %parallel_loop3A_380] {strides = array<i32>} : memref<40x128xf32, #tpu.memory_space<vmem>>, vector<1x16xf32>,
        %parallel_loop3A_382 = vector.shape_cast %parallel_loop3A_381 : vector<1x16xf32> to vector<16xf32>
        %parallel_loop3A_383 = vector.shape_cast %parallel_loop3A_378 : vector<16xf32> to vector<1x16xf32>
        tpu.vector_store %arg19[%parallel_loop3A_379, %parallel_loop3A_380], %parallel_loop3A_383 {strides = array<i32>} : memref<40x128xf32, #tpu.memory_space<vmem>>, vector<1x16xf32>,
        %parallel_loop3A_384 = arith.constant -65536 : i32
        %parallel_loop3A_385 = vector.broadcast %parallel_loop3A_384 : i32 to vector<16xi32>
        %parallel_loop3A_386 = arith.andi %parallel_loop3A_364, %parallel_loop3A_385 : vector<16xi32>
        %parallel_loop3A_387 = tpu.bitcast %parallel_loop3A_386 : vector<16xi32> -> vector<16xf32>
        %parallel_loop3A_388 = arith.addf %parallel_loop3A_378, %parallel_loop3A_387 : vector<16xf32>
        %parallel_loop3A_389 = arith.index_cast %parallel_loop3A_129 : i32 to index
        %parallel_loop3A_390 = arith.constant 112 : index
        %parallel_loop3A_391 = tpu.vector_load %arg21[%parallel_loop3A_389, %parallel_loop3A_390] {strides = array<i32>} : memref<40x128xf32, #tpu.memory_space<vmem>>, vector<1x16xf32>,
        %parallel_loop3A_392 = vector.shape_cast %parallel_loop3A_391 : vector<1x16xf32> to vector<16xf32>
        %parallel_loop3A_393 = vector.shape_cast %parallel_loop3A_388 : vector<16xf32> to vector<1x16xf32>
        tpu.vector_store %arg21[%parallel_loop3A_389, %parallel_loop3A_390], %parallel_loop3A_393 {strides = array<i32>} : memref<40x128xf32, #tpu.memory_space<vmem>>, vector<1x16xf32>,
      } {sc.loop_unroll_factor = 4 : i64, sc.parallel_access}
      %dma_start3A_82 = arith.constant 0 : i32
      %dma_start3A_83 = tpu.memref_slice %arg7[%add3A_71, %dma_start3A_82] : memref<320000x128xf32, #tpu.memory_space<hbm>> -> memref<40x128xf32, #tpu.memory_space<hbm>>
      %dma_start3A_84 = arith.constant 0 : i32
      %dma_start3A_85 = tpu.memref_slice %arg7[%add3A_71, %dma_start3A_84] : memref<320000x128xf32, #tpu.memory_space<hbm>> -> memref<40x128xf32, #tpu.memory_space<hbm>>
      tpu.enqueue_dma source(%arg21 : memref<40x128xf32, #tpu.memory_space<vmem>>) target(%dma_start3A_85 : memref<40x128xf32, #tpu.memory_space<hbm>>) target_semaphore(%arg29 : memref<!tpu.dma_semaphore, #tpu.memory_space<semaphore_mem>>)
      %dma_start3A_86 = arith.constant 0 : i32
      %dma_start3A_87 = arith.constant 0 : i32
      %dma_start3A_88 = tpu.memref_slice %arg22[%dma_start3A_86, %dma_start3A_87] : memref<10240x128xf32, #tpu.memory_space<vmem_shared>> -> memref<10240x128xf32, #tpu.memory_space<vmem_shared>>
      tpu.enqueue_indirect_dma source(%arg19 : memref<40x128xf32, #tpu.memory_space<vmem>>) target(%dma_start3A_88 : memref<10240x128xf32, #tpu.memory_space<vmem_shared>>) offsets(%arg11 : memref<40xi32, #tpu.memory_space<vmem>>) semaphore(%arg30 : memref<!tpu.dma_semaphore, #tpu.memory_space<semaphore_mem>>) {add = true}
      %add3A_89 = arith.constant 1 : i32
      %add3A_90 = arith.addi %mul3A_54, %add3A_89 : i32
      %add3A_91 = arith.constant 1 : i32
      %add3A_92 = arith.addi %add3A_90, %add3A_91 : i32
      %lt3A_93 = arith.constant 250 : i32
      %lt3A_94 = arith.cmpi slt, %add3A_92, %lt3A_93 : i32
      %convert_element_type3A_95 = arith.extui %lt3A_94 : i1 to i32
      %cond3A_96 = arith.constant 0 : i32
      %cond3A_97 = arith.cmpi ne, %convert_element_type3A_95, %cond3A_96 : i32
      scf.if %cond3A_97 {
        %ge3A_129 = arith.constant 1 : i32
        %ge3A_130 = arith.cmpi sge, %add3A_90, %ge3A_129 : i32
        %convert_element_type3A_131 = arith.extui %ge3A_130 : i1 to i32
        %cond3A_132 = arith.constant 0 : i32
        %cond3A_133 = arith.cmpi ne, %convert_element_type3A_131, %cond3A_132 : i32
        scf.if %cond3A_133 {
          %dma_wait3A_151 = arith.constant 0 : i32
          %dma_wait3A_152 = arith.constant 0 : i32
          %dma_wait3A_153 = tpu.memref_slice %arg22[%dma_wait3A_151, %dma_wait3A_152] : memref<10240x128xf32, #tpu.memory_space<vmem_shared>> -> memref<10240x128xf32, #tpu.memory_space<vmem_shared>>
          tpu.wait_indirect_dma semaphore(%arg30 : memref<!tpu.dma_semaphore, #tpu.memory_space<semaphore_mem>>) src(%arg19 : memref<40x128xf32, #tpu.memory_space<vmem>>) dst(%dma_wait3A_153 : memref<10240x128xf32, #tpu.memory_space<vmem_shared>>)
        } else {
        }
        %add3A_134 = arith.constant 1 : i32
        %add3A_135 = arith.addi %add3A_90, %add3A_134 : i32
        %mul3A_136 = arith.constant 10000 : i32
        %mul3A_137 = arith.muli %add3A, %mul3A_136 : i32
        %mul3A_138 = arith.constant 40 : i32
        %mul3A_139 = arith.muli %add3A_135, %mul3A_138 : i32
        %add3A_140 = arith.addi %mul3A_137, %mul3A_139 : i32
        "tpu.region"() ({
          %run_scoped3A = tpu.sem_alloc : memref<!tpu.dma_semaphore, #tpu.memory_space<semaphore_mem>>
          %dma_start3A_151 = tpu.memref_slice %arg5[%add3A_140] : memref<320000xi32, #tpu.memory_space<hbm>> -> memref<40xi32, #tpu.memory_space<hbm>>
          %dma_start3A_152 = tpu.memref_slice %arg5[%add3A_140] : memref<320000xi32, #tpu.memory_space<hbm>> -> memref<40xi32, #tpu.memory_space<hbm>>
          tpu.enqueue_dma source(%dma_start3A_152 : memref<40xi32, #tpu.memory_space<hbm>>) target(%arg9 : memref<40xi32, #tpu.memory_space<vmem>>) target_semaphore(%run_scoped3A : memref<!tpu.dma_semaphore, #tpu.memory_space<semaphore_mem>>)
          %dma_wait3A_153 = tpu.memref_slice %arg5[%add3A_140] : memref<320000xi32, #tpu.memory_space<hbm>> -> memref<40xi32, #tpu.memory_space<hbm>>
          %dma_wait3A_154 = tpu.memref_slice %arg5[%add3A_140] : memref<320000xi32, #tpu.memory_space<hbm>> -> memref<40xi32, #tpu.memory_space<hbm>>
          tpu.wait_dma2 semaphore(%run_scoped3A : memref<!tpu.dma_semaphore, #tpu.memory_space<semaphore_mem>>) src(%dma_wait3A_154 : memref<40xi32, #tpu.memory_space<hbm>>) dst(%arg9 : memref<40xi32, #tpu.memory_space<vmem>>)
          tpu.yield
        }) : () -> ()
        "tpu.region"() ({
          %run_scoped3A = tpu.sem_alloc : memref<!tpu.dma_semaphore, #tpu.memory_space<semaphore_mem>>
          %dma_start3A_151 = tpu.memref_slice %arg6[%add3A_140] : memref<320000xi32, #tpu.memory_space<hbm>> -> memref<40xi32, #tpu.memory_space<hbm>>
          %dma_start3A_152 = tpu.memref_slice %arg6[%add3A_140] : memref<320000xi32, #tpu.memory_space<hbm>> -> memref<40xi32, #tpu.memory_space<hbm>>
          tpu.enqueue_dma source(%dma_start3A_152 : memref<40xi32, #tpu.memory_space<hbm>>) target(%arg11 : memref<40xi32, #tpu.memory_space<vmem>>) target_semaphore(%run_scoped3A : memref<!tpu.dma_semaphore, #tpu.memory_space<semaphore_mem>>)
          %dma_wait3A_153 = tpu.memref_slice %arg6[%add3A_140] : memref<320000xi32, #tpu.memory_space<hbm>> -> memref<40xi32, #tpu.memory_space<hbm>>
          %dma_wait3A_154 = tpu.memref_slice %arg6[%add3A_140] : memref<320000xi32, #tpu.memory_space<hbm>> -> memref<40xi32, #tpu.memory_space<hbm>>
          tpu.wait_dma2 semaphore(%run_scoped3A : memref<!tpu.dma_semaphore, #tpu.memory_space<semaphore_mem>>) src(%dma_wait3A_154 : memref<40xi32, #tpu.memory_space<hbm>>) dst(%arg11 : memref<40xi32, #tpu.memory_space<vmem>>)
          tpu.yield
        }) : () -> ()
        %dma_start3A_141 = arith.constant 0 : i32
        %dma_start3A_142 = arith.constant 0 : i32
        %dma_start3A_143 = tpu.memref_slice %arg2[%dma_start3A_141, %dma_start3A_142] : memref<10000x128xf32, #tpu.memory_space<hbm>> -> memref<10000x128xf32, #tpu.memory_space<hbm>>
        tpu.enqueue_indirect_dma source(%dma_start3A_143 : memref<10000x128xf32, #tpu.memory_space<hbm>>) target(%arg13 : memref<40x128xf32, #tpu.memory_space<vmem>>) offsets(%arg9 : memref<40xi32, #tpu.memory_space<vmem>>) semaphore(%arg23 : memref<!tpu.dma_semaphore, #tpu.memory_space<semaphore_mem>>)
        %dma_start3A_144 = arith.constant 0 : i32
        %dma_start3A_145 = arith.constant 0 : i32
        %dma_start3A_146 = tpu.memref_slice %arg3[%dma_start3A_144, %dma_start3A_145] : memref<10000x128xf32, #tpu.memory_space<hbm>> -> memref<10000x128xf32, #tpu.memory_space<hbm>>
        tpu.enqueue_indirect_dma source(%dma_start3A_146 : memref<10000x128xf32, #tpu.memory_space<hbm>>) target(%arg15 : memref<40x128xf32, #tpu.memory_space<vmem>>) offsets(%arg11 : memref<40xi32, #tpu.memory_space<vmem>>) semaphore(%arg25 : memref<!tpu.dma_semaphore, #tpu.memory_space<semaphore_mem>>)
        %dma_start3A_147 = arith.constant 0 : i32
        %dma_start3A_148 = tpu.memref_slice %arg4[%add3A_140, %dma_start3A_147] : memref<320000x128xi32, #tpu.memory_space<hbm>> -> memref<40x128xi32, #tpu.memory_space<hbm>>
        %dma_start3A_149 = arith.constant 0 : i32
        %dma_start3A_150 = tpu.memref_slice %arg4[%add3A_140, %dma_start3A_149] : memref<320000x128xi32, #tpu.memory_space<hbm>> -> memref<40x128xi32, #tpu.memory_space<hbm>>
        tpu.enqueue_dma source(%dma_start3A_150 : memref<40x128xi32, #tpu.memory_space<hbm>>) target(%arg17 : memref<40x128xi32, #tpu.memory_space<vmem>>) target_semaphore(%arg27 : memref<!tpu.dma_semaphore, #tpu.memory_space<semaphore_mem>>)
      } else {
      }
      %dma_wait3A_98 = arith.constant 0 : i32
      %dma_wait3A_99 = arith.constant 0 : i32
      %dma_wait3A_100 = tpu.memref_slice %arg2[%dma_wait3A_98, %dma_wait3A_99] : memref<10000x128xf32, #tpu.memory_space<hbm>> -> memref<10000x128xf32, #tpu.memory_space<hbm>>
      tpu.wait_indirect_dma semaphore(%arg24 : memref<!tpu.dma_semaphore, #tpu.memory_space<semaphore_mem>>) src(%dma_wait3A_100 : memref<10000x128xf32, #tpu.memory_space<hbm>>) dst(%arg14 : memref<40x128xf32, #tpu.memory_space<vmem>>)
      %dma_wait3A_101 = arith.constant 0 : i32
      %dma_wait3A_102 = arith.constant 0 : i32
      %dma_wait3A_103 = tpu.memref_slice %arg3[%dma_wait3A_101, %dma_wait3A_102] : memref<10000x128xf32, #tpu.memory_space<hbm>> -> memref<10000x128xf32, #tpu.memory_space<hbm>>
      tpu.wait_indirect_dma semaphore(%arg26 : memref<!tpu.dma_semaphore, #tpu.memory_space<semaphore_mem>>) src(%dma_wait3A_103 : memref<10000x128xf32, #tpu.memory_space<hbm>>) dst(%arg16 : memref<40x128xf32, #tpu.memory_space<vmem>>)
      %mul3A_104 = arith.constant 10000 : i32
      %mul3A_105 = arith.muli %add3A, %mul3A_104 : i32
      %mul3A_106 = arith.constant 40 : i32
      %mul3A_107 = arith.muli %add3A_90, %mul3A_106 : i32
      %add3A_108 = arith.addi %mul3A_105, %mul3A_107 : i32
      %dma_wait3A_109 = arith.constant 0 : i32
      %dma_wait3A_110 = tpu.memref_slice %arg4[%add3A_108, %dma_wait3A_109] : memref<320000x128xi32, #tpu.memory_space<hbm>> -> memref<40x128xi32, #tpu.memory_space<hbm>>
      %dma_wait3A_111 = arith.constant 0 : i32
      %dma_wait3A_112 = tpu.memref_slice %arg4[%add3A_108, %dma_wait3A_111] : memref<320000x128xi32, #tpu.memory_space<hbm>> -> memref<40x128xi32, #tpu.memory_space<hbm>>
      tpu.wait_dma2 semaphore(%arg28 : memref<!tpu.dma_semaphore, #tpu.memory_space<semaphore_mem>>) src(%dma_wait3A_112 : memref<40x128xi32, #tpu.memory_space<hbm>>) dst(%arg18 : memref<40x128xi32, #tpu.memory_space<vmem>>)
      %ge3A_113 = arith.constant 1 : i32
      %ge3A_114 = arith.cmpi sge, %add3A_90, %ge3A_113 : i32
      %convert_element_type3A_115 = arith.extui %ge3A_114 : i1 to i32
      %cond3A_116 = arith.constant 0 : i32
      %cond3A_117 = arith.cmpi ne, %convert_element_type3A_115, %cond3A_116 : i32
      scf.if %cond3A_117 {
        %dma_wait3A_129 = arith.constant 0 : i32
        %dma_wait3A_130 = arith.constant 0 : i32
        %dma_wait3A_131 = tpu.memref_slice %arg7[%dma_wait3A_129, %dma_wait3A_130] : memref<320000x128xf32, #tpu.memory_space<hbm>> -> memref<40x128xf32, #tpu.memory_space<hbm>>
        %dma_wait3A_132 = arith.constant 0 : i32
        %dma_wait3A_133 = arith.constant 0 : i32
        %dma_wait3A_134 = tpu.memref_slice %arg7[%dma_wait3A_132, %dma_wait3A_133] : memref<320000x128xf32, #tpu.memory_space<hbm>> -> memref<40x128xf32, #tpu.memory_space<hbm>>
        tpu.wait_dma2 semaphore(%arg29 : memref<!tpu.dma_semaphore, #tpu.memory_space<semaphore_mem>>) src(%arg21 : memref<40x128xf32, #tpu.memory_space<vmem>>) dst(%dma_wait3A_134 : memref<40x128xf32, #tpu.memory_space<hbm>>)
      } else {
      }
      %parallel_loop3A_118 = arith.constant 0 : i32
      %parallel_loop3A_119 = arith.constant 40 : i32
      %parallel_loop3A_120 = arith.constant 1 : i32
      scf.for %parallel_loop3A_129 = %parallel_loop3A_118 to %parallel_loop3A_119 step %parallel_loop3A_120  : i32 {
        %parallel_loop3A_130 = arith.index_cast %parallel_loop3A_129 : i32 to index
        %parallel_loop3A_131 = arith.constant 0 : index
        %parallel_loop3A_132 = tpu.vector_load %arg18[%parallel_loop3A_130, %parallel_loop3A_131] {strides = array<i32>} : memref<40x128xi32, #tpu.memory_space<vmem>>, vector<1x16xi32>,
        %parallel_loop3A_133 = vector.shape_cast %parallel_loop3A_132 : vector<1x16xi32> to vector<16xi32>
        %parallel_loop3A_134 = arith.constant 16 : i32
        %parallel_loop3A_135 = vector.broadcast %parallel_loop3A_134 : i32 to vector<16xi32>
        %parallel_loop3A_136 = arith.shli %parallel_loop3A_133, %parallel_loop3A_135 : vector<16xi32>
        %parallel_loop3A_137 = tpu.bitcast %parallel_loop3A_136 : vector<16xi32> -> vector<16xf32>
        %parallel_loop3A_138 = arith.index_cast %parallel_loop3A_129 : i32 to index
        %parallel_loop3A_139 = arith.constant 0 : index
        %parallel_loop3A_140 = tpu.vector_load %arg14[%parallel_loop3A_138, %parallel_loop3A_139] {strides = array<i32>} : memref<40x128xf32, #tpu.memory_space<vmem>>, vector<1x16xf32>,
        %parallel_loop3A_141 = vector.shape_cast %parallel_loop3A_140 : vector<1x16xf32> to vector<16xf32>
        %parallel_loop3A_142 = arith.index_cast %parallel_loop3A_129 : i32 to index
        %parallel_loop3A_143 = arith.constant 0 : index
        %parallel_loop3A_144 = tpu.vector_load %arg16[%parallel_loop3A_142, %parallel_loop3A_143] {strides = array<i32>} : memref<40x128xf32, #tpu.memory_space<vmem>>, vector<1x16xf32>,
        %parallel_loop3A_145 = vector.shape_cast %parallel_loop3A_144 : vector<1x16xf32> to vector<16xf32>
        %parallel_loop3A_146 = arith.addf %parallel_loop3A_141, %parallel_loop3A_145 : vector<16xf32>
        %parallel_loop3A_147 = arith.addf %parallel_loop3A_137, %parallel_loop3A_146 : vector<16xf32>
        %parallel_loop3A_148 = arith.index_cast %parallel_loop3A_129 : i32 to index
        %parallel_loop3A_149 = arith.constant 0 : index
        %parallel_loop3A_150 = tpu.vector_load %arg20[%parallel_loop3A_148, %parallel_loop3A_149] {strides = array<i32>} : memref<40x128xf32, #tpu.memory_space<vmem>>, vector<1x16xf32>,
        %parallel_loop3A_151 = vector.shape_cast %parallel_loop3A_150 : vector<1x16xf32> to vector<16xf32>
        %parallel_loop3A_152 = vector.shape_cast %parallel_loop3A_147 : vector<16xf32> to vector<1x16xf32>
        tpu.vector_store %arg20[%parallel_loop3A_148, %parallel_loop3A_149], %parallel_loop3A_152 {strides = array<i32>} : memref<40x128xf32, #tpu.memory_space<vmem>>, vector<1x16xf32>,
        %parallel_loop3A_153 = arith.constant -65536 : i32
        %parallel_loop3A_154 = vector.broadcast %parallel_loop3A_153 : i32 to vector<16xi32>
        %parallel_loop3A_155 = arith.andi %parallel_loop3A_133, %parallel_loop3A_154 : vector<16xi32>
        %parallel_loop3A_156 = tpu.bitcast %parallel_loop3A_155 : vector<16xi32> -> vector<16xf32>
        %parallel_loop3A_157 = arith.addf %parallel_loop3A_147, %parallel_loop3A_156 : vector<16xf32>
        %parallel_loop3A_158 = arith.index_cast %parallel_loop3A_129 : i32 to index
        %parallel_loop3A_159 = arith.constant 0 : index
        %parallel_loop3A_160 = tpu.vector_load %arg21[%parallel_loop3A_158, %parallel_loop3A_159] {strides = array<i32>} : memref<40x128xf32, #tpu.memory_space<vmem>>, vector<1x16xf32>,
        %parallel_loop3A_161 = vector.shape_cast %parallel_loop3A_160 : vector<1x16xf32> to vector<16xf32>
        %parallel_loop3A_162 = vector.shape_cast %parallel_loop3A_157 : vector<16xf32> to vector<1x16xf32>
        tpu.vector_store %arg21[%parallel_loop3A_158, %parallel_loop3A_159], %parallel_loop3A_162 {strides = array<i32>} : memref<40x128xf32, #tpu.memory_space<vmem>>, vector<1x16xf32>,
        %parallel_loop3A_163 = arith.index_cast %parallel_loop3A_129 : i32 to index
        %parallel_loop3A_164 = arith.constant 16 : index
        %parallel_loop3A_165 = tpu.vector_load %arg18[%parallel_loop3A_163, %parallel_loop3A_164] {strides = array<i32>} : memref<40x128xi32, #tpu.memory_space<vmem>>, vector<1x16xi32>,
        %parallel_loop3A_166 = vector.shape_cast %parallel_loop3A_165 : vector<1x16xi32> to vector<16xi32>
        %parallel_loop3A_167 = arith.constant 16 : i32
        %parallel_loop3A_168 = vector.broadcast %parallel_loop3A_167 : i32 to vector<16xi32>
        %parallel_loop3A_169 = arith.shli %parallel_loop3A_166, %parallel_loop3A_168 : vector<16xi32>
        %parallel_loop3A_170 = tpu.bitcast %parallel_loop3A_169 : vector<16xi32> -> vector<16xf32>
        %parallel_loop3A_171 = arith.index_cast %parallel_loop3A_129 : i32 to index
        %parallel_loop3A_172 = arith.constant 16 : index
        %parallel_loop3A_173 = tpu.vector_load %arg14[%parallel_loop3A_171, %parallel_loop3A_172] {strides = array<i32>} : memref<40x128xf32, #tpu.memory_space<vmem>>, vector<1x16xf32>,
        %parallel_loop3A_174 = vector.shape_cast %parallel_loop3A_173 : vector<1x16xf32> to vector<16xf32>
        %parallel_loop3A_175 = arith.index_cast %parallel_loop3A_129 : i32 to index
        %parallel_loop3A_176 = arith.constant 16 : index
        %parallel_loop3A_177 = tpu.vector_load %arg16[%parallel_loop3A_175, %parallel_loop3A_176] {strides = array<i32>} : memref<40x128xf32, #tpu.memory_space<vmem>>, vector<1x16xf32>,
        %parallel_loop3A_178 = vector.shape_cast %parallel_loop3A_177 : vector<1x16xf32> to vector<16xf32>
        %parallel_loop3A_179 = arith.addf %parallel_loop3A_174, %parallel_loop3A_178 : vector<16xf32>
        %parallel_loop3A_180 = arith.addf %parallel_loop3A_170, %parallel_loop3A_179 : vector<16xf32>
        %parallel_loop3A_181 = arith.index_cast %parallel_loop3A_129 : i32 to index
        %parallel_loop3A_182 = arith.constant 16 : index
        %parallel_loop3A_183 = tpu.vector_load %arg20[%parallel_loop3A_181, %parallel_loop3A_182] {strides = array<i32>} : memref<40x128xf32, #tpu.memory_space<vmem>>, vector<1x16xf32>,
        %parallel_loop3A_184 = vector.shape_cast %parallel_loop3A_183 : vector<1x16xf32> to vector<16xf32>
        %parallel_loop3A_185 = vector.shape_cast %parallel_loop3A_180 : vector<16xf32> to vector<1x16xf32>
        tpu.vector_store %arg20[%parallel_loop3A_181, %parallel_loop3A_182], %parallel_loop3A_185 {strides = array<i32>} : memref<40x128xf32, #tpu.memory_space<vmem>>, vector<1x16xf32>,
        %parallel_loop3A_186 = arith.constant -65536 : i32
        %parallel_loop3A_187 = vector.broadcast %parallel_loop3A_186 : i32 to vector<16xi32>
        %parallel_loop3A_188 = arith.andi %parallel_loop3A_166, %parallel_loop3A_187 : vector<16xi32>
        %parallel_loop3A_189 = tpu.bitcast %parallel_loop3A_188 : vector<16xi32> -> vector<16xf32>
        %parallel_loop3A_190 = arith.addf %parallel_loop3A_180, %parallel_loop3A_189 : vector<16xf32>
        %parallel_loop3A_191 = arith.index_cast %parallel_loop3A_129 : i32 to index
        %parallel_loop3A_192 = arith.constant 16 : index
        %parallel_loop3A_193 = tpu.vector_load %arg21[%parallel_loop3A_191, %parallel_loop3A_192] {strides = array<i32>} : memref<40x128xf32, #tpu.memory_space<vmem>>, vector<1x16xf32>,
        %parallel_loop3A_194 = vector.shape_cast %parallel_loop3A_193 : vector<1x16xf32> to vector<16xf32>
        %parallel_loop3A_195 = vector.shape_cast %parallel_loop3A_190 : vector<16xf32> to vector<1x16xf32>
        tpu.vector_store %arg21[%parallel_loop3A_191, %parallel_loop3A_192], %parallel_loop3A_195 {strides = array<i32>} : memref<40x128xf32, #tpu.memory_space<vmem>>, vector<1x16xf32>,
        %parallel_loop3A_196 = arith.index_cast %parallel_loop3A_129 : i32 to index
        %parallel_loop3A_197 = arith.constant 32 : index
        %parallel_loop3A_198 = tpu.vector_load %arg18[%parallel_loop3A_196, %parallel_loop3A_197] {strides = array<i32>} : memref<40x128xi32, #tpu.memory_space<vmem>>, vector<1x16xi32>,
        %parallel_loop3A_199 = vector.shape_cast %parallel_loop3A_198 : vector<1x16xi32> to vector<16xi32>
        %parallel_loop3A_200 = arith.constant 16 : i32
        %parallel_loop3A_201 = vector.broadcast %parallel_loop3A_200 : i32 to vector<16xi32>
        %parallel_loop3A_202 = arith.shli %parallel_loop3A_199, %parallel_loop3A_201 : vector<16xi32>
        %parallel_loop3A_203 = tpu.bitcast %parallel_loop3A_202 : vector<16xi32> -> vector<16xf32>
        %parallel_loop3A_204 = arith.index_cast %parallel_loop3A_129 : i32 to index
        %parallel_loop3A_205 = arith.constant 32 : index
        %parallel_loop3A_206 = tpu.vector_load %arg14[%parallel_loop3A_204, %parallel_loop3A_205] {strides = array<i32>} : memref<40x128xf32, #tpu.memory_space<vmem>>, vector<1x16xf32>,
        %parallel_loop3A_207 = vector.shape_cast %parallel_loop3A_206 : vector<1x16xf32> to vector<16xf32>
        %parallel_loop3A_208 = arith.index_cast %parallel_loop3A_129 : i32 to index
        %parallel_loop3A_209 = arith.constant 32 : index
        %parallel_loop3A_210 = tpu.vector_load %arg16[%parallel_loop3A_208, %parallel_loop3A_209] {strides = array<i32>} : memref<40x128xf32, #tpu.memory_space<vmem>>, vector<1x16xf32>,
        %parallel_loop3A_211 = vector.shape_cast %parallel_loop3A_210 : vector<1x16xf32> to vector<16xf32>
        %parallel_loop3A_212 = arith.addf %parallel_loop3A_207, %parallel_loop3A_211 : vector<16xf32>
        %parallel_loop3A_213 = arith.addf %parallel_loop3A_203, %parallel_loop3A_212 : vector<16xf32>
        %parallel_loop3A_214 = arith.index_cast %parallel_loop3A_129 : i32 to index
        %parallel_loop3A_215 = arith.constant 32 : index
        %parallel_loop3A_216 = tpu.vector_load %arg20[%parallel_loop3A_214, %parallel_loop3A_215] {strides = array<i32>} : memref<40x128xf32, #tpu.memory_space<vmem>>, vector<1x16xf32>,
        %parallel_loop3A_217 = vector.shape_cast %parallel_loop3A_216 : vector<1x16xf32> to vector<16xf32>
        %parallel_loop3A_218 = vector.shape_cast %parallel_loop3A_213 : vector<16xf32> to vector<1x16xf32>
        tpu.vector_store %arg20[%parallel_loop3A_214, %parallel_loop3A_215], %parallel_loop3A_218 {strides = array<i32>} : memref<40x128xf32, #tpu.memory_space<vmem>>, vector<1x16xf32>,
        %parallel_loop3A_219 = arith.constant -65536 : i32
        %parallel_loop3A_220 = vector.broadcast %parallel_loop3A_219 : i32 to vector<16xi32>
        %parallel_loop3A_221 = arith.andi %parallel_loop3A_199, %parallel_loop3A_220 : vector<16xi32>
        %parallel_loop3A_222 = tpu.bitcast %parallel_loop3A_221 : vector<16xi32> -> vector<16xf32>
        %parallel_loop3A_223 = arith.addf %parallel_loop3A_213, %parallel_loop3A_222 : vector<16xf32>
        %parallel_loop3A_224 = arith.index_cast %parallel_loop3A_129 : i32 to index
        %parallel_loop3A_225 = arith.constant 32 : index
        %parallel_loop3A_226 = tpu.vector_load %arg21[%parallel_loop3A_224, %parallel_loop3A_225] {strides = array<i32>} : memref<40x128xf32, #tpu.memory_space<vmem>>, vector<1x16xf32>,
        %parallel_loop3A_227 = vector.shape_cast %parallel_loop3A_226 : vector<1x16xf32> to vector<16xf32>
        %parallel_loop3A_228 = vector.shape_cast %parallel_loop3A_223 : vector<16xf32> to vector<1x16xf32>
        tpu.vector_store %arg21[%parallel_loop3A_224, %parallel_loop3A_225], %parallel_loop3A_228 {strides = array<i32>} : memref<40x128xf32, #tpu.memory_space<vmem>>, vector<1x16xf32>,
        %parallel_loop3A_229 = arith.index_cast %parallel_loop3A_129 : i32 to index
        %parallel_loop3A_230 = arith.constant 48 : index
        %parallel_loop3A_231 = tpu.vector_load %arg18[%parallel_loop3A_229, %parallel_loop3A_230] {strides = array<i32>} : memref<40x128xi32, #tpu.memory_space<vmem>>, vector<1x16xi32>,
        %parallel_loop3A_232 = vector.shape_cast %parallel_loop3A_231 : vector<1x16xi32> to vector<16xi32>
        %parallel_loop3A_233 = arith.constant 16 : i32
        %parallel_loop3A_234 = vector.broadcast %parallel_loop3A_233 : i32 to vector<16xi32>
        %parallel_loop3A_235 = arith.shli %parallel_loop3A_232, %parallel_loop3A_234 : vector<16xi32>
        %parallel_loop3A_236 = tpu.bitcast %parallel_loop3A_235 : vector<16xi32> -> vector<16xf32>
        %parallel_loop3A_237 = arith.index_cast %parallel_loop3A_129 : i32 to index
        %parallel_loop3A_238 = arith.constant 48 : index
        %parallel_loop3A_239 = tpu.vector_load %arg14[%parallel_loop3A_237, %parallel_loop3A_238] {strides = array<i32>} : memref<40x128xf32, #tpu.memory_space<vmem>>, vector<1x16xf32>,
        %parallel_loop3A_240 = vector.shape_cast %parallel_loop3A_239 : vector<1x16xf32> to vector<16xf32>
        %parallel_loop3A_241 = arith.index_cast %parallel_loop3A_129 : i32 to index
        %parallel_loop3A_242 = arith.constant 48 : index
        %parallel_loop3A_243 = tpu.vector_load %arg16[%parallel_loop3A_241, %parallel_loop3A_242] {strides = array<i32>} : memref<40x128xf32, #tpu.memory_space<vmem>>, vector<1x16xf32>,
        %parallel_loop3A_244 = vector.shape_cast %parallel_loop3A_243 : vector<1x16xf32> to vector<16xf32>
        %parallel_loop3A_245 = arith.addf %parallel_loop3A_240, %parallel_loop3A_244 : vector<16xf32>
        %parallel_loop3A_246 = arith.addf %parallel_loop3A_236, %parallel_loop3A_245 : vector<16xf32>
        %parallel_loop3A_247 = arith.index_cast %parallel_loop3A_129 : i32 to index
        %parallel_loop3A_248 = arith.constant 48 : index
        %parallel_loop3A_249 = tpu.vector_load %arg20[%parallel_loop3A_247, %parallel_loop3A_248] {strides = array<i32>} : memref<40x128xf32, #tpu.memory_space<vmem>>, vector<1x16xf32>,
        %parallel_loop3A_250 = vector.shape_cast %parallel_loop3A_249 : vector<1x16xf32> to vector<16xf32>
        %parallel_loop3A_251 = vector.shape_cast %parallel_loop3A_246 : vector<16xf32> to vector<1x16xf32>
        tpu.vector_store %arg20[%parallel_loop3A_247, %parallel_loop3A_248], %parallel_loop3A_251 {strides = array<i32>} : memref<40x128xf32, #tpu.memory_space<vmem>>, vector<1x16xf32>,
        %parallel_loop3A_252 = arith.constant -65536 : i32
        %parallel_loop3A_253 = vector.broadcast %parallel_loop3A_252 : i32 to vector<16xi32>
        %parallel_loop3A_254 = arith.andi %parallel_loop3A_232, %parallel_loop3A_253 : vector<16xi32>
        %parallel_loop3A_255 = tpu.bitcast %parallel_loop3A_254 : vector<16xi32> -> vector<16xf32>
        %parallel_loop3A_256 = arith.addf %parallel_loop3A_246, %parallel_loop3A_255 : vector<16xf32>
        %parallel_loop3A_257 = arith.index_cast %parallel_loop3A_129 : i32 to index
        %parallel_loop3A_258 = arith.constant 48 : index
        %parallel_loop3A_259 = tpu.vector_load %arg21[%parallel_loop3A_257, %parallel_loop3A_258] {strides = array<i32>} : memref<40x128xf32, #tpu.memory_space<vmem>>, vector<1x16xf32>,
        %parallel_loop3A_260 = vector.shape_cast %parallel_loop3A_259 : vector<1x16xf32> to vector<16xf32>
        %parallel_loop3A_261 = vector.shape_cast %parallel_loop3A_256 : vector<16xf32> to vector<1x16xf32>
        tpu.vector_store %arg21[%parallel_loop3A_257, %parallel_loop3A_258], %parallel_loop3A_261 {strides = array<i32>} : memref<40x128xf32, #tpu.memory_space<vmem>>, vector<1x16xf32>,
        %parallel_loop3A_262 = arith.index_cast %parallel_loop3A_129 : i32 to index
        %parallel_loop3A_263 = arith.constant 64 : index
        %parallel_loop3A_264 = tpu.vector_load %arg18[%parallel_loop3A_262, %parallel_loop3A_263] {strides = array<i32>} : memref<40x128xi32, #tpu.memory_space<vmem>>, vector<1x16xi32>,
        %parallel_loop3A_265 = vector.shape_cast %parallel_loop3A_264 : vector<1x16xi32> to vector<16xi32>
        %parallel_loop3A_266 = arith.constant 16 : i32
        %parallel_loop3A_267 = vector.broadcast %parallel_loop3A_266 : i32 to vector<16xi32>
        %parallel_loop3A_268 = arith.shli %parallel_loop3A_265, %parallel_loop3A_267 : vector<16xi32>
        %parallel_loop3A_269 = tpu.bitcast %parallel_loop3A_268 : vector<16xi32> -> vector<16xf32>
        %parallel_loop3A_270 = arith.index_cast %parallel_loop3A_129 : i32 to index
        %parallel_loop3A_271 = arith.constant 64 : index
        %parallel_loop3A_272 = tpu.vector_load %arg14[%parallel_loop3A_270, %parallel_loop3A_271] {strides = array<i32>} : memref<40x128xf32, #tpu.memory_space<vmem>>, vector<1x16xf32>,
        %parallel_loop3A_273 = vector.shape_cast %parallel_loop3A_272 : vector<1x16xf32> to vector<16xf32>
        %parallel_loop3A_274 = arith.index_cast %parallel_loop3A_129 : i32 to index
        %parallel_loop3A_275 = arith.constant 64 : index
        %parallel_loop3A_276 = tpu.vector_load %arg16[%parallel_loop3A_274, %parallel_loop3A_275] {strides = array<i32>} : memref<40x128xf32, #tpu.memory_space<vmem>>, vector<1x16xf32>,
        %parallel_loop3A_277 = vector.shape_cast %parallel_loop3A_276 : vector<1x16xf32> to vector<16xf32>
        %parallel_loop3A_278 = arith.addf %parallel_loop3A_273, %parallel_loop3A_277 : vector<16xf32>
        %parallel_loop3A_279 = arith.addf %parallel_loop3A_269, %parallel_loop3A_278 : vector<16xf32>
        %parallel_loop3A_280 = arith.index_cast %parallel_loop3A_129 : i32 to index
        %parallel_loop3A_281 = arith.constant 64 : index
        %parallel_loop3A_282 = tpu.vector_load %arg20[%parallel_loop3A_280, %parallel_loop3A_281] {strides = array<i32>} : memref<40x128xf32, #tpu.memory_space<vmem>>, vector<1x16xf32>,
        %parallel_loop3A_283 = vector.shape_cast %parallel_loop3A_282 : vector<1x16xf32> to vector<16xf32>
        %parallel_loop3A_284 = vector.shape_cast %parallel_loop3A_279 : vector<16xf32> to vector<1x16xf32>
        tpu.vector_store %arg20[%parallel_loop3A_280, %parallel_loop3A_281], %parallel_loop3A_284 {strides = array<i32>} : memref<40x128xf32, #tpu.memory_space<vmem>>, vector<1x16xf32>,
        %parallel_loop3A_285 = arith.constant -65536 : i32
        %parallel_loop3A_286 = vector.broadcast %parallel_loop3A_285 : i32 to vector<16xi32>
        %parallel_loop3A_287 = arith.andi %parallel_loop3A_265, %parallel_loop3A_286 : vector<16xi32>
        %parallel_loop3A_288 = tpu.bitcast %parallel_loop3A_287 : vector<16xi32> -> vector<16xf32>
        %parallel_loop3A_289 = arith.addf %parallel_loop3A_279, %parallel_loop3A_288 : vector<16xf32>
        %parallel_loop3A_290 = arith.index_cast %parallel_loop3A_129 : i32 to index
        %parallel_loop3A_291 = arith.constant 64 : index
        %parallel_loop3A_292 = tpu.vector_load %arg21[%parallel_loop3A_290, %parallel_loop3A_291] {strides = array<i32>} : memref<40x128xf32, #tpu.memory_space<vmem>>, vector<1x16xf32>,
        %parallel_loop3A_293 = vector.shape_cast %parallel_loop3A_292 : vector<1x16xf32> to vector<16xf32>
        %parallel_loop3A_294 = vector.shape_cast %parallel_loop3A_289 : vector<16xf32> to vector<1x16xf32>
        tpu.vector_store %arg21[%parallel_loop3A_290, %parallel_loop3A_291], %parallel_loop3A_294 {strides = array<i32>} : memref<40x128xf32, #tpu.memory_space<vmem>>, vector<1x16xf32>,
        %parallel_loop3A_295 = arith.index_cast %parallel_loop3A_129 : i32 to index
        %parallel_loop3A_296 = arith.constant 80 : index
        %parallel_loop3A_297 = tpu.vector_load %arg18[%parallel_loop3A_295, %parallel_loop3A_296] {strides = array<i32>} : memref<40x128xi32, #tpu.memory_space<vmem>>, vector<1x16xi32>,
        %parallel_loop3A_298 = vector.shape_cast %parallel_loop3A_297 : vector<1x16xi32> to vector<16xi32>
        %parallel_loop3A_299 = arith.constant 16 : i32
        %parallel_loop3A_300 = vector.broadcast %parallel_loop3A_299 : i32 to vector<16xi32>
        %parallel_loop3A_301 = arith.shli %parallel_loop3A_298, %parallel_loop3A_300 : vector<16xi32>
        %parallel_loop3A_302 = tpu.bitcast %parallel_loop3A_301 : vector<16xi32> -> vector<16xf32>
        %parallel_loop3A_303 = arith.index_cast %parallel_loop3A_129 : i32 to index
        %parallel_loop3A_304 = arith.constant 80 : index
        %parallel_loop3A_305 = tpu.vector_load %arg14[%parallel_loop3A_303, %parallel_loop3A_304] {strides = array<i32>} : memref<40x128xf32, #tpu.memory_space<vmem>>, vector<1x16xf32>,
        %parallel_loop3A_306 = vector.shape_cast %parallel_loop3A_305 : vector<1x16xf32> to vector<16xf32>
        %parallel_loop3A_307 = arith.index_cast %parallel_loop3A_129 : i32 to index
        %parallel_loop3A_308 = arith.constant 80 : index
        %parallel_loop3A_309 = tpu.vector_load %arg16[%parallel_loop3A_307, %parallel_loop3A_308] {strides = array<i32>} : memref<40x128xf32, #tpu.memory_space<vmem>>, vector<1x16xf32>,
        %parallel_loop3A_310 = vector.shape_cast %parallel_loop3A_309 : vector<1x16xf32> to vector<16xf32>
        %parallel_loop3A_311 = arith.addf %parallel_loop3A_306, %parallel_loop3A_310 : vector<16xf32>
        %parallel_loop3A_312 = arith.addf %parallel_loop3A_302, %parallel_loop3A_311 : vector<16xf32>
        %parallel_loop3A_313 = arith.index_cast %parallel_loop3A_129 : i32 to index
        %parallel_loop3A_314 = arith.constant 80 : index
        %parallel_loop3A_315 = tpu.vector_load %arg20[%parallel_loop3A_313, %parallel_loop3A_314] {strides = array<i32>} : memref<40x128xf32, #tpu.memory_space<vmem>>, vector<1x16xf32>,
        %parallel_loop3A_316 = vector.shape_cast %parallel_loop3A_315 : vector<1x16xf32> to vector<16xf32>
        %parallel_loop3A_317 = vector.shape_cast %parallel_loop3A_312 : vector<16xf32> to vector<1x16xf32>
        tpu.vector_store %arg20[%parallel_loop3A_313, %parallel_loop3A_314], %parallel_loop3A_317 {strides = array<i32>} : memref<40x128xf32, #tpu.memory_space<vmem>>, vector<1x16xf32>,
        %parallel_loop3A_318 = arith.constant -65536 : i32
        %parallel_loop3A_319 = vector.broadcast %parallel_loop3A_318 : i32 to vector<16xi32>
        %parallel_loop3A_320 = arith.andi %parallel_loop3A_298, %parallel_loop3A_319 : vector<16xi32>
        %parallel_loop3A_321 = tpu.bitcast %parallel_loop3A_320 : vector<16xi32> -> vector<16xf32>
        %parallel_loop3A_322 = arith.addf %parallel_loop3A_312, %parallel_loop3A_321 : vector<16xf32>
        %parallel_loop3A_323 = arith.index_cast %parallel_loop3A_129 : i32 to index
        %parallel_loop3A_324 = arith.constant 80 : index
        %parallel_loop3A_325 = tpu.vector_load %arg21[%parallel_loop3A_323, %parallel_loop3A_324] {strides = array<i32>} : memref<40x128xf32, #tpu.memory_space<vmem>>, vector<1x16xf32>,
        %parallel_loop3A_326 = vector.shape_cast %parallel_loop3A_325 : vector<1x16xf32> to vector<16xf32>
        %parallel_loop3A_327 = vector.shape_cast %parallel_loop3A_322 : vector<16xf32> to vector<1x16xf32>
        tpu.vector_store %arg21[%parallel_loop3A_323, %parallel_loop3A_324], %parallel_loop3A_327 {strides = array<i32>} : memref<40x128xf32, #tpu.memory_space<vmem>>, vector<1x16xf32>,
        %parallel_loop3A_328 = arith.index_cast %parallel_loop3A_129 : i32 to index
        %parallel_loop3A_329 = arith.constant 96 : index
        %parallel_loop3A_330 = tpu.vector_load %arg18[%parallel_loop3A_328, %parallel_loop3A_329] {strides = array<i32>} : memref<40x128xi32, #tpu.memory_space<vmem>>, vector<1x16xi32>,
        %parallel_loop3A_331 = vector.shape_cast %parallel_loop3A_330 : vector<1x16xi32> to vector<16xi32>
        %parallel_loop3A_332 = arith.constant 16 : i32
        %parallel_loop3A_333 = vector.broadcast %parallel_loop3A_332 : i32 to vector<16xi32>
        %parallel_loop3A_334 = arith.shli %parallel_loop3A_331, %parallel_loop3A_333 : vector<16xi32>
        %parallel_loop3A_335 = tpu.bitcast %parallel_loop3A_334 : vector<16xi32> -> vector<16xf32>
        %parallel_loop3A_336 = arith.index_cast %parallel_loop3A_129 : i32 to index
        %parallel_loop3A_337 = arith.constant 96 : index
        %parallel_loop3A_338 = tpu.vector_load %arg14[%parallel_loop3A_336, %parallel_loop3A_337] {strides = array<i32>} : memref<40x128xf32, #tpu.memory_space<vmem>>, vector<1x16xf32>,
        %parallel_loop3A_339 = vector.shape_cast %parallel_loop3A_338 : vector<1x16xf32> to vector<16xf32>
        %parallel_loop3A_340 = arith.index_cast %parallel_loop3A_129 : i32 to index
        %parallel_loop3A_341 = arith.constant 96 : index
        %parallel_loop3A_342 = tpu.vector_load %arg16[%parallel_loop3A_340, %parallel_loop3A_341] {strides = array<i32>} : memref<40x128xf32, #tpu.memory_space<vmem>>, vector<1x16xf32>,
        %parallel_loop3A_343 = vector.shape_cast %parallel_loop3A_342 : vector<1x16xf32> to vector<16xf32>
        %parallel_loop3A_344 = arith.addf %parallel_loop3A_339, %parallel_loop3A_343 : vector<16xf32>
        %parallel_loop3A_345 = arith.addf %parallel_loop3A_335, %parallel_loop3A_344 : vector<16xf32>
        %parallel_loop3A_346 = arith.index_cast %parallel_loop3A_129 : i32 to index
        %parallel_loop3A_347 = arith.constant 96 : index
        %parallel_loop3A_348 = tpu.vector_load %arg20[%parallel_loop3A_346, %parallel_loop3A_347] {strides = array<i32>} : memref<40x128xf32, #tpu.memory_space<vmem>>, vector<1x16xf32>,
        %parallel_loop3A_349 = vector.shape_cast %parallel_loop3A_348 : vector<1x16xf32> to vector<16xf32>
        %parallel_loop3A_350 = vector.shape_cast %parallel_loop3A_345 : vector<16xf32> to vector<1x16xf32>
        tpu.vector_store %arg20[%parallel_loop3A_346, %parallel_loop3A_347], %parallel_loop3A_350 {strides = array<i32>} : memref<40x128xf32, #tpu.memory_space<vmem>>, vector<1x16xf32>,
        %parallel_loop3A_351 = arith.constant -65536 : i32
        %parallel_loop3A_352 = vector.broadcast %parallel_loop3A_351 : i32 to vector<16xi32>
        %parallel_loop3A_353 = arith.andi %parallel_loop3A_331, %parallel_loop3A_352 : vector<16xi32>
        %parallel_loop3A_354 = tpu.bitcast %parallel_loop3A_353 : vector<16xi32> -> vector<16xf32>
        %parallel_loop3A_355 = arith.addf %parallel_loop3A_345, %parallel_loop3A_354 : vector<16xf32>
        %parallel_loop3A_356 = arith.index_cast %parallel_loop3A_129 : i32 to index
        %parallel_loop3A_357 = arith.constant 96 : index
        %parallel_loop3A_358 = tpu.vector_load %arg21[%parallel_loop3A_356, %parallel_loop3A_357] {strides = array<i32>} : memref<40x128xf32, #tpu.memory_space<vmem>>, vector<1x16xf32>,
        %parallel_loop3A_359 = vector.shape_cast %parallel_loop3A_358 : vector<1x16xf32> to vector<16xf32>
        %parallel_loop3A_360 = vector.shape_cast %parallel_loop3A_355 : vector<16xf32> to vector<1x16xf32>
        tpu.vector_store %arg21[%parallel_loop3A_356, %parallel_loop3A_357], %parallel_loop3A_360 {strides = array<i32>} : memref<40x128xf32, #tpu.memory_space<vmem>>, vector<1x16xf32>,
        %parallel_loop3A_361 = arith.index_cast %parallel_loop3A_129 : i32 to index
        %parallel_loop3A_362 = arith.constant 112 : index
        %parallel_loop3A_363 = tpu.vector_load %arg18[%parallel_loop3A_361, %parallel_loop3A_362] {strides = array<i32>} : memref<40x128xi32, #tpu.memory_space<vmem>>, vector<1x16xi32>,
        %parallel_loop3A_364 = vector.shape_cast %parallel_loop3A_363 : vector<1x16xi32> to vector<16xi32>
        %parallel_loop3A_365 = arith.constant 16 : i32
        %parallel_loop3A_366 = vector.broadcast %parallel_loop3A_365 : i32 to vector<16xi32>
        %parallel_loop3A_367 = arith.shli %parallel_loop3A_364, %parallel_loop3A_366 : vector<16xi32>
        %parallel_loop3A_368 = tpu.bitcast %parallel_loop3A_367 : vector<16xi32> -> vector<16xf32>
        %parallel_loop3A_369 = arith.index_cast %parallel_loop3A_129 : i32 to index
        %parallel_loop3A_370 = arith.constant 112 : index
        %parallel_loop3A_371 = tpu.vector_load %arg14[%parallel_loop3A_369, %parallel_loop3A_370] {strides = array<i32>} : memref<40x128xf32, #tpu.memory_space<vmem>>, vector<1x16xf32>,
        %parallel_loop3A_372 = vector.shape_cast %parallel_loop3A_371 : vector<1x16xf32> to vector<16xf32>
        %parallel_loop3A_373 = arith.index_cast %parallel_loop3A_129 : i32 to index
        %parallel_loop3A_374 = arith.constant 112 : index
        %parallel_loop3A_375 = tpu.vector_load %arg16[%parallel_loop3A_373, %parallel_loop3A_374] {strides = array<i32>} : memref<40x128xf32, #tpu.memory_space<vmem>>, vector<1x16xf32>,
        %parallel_loop3A_376 = vector.shape_cast %parallel_loop3A_375 : vector<1x16xf32> to vector<16xf32>
        %parallel_loop3A_377 = arith.addf %parallel_loop3A_372, %parallel_loop3A_376 : vector<16xf32>
        %parallel_loop3A_378 = arith.addf %parallel_loop3A_368, %parallel_loop3A_377 : vector<16xf32>
        %parallel_loop3A_379 = arith.index_cast %parallel_loop3A_129 : i32 to index
        %parallel_loop3A_380 = arith.constant 112 : index
        %parallel_loop3A_381 = tpu.vector_load %arg20[%parallel_loop3A_379, %parallel_loop3A_380] {strides = array<i32>} : memref<40x128xf32, #tpu.memory_space<vmem>>, vector<1x16xf32>,
        %parallel_loop3A_382 = vector.shape_cast %parallel_loop3A_381 : vector<1x16xf32> to vector<16xf32>
        %parallel_loop3A_383 = vector.shape_cast %parallel_loop3A_378 : vector<16xf32> to vector<1x16xf32>
        tpu.vector_store %arg20[%parallel_loop3A_379, %parallel_loop3A_380], %parallel_loop3A_383 {strides = array<i32>} : memref<40x128xf32, #tpu.memory_space<vmem>>, vector<1x16xf32>,
        %parallel_loop3A_384 = arith.constant -65536 : i32
        %parallel_loop3A_385 = vector.broadcast %parallel_loop3A_384 : i32 to vector<16xi32>
        %parallel_loop3A_386 = arith.andi %parallel_loop3A_364, %parallel_loop3A_385 : vector<16xi32>
        %parallel_loop3A_387 = tpu.bitcast %parallel_loop3A_386 : vector<16xi32> -> vector<16xf32>
        %parallel_loop3A_388 = arith.addf %parallel_loop3A_378, %parallel_loop3A_387 : vector<16xf32>
        %parallel_loop3A_389 = arith.index_cast %parallel_loop3A_129 : i32 to index
        %parallel_loop3A_390 = arith.constant 112 : index
        %parallel_loop3A_391 = tpu.vector_load %arg21[%parallel_loop3A_389, %parallel_loop3A_390] {strides = array<i32>} : memref<40x128xf32, #tpu.memory_space<vmem>>, vector<1x16xf32>,
        %parallel_loop3A_392 = vector.shape_cast %parallel_loop3A_391 : vector<1x16xf32> to vector<16xf32>
        %parallel_loop3A_393 = vector.shape_cast %parallel_loop3A_388 : vector<16xf32> to vector<1x16xf32>
        tpu.vector_store %arg21[%parallel_loop3A_389, %parallel_loop3A_390], %parallel_loop3A_393 {strides = array<i32>} : memref<40x128xf32, #tpu.memory_space<vmem>>, vector<1x16xf32>,
      } {sc.loop_unroll_factor = 4 : i64, sc.parallel_access}
      %dma_start3A_121 = arith.constant 0 : i32
      %dma_start3A_122 = tpu.memref_slice %arg7[%add3A_108, %dma_start3A_121] : memref<320000x128xf32, #tpu.memory_space<hbm>> -> memref<40x128xf32, #tpu.memory_space<hbm>>
      %dma_start3A_123 = arith.constant 0 : i32
      %dma_start3A_124 = tpu.memref_slice %arg7[%add3A_108, %dma_start3A_123] : memref<320000x128xf32, #tpu.memory_space<hbm>> -> memref<40x128xf32, #tpu.memory_space<hbm>>
      tpu.enqueue_dma source(%arg21 : memref<40x128xf32, #tpu.memory_space<vmem>>) target(%dma_start3A_124 : memref<40x128xf32, #tpu.memory_space<hbm>>) target_semaphore(%arg29 : memref<!tpu.dma_semaphore, #tpu.memory_space<semaphore_mem>>)
      %dma_start3A_125 = arith.constant 0 : i32
      %dma_start3A_126 = arith.constant 0 : i32
      %dma_start3A_127 = tpu.memref_slice %arg22[%dma_start3A_125, %dma_start3A_126] : memref<10240x128xf32, #tpu.memory_space<vmem_shared>> -> memref<10240x128xf32, #tpu.memory_space<vmem_shared>>
      tpu.enqueue_indirect_dma source(%arg20 : memref<40x128xf32, #tpu.memory_space<vmem>>) target(%dma_start3A_127 : memref<10240x128xf32, #tpu.memory_space<vmem_shared>>) offsets(%arg12 : memref<40xi32, #tpu.memory_space<vmem>>) semaphore(%arg31 : memref<!tpu.dma_semaphore, #tpu.memory_space<semaphore_mem>>) {add = true}
      %scan3A_128 = arith.constant 0 : i32
      scf.yield %scan3A_128 : i32
    }
    %scan3A_34 = arith.constant 125 : i32
    %dma_wait3A = arith.constant 0 : i32
    %dma_wait3A_35 = arith.constant 0 : i32
    %dma_wait3A_36 = tpu.memref_slice %arg7[%dma_wait3A, %dma_wait3A_35] : memref<320000x128xf32, #tpu.memory_space<hbm>> -> memref<40x128xf32, #tpu.memory_space<hbm>>
    %dma_wait3A_37 = arith.constant 0 : i32
    %dma_wait3A_38 = arith.constant 0 : i32
    %dma_wait3A_39 = tpu.memref_slice %arg7[%dma_wait3A_37, %dma_wait3A_38] : memref<320000x128xf32, #tpu.memory_space<hbm>> -> memref<40x128xf32, #tpu.memory_space<hbm>>
    tpu.wait_dma2 semaphore(%arg29 : memref<!tpu.dma_semaphore, #tpu.memory_space<semaphore_mem>>) src(%arg21 : memref<40x128xf32, #tpu.memory_space<vmem>>) dst(%dma_wait3A_39 : memref<40x128xf32, #tpu.memory_space<hbm>>)
    %dma_wait3A_40 = arith.constant 0 : i32
    %dma_wait3A_41 = arith.constant 0 : i32
    %dma_wait3A_42 = tpu.memref_slice %arg22[%dma_wait3A_40, %dma_wait3A_41] : memref<10240x128xf32, #tpu.memory_space<vmem_shared>> -> memref<10240x128xf32, #tpu.memory_space<vmem_shared>>
    tpu.wait_indirect_dma semaphore(%arg30 : memref<!tpu.dma_semaphore, #tpu.memory_space<semaphore_mem>>) src(%arg19 : memref<40x128xf32, #tpu.memory_space<vmem>>) dst(%dma_wait3A_42 : memref<10240x128xf32, #tpu.memory_space<vmem_shared>>)
    %dma_wait3A_43 = arith.constant 0 : i32
    %dma_wait3A_44 = arith.constant 0 : i32
    %dma_wait3A_45 = tpu.memref_slice %arg22[%dma_wait3A_43, %dma_wait3A_44] : memref<10240x128xf32, #tpu.memory_space<vmem_shared>> -> memref<10240x128xf32, #tpu.memory_space<vmem_shared>>
    tpu.wait_indirect_dma semaphore(%arg31 : memref<!tpu.dma_semaphore, #tpu.memory_space<semaphore_mem>>) src(%arg20 : memref<40x128xf32, #tpu.memory_space<vmem>>) dst(%dma_wait3A_45 : memref<10240x128xf32, #tpu.memory_space<vmem_shared>>)
    %barrier3A_46 = arith.constant 0 : index
    tpu.barrier barrier_id(%barrier3A_46)
    %mul3A_47 = arith.constant 640 : i32
    %mul3A_48 = arith.muli %arg1, %mul3A_47 : i32
    %mul3A_49 = arith.constant 640 : i32
    %mul3A_50 = arith.muli %arg1, %mul3A_49 : i32
    "tpu.region"() ({
      %run_scoped3A = tpu.sem_alloc : memref<!tpu.dma_semaphore, #tpu.memory_space<semaphore_mem>>
      %dma_start3A_51 = arith.constant 0 : i32
      %dma_start3A_52 = tpu.memref_slice %arg8[%arg0, %mul3A_50, %dma_start3A_51] : memref<2x10240x128xf32, #tpu.memory_space<hbm>> -> memref<1x640x128xf32, #tpu.memory_space<hbm>>
      %dma_start3A_53 = tpu.memref_squeeze %dma_start3A_52 : memref<1x640x128xf32, #tpu.memory_space<hbm>> -> memref<640x128xf32, #tpu.memory_space<hbm>>
      %dma_start3A_54 = arith.constant 0 : i32
      %dma_start3A_55 = tpu.memref_slice %arg22[%mul3A_48, %dma_start3A_54] : memref<10240x128xf32, #tpu.memory_space<vmem_shared>> -> memref<640x128xf32, #tpu.memory_space<vmem_shared>>
      tpu.enqueue_dma source(%dma_start3A_55 : memref<640x128xf32, #tpu.memory_space<vmem_shared>>) target(%dma_start3A_53 : memref<640x128xf32, #tpu.memory_space<hbm>>) target_semaphore(%run_scoped3A : memref<!tpu.dma_semaphore, #tpu.memory_space<semaphore_mem>>)
      %dma_wait3A_56 = arith.constant 0 : i32
      %dma_wait3A_57 = tpu.memref_slice %arg8[%arg0, %mul3A_50, %dma_wait3A_56] : memref<2x10240x128xf32, #tpu.memory_space<hbm>> -> memref<1x640x128xf32, #tpu.memory_space<hbm>>
      %dma_wait3A_58 = tpu.memref_squeeze %dma_wait3A_57 : memref<1x640x128xf32, #tpu.memory_space<hbm>> -> memref<640x128xf32, #tpu.memory_space<hbm>>
      %dma_wait3A_59 = arith.constant 0 : i32
      %dma_wait3A_60 = tpu.memref_slice %arg22[%mul3A_48, %dma_wait3A_59] : memref<10240x128xf32, #tpu.memory_space<vmem_shared>> -> memref<640x128xf32, #tpu.memory_space<vmem_shared>>
      tpu.wait_dma2 semaphore(%run_scoped3A : memref<!tpu.dma_semaphore, #tpu.memory_space<semaphore_mem>>) src(%dma_wait3A_60 : memref<640x128xf32, #tpu.memory_space<vmem_shared>>) dst(%dma_wait3A_58 : memref<640x128xf32, #tpu.memory_space<hbm>>)
      tpu.yield
    }) : () -> ()
    return
  }
}

module attributes {stable_mosaic.version = 14 : i64} {
  func.func @body(%arg0: i32, %arg1: memref<1000x128xf32, #tpu.memory_space<vmem>>, %arg2: memref<128x128xf32, #tpu.memory_space<vmem>>, %arg3: memref<1x128xf32, #tpu.memory_space<vmem>>, %arg4: memref<128x128xf32, #tpu.memory_space<vmem>>, %arg5: memref<1x128xf32, #tpu.memory_space<vmem>>, %arg6: memref<128x128xf32, #tpu.memory_space<vmem>>, %arg7: memref<1x128xf32, #tpu.memory_space<vmem>>, %arg8: memref<128x128xf32, #tpu.memory_space<vmem>>, %arg9: memref<1x128xf32, #tpu.memory_space<vmem>>, %arg10: memref<128x128xf32, #tpu.memory_space<vmem>>, %arg11: memref<1x128xf32, #tpu.memory_space<vmem>>, %arg12: memref<128x128xf32, #tpu.memory_space<vmem>>, %arg13: memref<1x128xf32, #tpu.memory_space<vmem>>, %arg14: memref<128x128xf32, #tpu.memory_space<vmem>>, %arg15: memref<1x128xf32, #tpu.memory_space<vmem>>, %arg16: memref<128x128xf32, #tpu.memory_space<vmem>>, %arg17: memref<1x128xf32, #tpu.memory_space<vmem>>, %arg18: memref<1000x128xf32, #tpu.memory_space<vmem>>, %arg19: memref<1000x128xf32, #tpu.memory_space<vmem>>) attributes {dimension_semantics = [#tpu.dimension_semantics<arbitrary>], iteration_bounds = array<i64: 10>, scalar_prefetch = 0 : i64, scratch_operands = 0 : i64, tpu.core_type = #tpu.core_type<tc>, window_params = [{transform_indices = @transform_0, window_bounds = array<i64: 1000, 128>}, {pipeline_mode = #tpu.pipeline_mode<synchronous>, transform_indices = @transform_1, window_bounds = array<i64: 128, 128>}, {pipeline_mode = #tpu.pipeline_mode<synchronous>, transform_indices = @transform_2, window_bounds = array<i64: 1, 128>}, {pipeline_mode = #tpu.pipeline_mode<synchronous>, transform_indices = @transform_3, window_bounds = array<i64: 128, 128>}, {pipeline_mode = #tpu.pipeline_mode<synchronous>, transform_indices = @transform_4, window_bounds = array<i64: 1, 128>}, {pipeline_mode = #tpu.pipeline_mode<synchronous>, transform_indices = @transform_5, window_bounds = array<i64: 128, 128>}, {pipeline_mode = #tpu.pipeline_mode<synchronous>, transform_indices = @transform_6, window_bounds = array<i64: 1, 128>}, {pipeline_mode = #tpu.pipeline_mode<synchronous>, transform_indices = @transform_7, window_bounds = array<i64: 128, 128>}, {pipeline_mode = #tpu.pipeline_mode<synchronous>, transform_indices = @transform_8, window_bounds = array<i64: 1, 128>}, {pipeline_mode = #tpu.pipeline_mode<synchronous>, transform_indices = @transform_9, window_bounds = array<i64: 128, 128>}, {pipeline_mode = #tpu.pipeline_mode<synchronous>, transform_indices = @transform_10, window_bounds = array<i64: 1, 128>}, {pipeline_mode = #tpu.pipeline_mode<synchronous>, transform_indices = @transform_11, window_bounds = array<i64: 128, 128>}, {pipeline_mode = #tpu.pipeline_mode<synchronous>, transform_indices = @transform_12, window_bounds = array<i64: 1, 128>}, {pipeline_mode = #tpu.pipeline_mode<synchronous>, transform_indices = @transform_13, window_bounds = array<i64: 128, 128>}, {pipeline_mode = #tpu.pipeline_mode<synchronous>, transform_indices = @transform_14, window_bounds = array<i64: 1, 128>}, {pipeline_mode = #tpu.pipeline_mode<synchronous>, transform_indices = @transform_15, window_bounds = array<i64: 128, 128>}, {pipeline_mode = #tpu.pipeline_mode<synchronous>, transform_indices = @transform_16, window_bounds = array<i64: 1, 128>}, {transform_indices = @transform_17, window_bounds = array<i64: 1000, 128>}, {transform_indices = @transform_18, window_bounds = array<i64: 1000, 128>}]} {
    %get3A = arith.constant 0 : index
    %get3A_0 = arith.constant 0 : index
    %get3A_1 = vector.load %arg1[%get3A, %get3A_0] : memref<1000x128xf32, #tpu.memory_space<vmem>>, vector<1000x128xf32>
    %get3A_2 = arith.constant 0 : index
    %get3A_3 = arith.constant 0 : index
    %get3A_4 = vector.load %arg2[%get3A_2, %get3A_3] : memref<128x128xf32, #tpu.memory_space<vmem>>, vector<128x128xf32>
    %get3A_5 = arith.constant 0 : index
    %get3A_6 = arith.constant 0 : index
    %get3A_7 = vector.load %arg3[%get3A_5, %get3A_6] : memref<1x128xf32, #tpu.memory_space<vmem>>, vector<1x128xf32>
    %dot_general3A = arith.constant dense<0.000000e+00> : vector<1000x128xf32>
    %dot_general3A_8 = tpu.matmul %get3A_1, %get3A_4, %dot_general3A {dimension_numbers = #tpu.dot_dimension_numbers<[1], [0], [0], [1], [0, 0, 1, 1], [], []>, transpose_lhs_hint = false} : vector<1000x128xf32>, vector<128x128xf32>, vector<1000x128xf32> -> vector<1000x128xf32>
    %add3A = vector.broadcast %get3A_7 : vector<1x128xf32> to vector<1000x128xf32>
    %add3A_9 = arith.addf %dot_general3A_8, %add3A : vector<1000x128xf32>
    %max3A = arith.constant 0.000000e+00 : f32
    %max3A_10 = vector.broadcast %max3A : f32 to vector<1000x128xf32>
    %max3A_11 = arith.maximumf %add3A_9, %max3A_10 : vector<1000x128xf32>
    %get3A_12 = arith.constant 0 : index
    %get3A_13 = arith.constant 0 : index
    %get3A_14 = vector.load %arg4[%get3A_12, %get3A_13] : memref<128x128xf32, #tpu.memory_space<vmem>>, vector<128x128xf32>
    %get3A_15 = arith.constant 0 : index
    %get3A_16 = arith.constant 0 : index
    %get3A_17 = vector.load %arg5[%get3A_15, %get3A_16] : memref<1x128xf32, #tpu.memory_space<vmem>>, vector<1x128xf32>
    %dot_general3A_18 = arith.constant dense<0.000000e+00> : vector<1000x128xf32>
    %dot_general3A_19 = tpu.matmul %max3A_11, %get3A_14, %dot_general3A_18 {dimension_numbers = #tpu.dot_dimension_numbers<[1], [0], [0], [1], [0, 0, 1, 1], [], []>, transpose_lhs_hint = false} : vector<1000x128xf32>, vector<128x128xf32>, vector<1000x128xf32> -> vector<1000x128xf32>
    %add3A_20 = vector.broadcast %get3A_17 : vector<1x128xf32> to vector<1000x128xf32>
    %add3A_21 = arith.addf %dot_general3A_19, %add3A_20 : vector<1000x128xf32>
    %max3A_22 = arith.constant 0.000000e+00 : f32
    %max3A_23 = vector.broadcast %max3A_22 : f32 to vector<1000x128xf32>
    %max3A_24 = arith.maximumf %add3A_21, %max3A_23 : vector<1000x128xf32>
    %get3A_25 = arith.constant 0 : index
    %get3A_26 = arith.constant 0 : index
    %get3A_27 = vector.load %arg6[%get3A_25, %get3A_26] : memref<128x128xf32, #tpu.memory_space<vmem>>, vector<128x128xf32>
    %get3A_28 = arith.constant 0 : index
    %get3A_29 = arith.constant 0 : index
    %get3A_30 = vector.load %arg7[%get3A_28, %get3A_29] : memref<1x128xf32, #tpu.memory_space<vmem>>, vector<1x128xf32>
    %dot_general3A_31 = arith.constant dense<0.000000e+00> : vector<1000x128xf32>
    %dot_general3A_32 = tpu.matmul %max3A_24, %get3A_27, %dot_general3A_31 {dimension_numbers = #tpu.dot_dimension_numbers<[1], [0], [0], [1], [0, 0, 1, 1], [], []>, transpose_lhs_hint = false} : vector<1000x128xf32>, vector<128x128xf32>, vector<1000x128xf32> -> vector<1000x128xf32>
    %add3A_33 = vector.broadcast %get3A_30 : vector<1x128xf32> to vector<1000x128xf32>
    %add3A_34 = arith.addf %dot_general3A_32, %add3A_33 : vector<1000x128xf32>
    %max3A_35 = arith.constant 0.000000e+00 : f32
    %max3A_36 = vector.broadcast %max3A_35 : f32 to vector<1000x128xf32>
    %max3A_37 = arith.maximumf %add3A_34, %max3A_36 : vector<1000x128xf32>
    %get3A_38 = arith.constant 0 : index
    %get3A_39 = arith.constant 0 : index
    %get3A_40 = vector.load %arg8[%get3A_38, %get3A_39] : memref<128x128xf32, #tpu.memory_space<vmem>>, vector<128x128xf32>
    %get3A_41 = arith.constant 0 : index
    %get3A_42 = arith.constant 0 : index
    %get3A_43 = vector.load %arg9[%get3A_41, %get3A_42] : memref<1x128xf32, #tpu.memory_space<vmem>>, vector<1x128xf32>
    %dot_general3A_44 = arith.constant dense<0.000000e+00> : vector<1000x128xf32>
    %dot_general3A_45 = tpu.matmul %max3A_37, %get3A_40, %dot_general3A_44 {dimension_numbers = #tpu.dot_dimension_numbers<[1], [0], [0], [1], [0, 0, 1, 1], [], []>, transpose_lhs_hint = false} : vector<1000x128xf32>, vector<128x128xf32>, vector<1000x128xf32> -> vector<1000x128xf32>
    %add3A_46 = vector.broadcast %get3A_43 : vector<1x128xf32> to vector<1000x128xf32>
    %add3A_47 = arith.addf %dot_general3A_45, %add3A_46 : vector<1000x128xf32>
    %swap3A = arith.constant 0 : index
    %swap3A_48 = arith.constant 0 : index
    %swap3A_49 = vector.load %arg18[%swap3A, %swap3A_48] : memref<1000x128xf32, #tpu.memory_space<vmem>>, vector<1000x128xf32>
    tpu.vector_store %arg18[%swap3A, %swap3A_48], %add3A_47 {strides = array<i32>} : memref<1000x128xf32, #tpu.memory_space<vmem>>, vector<1000x128xf32>,
    %get3A_50 = arith.constant 0 : index
    %get3A_51 = arith.constant 0 : index
    %get3A_52 = vector.load %arg1[%get3A_50, %get3A_51] : memref<1000x128xf32, #tpu.memory_space<vmem>>, vector<1000x128xf32>
    %get3A_53 = arith.constant 0 : index
    %get3A_54 = arith.constant 0 : index
    %get3A_55 = vector.load %arg10[%get3A_53, %get3A_54] : memref<128x128xf32, #tpu.memory_space<vmem>>, vector<128x128xf32>
    %get3A_56 = arith.constant 0 : index
    %get3A_57 = arith.constant 0 : index
    %get3A_58 = vector.load %arg11[%get3A_56, %get3A_57] : memref<1x128xf32, #tpu.memory_space<vmem>>, vector<1x128xf32>
    %dot_general3A_59 = arith.constant dense<0.000000e+00> : vector<1000x128xf32>
    %dot_general3A_60 = tpu.matmul %get3A_52, %get3A_55, %dot_general3A_59 {dimension_numbers = #tpu.dot_dimension_numbers<[1], [0], [0], [1], [0, 0, 1, 1], [], []>, transpose_lhs_hint = false} : vector<1000x128xf32>, vector<128x128xf32>, vector<1000x128xf32> -> vector<1000x128xf32>
    %add3A_61 = vector.broadcast %get3A_58 : vector<1x128xf32> to vector<1000x128xf32>
    %add3A_62 = arith.addf %dot_general3A_60, %add3A_61 : vector<1000x128xf32>
    %max3A_63 = arith.constant 0.000000e+00 : f32
    %max3A_64 = vector.broadcast %max3A_63 : f32 to vector<1000x128xf32>
    %max3A_65 = arith.maximumf %add3A_62, %max3A_64 : vector<1000x128xf32>
    %get3A_66 = arith.constant 0 : index
    %get3A_67 = arith.constant 0 : index
    %get3A_68 = vector.load %arg12[%get3A_66, %get3A_67] : memref<128x128xf32, #tpu.memory_space<vmem>>, vector<128x128xf32>
    %get3A_69 = arith.constant 0 : index
    %get3A_70 = arith.constant 0 : index
    %get3A_71 = vector.load %arg13[%get3A_69, %get3A_70] : memref<1x128xf32, #tpu.memory_space<vmem>>, vector<1x128xf32>
    %dot_general3A_72 = arith.constant dense<0.000000e+00> : vector<1000x128xf32>
    %dot_general3A_73 = tpu.matmul %max3A_65, %get3A_68, %dot_general3A_72 {dimension_numbers = #tpu.dot_dimension_numbers<[1], [0], [0], [1], [0, 0, 1, 1], [], []>, transpose_lhs_hint = false} : vector<1000x128xf32>, vector<128x128xf32>, vector<1000x128xf32> -> vector<1000x128xf32>
    %add3A_74 = vector.broadcast %get3A_71 : vector<1x128xf32> to vector<1000x128xf32>
    %add3A_75 = arith.addf %dot_general3A_73, %add3A_74 : vector<1000x128xf32>
    %max3A_76 = arith.constant 0.000000e+00 : f32
    %max3A_77 = vector.broadcast %max3A_76 : f32 to vector<1000x128xf32>
    %max3A_78 = arith.maximumf %add3A_75, %max3A_77 : vector<1000x128xf32>
    %get3A_79 = arith.constant 0 : index
    %get3A_80 = arith.constant 0 : index
    %get3A_81 = vector.load %arg14[%get3A_79, %get3A_80] : memref<128x128xf32, #tpu.memory_space<vmem>>, vector<128x128xf32>
    %get3A_82 = arith.constant 0 : index
    %get3A_83 = arith.constant 0 : index
    %get3A_84 = vector.load %arg15[%get3A_82, %get3A_83] : memref<1x128xf32, #tpu.memory_space<vmem>>, vector<1x128xf32>
    %dot_general3A_85 = arith.constant dense<0.000000e+00> : vector<1000x128xf32>
    %dot_general3A_86 = tpu.matmul %max3A_78, %get3A_81, %dot_general3A_85 {dimension_numbers = #tpu.dot_dimension_numbers<[1], [0], [0], [1], [0, 0, 1, 1], [], []>, transpose_lhs_hint = false} : vector<1000x128xf32>, vector<128x128xf32>, vector<1000x128xf32> -> vector<1000x128xf32>
    %add3A_87 = vector.broadcast %get3A_84 : vector<1x128xf32> to vector<1000x128xf32>
    %add3A_88 = arith.addf %dot_general3A_86, %add3A_87 : vector<1000x128xf32>
    %max3A_89 = arith.constant 0.000000e+00 : f32
    %max3A_90 = vector.broadcast %max3A_89 : f32 to vector<1000x128xf32>
    %max3A_91 = arith.maximumf %add3A_88, %max3A_90 : vector<1000x128xf32>
    %get3A_92 = arith.constant 0 : index
    %get3A_93 = arith.constant 0 : index
    %get3A_94 = vector.load %arg16[%get3A_92, %get3A_93] : memref<128x128xf32, #tpu.memory_space<vmem>>, vector<128x128xf32>
    %get3A_95 = arith.constant 0 : index
    %get3A_96 = arith.constant 0 : index
    %get3A_97 = vector.load %arg17[%get3A_95, %get3A_96] : memref<1x128xf32, #tpu.memory_space<vmem>>, vector<1x128xf32>
    %dot_general3A_98 = arith.constant dense<0.000000e+00> : vector<1000x128xf32>
    %dot_general3A_99 = tpu.matmul %max3A_91, %get3A_94, %dot_general3A_98 {dimension_numbers = #tpu.dot_dimension_numbers<[1], [0], [0], [1], [0, 0, 1, 1], [], []>, transpose_lhs_hint = false} : vector<1000x128xf32>, vector<128x128xf32>, vector<1000x128xf32> -> vector<1000x128xf32>
    %add3A_100 = vector.broadcast %get3A_97 : vector<1x128xf32> to vector<1000x128xf32>
    %add3A_101 = arith.addf %dot_general3A_99, %add3A_100 : vector<1000x128xf32>
    %swap3A_102 = arith.constant 0 : index
    %swap3A_103 = arith.constant 0 : index
    %swap3A_104 = vector.load %arg19[%swap3A_102, %swap3A_103] : memref<1000x128xf32, #tpu.memory_space<vmem>>, vector<1000x128xf32>
    tpu.vector_store %arg19[%swap3A_102, %swap3A_103], %add3A_101 {strides = array<i32>} : memref<1000x128xf32, #tpu.memory_space<vmem>>, vector<1000x128xf32>,
    return
  }
  func.func @transform_0(%arg0: i32) -> (i32, i32) {
    %c0_i32 = arith.constant 0 : i32
    %c0_i32_0 = arith.constant 0 : i32
    return %arg0, %c0_i32 : i32, i32
  }
  func.func @transform_1(%arg0: i32) -> (i32, i32) {
    %c0_i32 = arith.constant 0 : i32
    %c0_i32_0 = arith.constant 0 : i32
    %c0_i32_1 = arith.constant 0 : i32
    return %c0_i32, %c0_i32_0 : i32, i32
  }
  func.func @transform_2(%arg0: i32) -> (i32, i32) {
    %c0_i32 = arith.constant 0 : i32
    %c0_i32_0 = arith.constant 0 : i32
    %c0_i32_1 = arith.constant 0 : i32
    return %c0_i32, %c0_i32_0 : i32, i32
  }
  func.func @transform_3(%arg0: i32) -> (i32, i32) {
    %c0_i32 = arith.constant 0 : i32
    %c0_i32_0 = arith.constant 0 : i32
    %c0_i32_1 = arith.constant 0 : i32
    return %c0_i32, %c0_i32_0 : i32, i32
  }
  func.func @transform_4(%arg0: i32) -> (i32, i32) {
    %c0_i32 = arith.constant 0 : i32
    %c0_i32_0 = arith.constant 0 : i32
    %c0_i32_1 = arith.constant 0 : i32
    return %c0_i32, %c0_i32_0 : i32, i32
  }
  func.func @transform_5(%arg0: i32) -> (i32, i32) {
    %c0_i32 = arith.constant 0 : i32
    %c0_i32_0 = arith.constant 0 : i32
    %c0_i32_1 = arith.constant 0 : i32
    return %c0_i32, %c0_i32_0 : i32, i32
  }
  func.func @transform_6(%arg0: i32) -> (i32, i32) {
    %c0_i32 = arith.constant 0 : i32
    %c0_i32_0 = arith.constant 0 : i32
    %c0_i32_1 = arith.constant 0 : i32
    return %c0_i32, %c0_i32_0 : i32, i32
  }
  func.func @transform_7(%arg0: i32) -> (i32, i32) {
    %c0_i32 = arith.constant 0 : i32
    %c0_i32_0 = arith.constant 0 : i32
    %c0_i32_1 = arith.constant 0 : i32
    return %c0_i32, %c0_i32_0 : i32, i32
  }
  func.func @transform_8(%arg0: i32) -> (i32, i32) {
    %c0_i32 = arith.constant 0 : i32
    %c0_i32_0 = arith.constant 0 : i32
    %c0_i32_1 = arith.constant 0 : i32
    return %c0_i32, %c0_i32_0 : i32, i32
  }
  func.func @transform_9(%arg0: i32) -> (i32, i32) {
    %c0_i32 = arith.constant 0 : i32
    %c0_i32_0 = arith.constant 0 : i32
    %c0_i32_1 = arith.constant 0 : i32
    return %c0_i32, %c0_i32_0 : i32, i32
  }
  func.func @transform_10(%arg0: i32) -> (i32, i32) {
    %c0_i32 = arith.constant 0 : i32
    %c0_i32_0 = arith.constant 0 : i32
    %c0_i32_1 = arith.constant 0 : i32
    return %c0_i32, %c0_i32_0 : i32, i32
  }
  func.func @transform_11(%arg0: i32) -> (i32, i32) {
    %c0_i32 = arith.constant 0 : i32
    %c0_i32_0 = arith.constant 0 : i32
    %c0_i32_1 = arith.constant 0 : i32
    return %c0_i32, %c0_i32_0 : i32, i32
  }
  func.func @transform_12(%arg0: i32) -> (i32, i32) {
    %c0_i32 = arith.constant 0 : i32
    %c0_i32_0 = arith.constant 0 : i32
    %c0_i32_1 = arith.constant 0 : i32
    return %c0_i32, %c0_i32_0 : i32, i32
  }
  func.func @transform_13(%arg0: i32) -> (i32, i32) {
    %c0_i32 = arith.constant 0 : i32
    %c0_i32_0 = arith.constant 0 : i32
    %c0_i32_1 = arith.constant 0 : i32
    return %c0_i32, %c0_i32_0 : i32, i32
  }
  func.func @transform_14(%arg0: i32) -> (i32, i32) {
    %c0_i32 = arith.constant 0 : i32
    %c0_i32_0 = arith.constant 0 : i32
    %c0_i32_1 = arith.constant 0 : i32
    return %c0_i32, %c0_i32_0 : i32, i32
  }
  func.func @transform_15(%arg0: i32) -> (i32, i32) {
    %c0_i32 = arith.constant 0 : i32
    %c0_i32_0 = arith.constant 0 : i32
    %c0_i32_1 = arith.constant 0 : i32
    return %c0_i32, %c0_i32_0 : i32, i32
  }
  func.func @transform_16(%arg0: i32) -> (i32, i32) {
    %c0_i32 = arith.constant 0 : i32
    %c0_i32_0 = arith.constant 0 : i32
    %c0_i32_1 = arith.constant 0 : i32
    return %c0_i32, %c0_i32_0 : i32, i32
  }
  func.func @transform_17(%arg0: i32) -> (i32, i32) {
    %c0_i32 = arith.constant 0 : i32
    %c0_i32_0 = arith.constant 0 : i32
    return %arg0, %c0_i32 : i32, i32
  }
  func.func @transform_18(%arg0: i32) -> (i32, i32) {
    %c0_i32 = arith.constant 0 : i32
    %c0_i32_0 = arith.constant 0 : i32
    return %arg0, %c0_i32 : i32, i32
  }
}

module attributes {stable_mosaic.version = 14 : i64} {
  func.func @body(%arg0: i32, %arg1: memref<3200x128xf32, #tpu.memory_space<vmem>>, %arg2: memref<128x128xf32, #tpu.memory_space<vmem>>, %arg3: memref<1x128xf32, #tpu.memory_space<vmem>>, %arg4: memref<128x128xf32, #tpu.memory_space<vmem>>, %arg5: memref<1x128xf32, #tpu.memory_space<vmem>>, %arg6: memref<128x128xf32, #tpu.memory_space<vmem>>, %arg7: memref<1x128xf32, #tpu.memory_space<vmem>>, %arg8: memref<128x128xf32, #tpu.memory_space<vmem>>, %arg9: memref<1x128xf32, #tpu.memory_space<vmem>>, %arg10: memref<3200x128xi32, #tpu.memory_space<vmem>>) attributes {dimension_semantics = [#tpu.dimension_semantics<arbitrary>], iteration_bounds = array<i64: 100>, scalar_prefetch = 0 : i64, scratch_operands = 0 : i64, tpu.core_type = #tpu.core_type<tc>, window_params = [{transform_indices = @transform_0, window_bounds = array<i64: 3200, 128>}, {pipeline_mode = #tpu.pipeline_mode<synchronous>, transform_indices = @transform_1, window_bounds = array<i64: 128, 128>}, {pipeline_mode = #tpu.pipeline_mode<synchronous>, transform_indices = @transform_2, window_bounds = array<i64: 1, 128>}, {pipeline_mode = #tpu.pipeline_mode<synchronous>, transform_indices = @transform_3, window_bounds = array<i64: 128, 128>}, {pipeline_mode = #tpu.pipeline_mode<synchronous>, transform_indices = @transform_4, window_bounds = array<i64: 1, 128>}, {pipeline_mode = #tpu.pipeline_mode<synchronous>, transform_indices = @transform_5, window_bounds = array<i64: 128, 128>}, {pipeline_mode = #tpu.pipeline_mode<synchronous>, transform_indices = @transform_6, window_bounds = array<i64: 1, 128>}, {pipeline_mode = #tpu.pipeline_mode<synchronous>, transform_indices = @transform_7, window_bounds = array<i64: 128, 128>}, {pipeline_mode = #tpu.pipeline_mode<synchronous>, transform_indices = @transform_8, window_bounds = array<i64: 1, 128>}, {transform_indices = @transform_9, window_bounds = array<i64: 3200, 128>}]} {
    %get3A = arith.constant 0 : index
    %get3A_0 = arith.constant 0 : index
    %get3A_1 = vector.load %arg1[%get3A, %get3A_0] : memref<3200x128xf32, #tpu.memory_space<vmem>>, vector<3200x128xf32>
    %get3A_2 = arith.constant 0 : index
    %get3A_3 = arith.constant 0 : index
    %get3A_4 = vector.load %arg2[%get3A_2, %get3A_3] : memref<128x128xf32, #tpu.memory_space<vmem>>, vector<128x128xf32>
    %get3A_5 = arith.constant 0 : index
    %get3A_6 = arith.constant 0 : index
    %get3A_7 = vector.load %arg3[%get3A_5, %get3A_6] : memref<1x128xf32, #tpu.memory_space<vmem>>, vector<1x128xf32>
    %dot_general3A = arith.constant dense<0.000000e+00> : vector<3200x128xf32>
    %dot_general3A_8 = tpu.matmul %get3A_1, %get3A_4, %dot_general3A {dimension_numbers = #tpu.dot_dimension_numbers<[1], [0], [0], [1], [0, 0, 1, 1], [], []>, transpose_lhs_hint = false} : vector<3200x128xf32>, vector<128x128xf32>, vector<3200x128xf32> -> vector<3200x128xf32>
    %add3A = vector.broadcast %get3A_7 : vector<1x128xf32> to vector<3200x128xf32>
    %add3A_9 = arith.addf %dot_general3A_8, %add3A : vector<3200x128xf32>
    %max3A = arith.constant 0.000000e+00 : f32
    %max3A_10 = vector.broadcast %max3A : f32 to vector<3200x128xf32>
    %max3A_11 = arith.maximumf %add3A_9, %max3A_10 : vector<3200x128xf32>
    %get3A_12 = arith.constant 0 : index
    %get3A_13 = arith.constant 0 : index
    %get3A_14 = vector.load %arg4[%get3A_12, %get3A_13] : memref<128x128xf32, #tpu.memory_space<vmem>>, vector<128x128xf32>
    %get3A_15 = arith.constant 0 : index
    %get3A_16 = arith.constant 0 : index
    %get3A_17 = vector.load %arg5[%get3A_15, %get3A_16] : memref<1x128xf32, #tpu.memory_space<vmem>>, vector<1x128xf32>
    %dot_general3A_18 = arith.constant dense<0.000000e+00> : vector<3200x128xf32>
    %dot_general3A_19 = tpu.matmul %max3A_11, %get3A_14, %dot_general3A_18 {dimension_numbers = #tpu.dot_dimension_numbers<[1], [0], [0], [1], [0, 0, 1, 1], [], []>, transpose_lhs_hint = false} : vector<3200x128xf32>, vector<128x128xf32>, vector<3200x128xf32> -> vector<3200x128xf32>
    %add3A_20 = vector.broadcast %get3A_17 : vector<1x128xf32> to vector<3200x128xf32>
    %add3A_21 = arith.addf %dot_general3A_19, %add3A_20 : vector<3200x128xf32>
    %max3A_22 = arith.constant 0.000000e+00 : f32
    %max3A_23 = vector.broadcast %max3A_22 : f32 to vector<3200x128xf32>
    %max3A_24 = arith.maximumf %add3A_21, %max3A_23 : vector<3200x128xf32>
    %get3A_25 = arith.constant 0 : index
    %get3A_26 = arith.constant 0 : index
    %get3A_27 = vector.load %arg6[%get3A_25, %get3A_26] : memref<128x128xf32, #tpu.memory_space<vmem>>, vector<128x128xf32>
    %get3A_28 = arith.constant 0 : index
    %get3A_29 = arith.constant 0 : index
    %get3A_30 = vector.load %arg7[%get3A_28, %get3A_29] : memref<1x128xf32, #tpu.memory_space<vmem>>, vector<1x128xf32>
    %dot_general3A_31 = arith.constant dense<0.000000e+00> : vector<3200x128xf32>
    %dot_general3A_32 = tpu.matmul %max3A_24, %get3A_27, %dot_general3A_31 {dimension_numbers = #tpu.dot_dimension_numbers<[1], [0], [0], [1], [0, 0, 1, 1], [], []>, transpose_lhs_hint = false} : vector<3200x128xf32>, vector<128x128xf32>, vector<3200x128xf32> -> vector<3200x128xf32>
    %add3A_33 = vector.broadcast %get3A_30 : vector<1x128xf32> to vector<3200x128xf32>
    %add3A_34 = arith.addf %dot_general3A_32, %add3A_33 : vector<3200x128xf32>
    %max3A_35 = arith.constant 0.000000e+00 : f32
    %max3A_36 = vector.broadcast %max3A_35 : f32 to vector<3200x128xf32>
    %max3A_37 = arith.maximumf %add3A_34, %max3A_36 : vector<3200x128xf32>
    %get3A_38 = arith.constant 0 : index
    %get3A_39 = arith.constant 0 : index
    %get3A_40 = vector.load %arg8[%get3A_38, %get3A_39] : memref<128x128xf32, #tpu.memory_space<vmem>>, vector<128x128xf32>
    %get3A_41 = arith.constant 0 : index
    %get3A_42 = arith.constant 0 : index
    %get3A_43 = vector.load %arg9[%get3A_41, %get3A_42] : memref<1x128xf32, #tpu.memory_space<vmem>>, vector<1x128xf32>
    %dot_general3A_44 = arith.constant dense<0.000000e+00> : vector<3200x128xf32>
    %dot_general3A_45 = tpu.matmul %max3A_37, %get3A_40, %dot_general3A_44 {dimension_numbers = #tpu.dot_dimension_numbers<[1], [0], [0], [1], [0, 0, 1, 1], [], []>, transpose_lhs_hint = false} : vector<3200x128xf32>, vector<128x128xf32>, vector<3200x128xf32> -> vector<3200x128xf32>
    %add3A_46 = vector.broadcast %get3A_43 : vector<1x128xf32> to vector<3200x128xf32>
    %add3A_47 = arith.addf %dot_general3A_45, %add3A_46 : vector<3200x128xf32>
    %convert_element_type3A = arith.truncf %add3A_47 : vector<3200x128xf32> to vector<3200x128xbf16>
    %bitcast_convert_type3A = tpu.bitcast %convert_element_type3A : vector<3200x128xbf16> -> vector<3200x128xi16>
    %convert_element_type3A_48 = arith.truncf %get3A_1 : vector<3200x128xf32> to vector<3200x128xbf16>
    %bitcast_convert_type3A_49 = tpu.bitcast %convert_element_type3A_48 : vector<3200x128xbf16> -> vector<3200x128xi16>
    %convert_element_type3A_50 = arith.extui %bitcast_convert_type3A_49 : vector<3200x128xi16> to vector<3200x128xi32>
    %shift_left3A = arith.constant 16 : i32
    %shift_left3A_51 = vector.broadcast %shift_left3A : i32 to vector<3200x128xi32>
    %shift_left3A_52 = arith.shli %convert_element_type3A_50, %shift_left3A_51 : vector<3200x128xi32>
    %convert_element_type3A_53 = arith.extui %bitcast_convert_type3A : vector<3200x128xi16> to vector<3200x128xi32>
    %or3A = arith.ori %shift_left3A_52, %convert_element_type3A_53 : vector<3200x128xi32>
    %bitcast_convert_type3A_54 = tpu.bitcast %or3A : vector<3200x128xi32> -> vector<3200x128xi32>
    %swap3A = arith.constant 0 : index
    %swap3A_55 = arith.constant 0 : index
    %swap3A_56 = vector.load %arg10[%swap3A, %swap3A_55] : memref<3200x128xi32, #tpu.memory_space<vmem>>, vector<3200x128xi32>
    tpu.vector_store %arg10[%swap3A, %swap3A_55], %bitcast_convert_type3A_54 {strides = array<i32>} : memref<3200x128xi32, #tpu.memory_space<vmem>>, vector<3200x128xi32>,
    return
  }
  func.func @transform_0(%arg0: i32) -> (i32, i32) {
    %c0_i32 = arith.constant 0 : i32
    %c0_i32_0 = arith.constant 0 : i32
    return %arg0, %c0_i32 : i32, i32
  }
  func.func @transform_1(%arg0: i32) -> (i32, i32) {
    %c0_i32 = arith.constant 0 : i32
    %c0_i32_0 = arith.constant 0 : i32
    %c0_i32_1 = arith.constant 0 : i32
    return %c0_i32, %c0_i32_0 : i32, i32
  }
  func.func @transform_2(%arg0: i32) -> (i32, i32) {
    %c0_i32 = arith.constant 0 : i32
    %c0_i32_0 = arith.constant 0 : i32
    %c0_i32_1 = arith.constant 0 : i32
    return %c0_i32, %c0_i32_0 : i32, i32
  }
  func.func @transform_3(%arg0: i32) -> (i32, i32) {
    %c0_i32 = arith.constant 0 : i32
    %c0_i32_0 = arith.constant 0 : i32
    %c0_i32_1 = arith.constant 0 : i32
    return %c0_i32, %c0_i32_0 : i32, i32
  }
  func.func @transform_4(%arg0: i32) -> (i32, i32) {
    %c0_i32 = arith.constant 0 : i32
    %c0_i32_0 = arith.constant 0 : i32
    %c0_i32_1 = arith.constant 0 : i32
    return %c0_i32, %c0_i32_0 : i32, i32
  }
  func.func @transform_5(%arg0: i32) -> (i32, i32) {
    %c0_i32 = arith.constant 0 : i32
    %c0_i32_0 = arith.constant 0 : i32
    %c0_i32_1 = arith.constant 0 : i32
    return %c0_i32, %c0_i32_0 : i32, i32
  }
  func.func @transform_6(%arg0: i32) -> (i32, i32) {
    %c0_i32 = arith.constant 0 : i32
    %c0_i32_0 = arith.constant 0 : i32
    %c0_i32_1 = arith.constant 0 : i32
    return %c0_i32, %c0_i32_0 : i32, i32
  }
  func.func @transform_7(%arg0: i32) -> (i32, i32) {
    %c0_i32 = arith.constant 0 : i32
    %c0_i32_0 = arith.constant 0 : i32
    %c0_i32_1 = arith.constant 0 : i32
    return %c0_i32, %c0_i32_0 : i32, i32
  }
  func.func @transform_8(%arg0: i32) -> (i32, i32) {
    %c0_i32 = arith.constant 0 : i32
    %c0_i32_0 = arith.constant 0 : i32
    %c0_i32_1 = arith.constant 0 : i32
    return %c0_i32, %c0_i32_0 : i32, i32
  }
  func.func @transform_9(%arg0: i32) -> (i32, i32) {
    %c0_i32 = arith.constant 0 : i32
    %c0_i32_0 = arith.constant 0 : i32
    return %arg0, %c0_i32 : i32, i32
  }
}

module attributes {stable_mosaic.version = 14 : i64} {
  func.func @body(%arg0: i32, %arg1: memref<1000x128xf32, #tpu.memory_space<vmem>>, %arg2: memref<2x1000x128xf32, #tpu.memory_space<vmem>>, %arg3: memref<128x128xf32, #tpu.memory_space<vmem>>, %arg4: memref<128x128xf32, #tpu.memory_space<vmem>>, %arg5: memref<1x128xf32, #tpu.memory_space<vmem>>, %arg6: memref<128x128xf32, #tpu.memory_space<vmem>>, %arg7: memref<1x128xf32, #tpu.memory_space<vmem>>, %arg8: memref<128x128xf32, #tpu.memory_space<vmem>>, %arg9: memref<1x128xf32, #tpu.memory_space<vmem>>, %arg10: memref<128x128xf32, #tpu.memory_space<vmem>>, %arg11: memref<1x128xf32, #tpu.memory_space<vmem>>, %arg12: memref<1000x128xf32, #tpu.memory_space<vmem>>) attributes {dimension_semantics = [#tpu.dimension_semantics<arbitrary>], iteration_bounds = array<i64: 10>, scalar_prefetch = 0 : i64, scratch_operands = 0 : i64, tpu.core_type = #tpu.core_type<tc>, window_params = [{transform_indices = @transform_0, window_bounds = array<i64: 1000, 128>}, {transform_indices = @transform_1, window_bounds = array<i64: 2, 1000, 128>}, {pipeline_mode = #tpu.pipeline_mode<synchronous>, transform_indices = @transform_2, window_bounds = array<i64: 128, 128>}, {pipeline_mode = #tpu.pipeline_mode<synchronous>, transform_indices = @transform_3, window_bounds = array<i64: 128, 128>}, {pipeline_mode = #tpu.pipeline_mode<synchronous>, transform_indices = @transform_4, window_bounds = array<i64: 1, 128>}, {pipeline_mode = #tpu.pipeline_mode<synchronous>, transform_indices = @transform_5, window_bounds = array<i64: 128, 128>}, {pipeline_mode = #tpu.pipeline_mode<synchronous>, transform_indices = @transform_6, window_bounds = array<i64: 1, 128>}, {pipeline_mode = #tpu.pipeline_mode<synchronous>, transform_indices = @transform_7, window_bounds = array<i64: 128, 128>}, {pipeline_mode = #tpu.pipeline_mode<synchronous>, transform_indices = @transform_8, window_bounds = array<i64: 1, 128>}, {pipeline_mode = #tpu.pipeline_mode<synchronous>, transform_indices = @transform_9, window_bounds = array<i64: 128, 128>}, {pipeline_mode = #tpu.pipeline_mode<synchronous>, transform_indices = @transform_10, window_bounds = array<i64: 1, 128>}, {transform_indices = @transform_11, window_bounds = array<i64: 1000, 128>}]} {
    %get3A = arith.constant 0 : index
    %get3A_0 = arith.constant 0 : index
    %get3A_1 = vector.load %arg1[%get3A, %get3A_0] : memref<1000x128xf32, #tpu.memory_space<vmem>>, vector<1000x128xf32>
    %get3A_2 = arith.constant 0 : index
    %get3A_3 = arith.constant 0 : index
    %get3A_4 = arith.constant 0 : index
    %get3A_5 = vector.load %arg2[%get3A_2, %get3A_3, %get3A_4] : memref<2x1000x128xf32, #tpu.memory_space<vmem>>, vector<1x1000x128xf32>
    %get3A_6 = vector.shape_cast %get3A_5 : vector<1x1000x128xf32> to vector<1000x128xf32>
    %get3A_7 = arith.constant 1 : index
    %get3A_8 = arith.constant 0 : index
    %get3A_9 = arith.constant 0 : index
    %get3A_10 = vector.load %arg2[%get3A_7, %get3A_8, %get3A_9] : memref<2x1000x128xf32, #tpu.memory_space<vmem>>, vector<1x1000x128xf32>
    %get3A_11 = vector.shape_cast %get3A_10 : vector<1x1000x128xf32> to vector<1000x128xf32>
    %add3A = arith.addf %get3A_6, %get3A_11 : vector<1000x128xf32>
    %get3A_12 = arith.constant 0 : index
    %get3A_13 = arith.constant 0 : index
    %get3A_14 = vector.load %arg3[%get3A_12, %get3A_13] : memref<128x128xf32, #tpu.memory_space<vmem>>, vector<128x128xf32>
    %dot_general3A = arith.constant dense<0.000000e+00> : vector<1000x128xf32>
    %dot_general3A_15 = tpu.matmul %get3A_1, %get3A_14, %dot_general3A {dimension_numbers = #tpu.dot_dimension_numbers<[1], [0], [0], [1], [0, 0, 1, 1], [], []>, transpose_lhs_hint = false} : vector<1000x128xf32>, vector<128x128xf32>, vector<1000x128xf32> -> vector<1000x128xf32>
    %get3A_16 = arith.constant 0 : index
    %get3A_17 = arith.constant 0 : index
    %get3A_18 = vector.load %arg4[%get3A_16, %get3A_17] : memref<128x128xf32, #tpu.memory_space<vmem>>, vector<128x128xf32>
    %dot_general3A_19 = arith.constant dense<0.000000e+00> : vector<1000x128xf32>
    %dot_general3A_20 = tpu.matmul %add3A, %get3A_18, %dot_general3A_19 {dimension_numbers = #tpu.dot_dimension_numbers<[1], [0], [0], [1], [0, 0, 1, 1], [], []>, transpose_lhs_hint = false} : vector<1000x128xf32>, vector<128x128xf32>, vector<1000x128xf32> -> vector<1000x128xf32>
    %add3A_21 = arith.addf %dot_general3A_15, %dot_general3A_20 : vector<1000x128xf32>
    %get3A_22 = arith.constant 0 : index
    %get3A_23 = arith.constant 0 : index
    %get3A_24 = vector.load %arg5[%get3A_22, %get3A_23] : memref<1x128xf32, #tpu.memory_space<vmem>>, vector<1x128xf32>
    %add3A_25 = vector.broadcast %get3A_24 : vector<1x128xf32> to vector<1000x128xf32>
    %add3A_26 = arith.addf %add3A_21, %add3A_25 : vector<1000x128xf32>
    %max3A = arith.constant 0.000000e+00 : f32
    %max3A_27 = vector.broadcast %max3A : f32 to vector<1000x128xf32>
    %max3A_28 = arith.maximumf %add3A_26, %max3A_27 : vector<1000x128xf32>
    %get3A_29 = arith.constant 0 : index
    %get3A_30 = arith.constant 0 : index
    %get3A_31 = vector.load %arg6[%get3A_29, %get3A_30] : memref<128x128xf32, #tpu.memory_space<vmem>>, vector<128x128xf32>
    %get3A_32 = arith.constant 0 : index
    %get3A_33 = arith.constant 0 : index
    %get3A_34 = vector.load %arg7[%get3A_32, %get3A_33] : memref<1x128xf32, #tpu.memory_space<vmem>>, vector<1x128xf32>
    %dot_general3A_35 = arith.constant dense<0.000000e+00> : vector<1000x128xf32>
    %dot_general3A_36 = tpu.matmul %max3A_28, %get3A_31, %dot_general3A_35 {dimension_numbers = #tpu.dot_dimension_numbers<[1], [0], [0], [1], [0, 0, 1, 1], [], []>, transpose_lhs_hint = false} : vector<1000x128xf32>, vector<128x128xf32>, vector<1000x128xf32> -> vector<1000x128xf32>
    %add3A_37 = vector.broadcast %get3A_34 : vector<1x128xf32> to vector<1000x128xf32>
    %add3A_38 = arith.addf %dot_general3A_36, %add3A_37 : vector<1000x128xf32>
    %max3A_39 = arith.constant 0.000000e+00 : f32
    %max3A_40 = vector.broadcast %max3A_39 : f32 to vector<1000x128xf32>
    %max3A_41 = arith.maximumf %add3A_38, %max3A_40 : vector<1000x128xf32>
    %get3A_42 = arith.constant 0 : index
    %get3A_43 = arith.constant 0 : index
    %get3A_44 = vector.load %arg8[%get3A_42, %get3A_43] : memref<128x128xf32, #tpu.memory_space<vmem>>, vector<128x128xf32>
    %get3A_45 = arith.constant 0 : index
    %get3A_46 = arith.constant 0 : index
    %get3A_47 = vector.load %arg9[%get3A_45, %get3A_46] : memref<1x128xf32, #tpu.memory_space<vmem>>, vector<1x128xf32>
    %dot_general3A_48 = arith.constant dense<0.000000e+00> : vector<1000x128xf32>
    %dot_general3A_49 = tpu.matmul %max3A_41, %get3A_44, %dot_general3A_48 {dimension_numbers = #tpu.dot_dimension_numbers<[1], [0], [0], [1], [0, 0, 1, 1], [], []>, transpose_lhs_hint = false} : vector<1000x128xf32>, vector<128x128xf32>, vector<1000x128xf32> -> vector<1000x128xf32>
    %add3A_50 = vector.broadcast %get3A_47 : vector<1x128xf32> to vector<1000x128xf32>
    %add3A_51 = arith.addf %dot_general3A_49, %add3A_50 : vector<1000x128xf32>
    %max3A_52 = arith.constant 0.000000e+00 : f32
    %max3A_53 = vector.broadcast %max3A_52 : f32 to vector<1000x128xf32>
    %max3A_54 = arith.maximumf %add3A_51, %max3A_53 : vector<1000x128xf32>
    %get3A_55 = arith.constant 0 : index
    %get3A_56 = arith.constant 0 : index
    %get3A_57 = vector.load %arg10[%get3A_55, %get3A_56] : memref<128x128xf32, #tpu.memory_space<vmem>>, vector<128x128xf32>
    %get3A_58 = arith.constant 0 : index
    %get3A_59 = arith.constant 0 : index
    %get3A_60 = vector.load %arg11[%get3A_58, %get3A_59] : memref<1x128xf32, #tpu.memory_space<vmem>>, vector<1x128xf32>
    %dot_general3A_61 = arith.constant dense<0.000000e+00> : vector<1000x128xf32>
    %dot_general3A_62 = tpu.matmul %max3A_54, %get3A_57, %dot_general3A_61 {dimension_numbers = #tpu.dot_dimension_numbers<[1], [0], [0], [1], [0, 0, 1, 1], [], []>, transpose_lhs_hint = false} : vector<1000x128xf32>, vector<128x128xf32>, vector<1000x128xf32> -> vector<1000x128xf32>
    %add3A_63 = vector.broadcast %get3A_60 : vector<1x128xf32> to vector<1000x128xf32>
    %add3A_64 = arith.addf %dot_general3A_62, %add3A_63 : vector<1000x128xf32>
    %add3A_65 = arith.addf %add3A_64, %get3A_1 : vector<1000x128xf32>
    %swap3A = arith.constant 0 : index
    %swap3A_66 = arith.constant 0 : index
    %swap3A_67 = vector.load %arg12[%swap3A, %swap3A_66] : memref<1000x128xf32, #tpu.memory_space<vmem>>, vector<1000x128xf32>
    tpu.vector_store %arg12[%swap3A, %swap3A_66], %add3A_65 {strides = array<i32>} : memref<1000x128xf32, #tpu.memory_space<vmem>>, vector<1000x128xf32>,
    return
  }
  func.func @transform_0(%arg0: i32) -> (i32, i32) {
    %c0_i32 = arith.constant 0 : i32
    %c0_i32_0 = arith.constant 0 : i32
    return %arg0, %c0_i32 : i32, i32
  }
  func.func @transform_1(%arg0: i32) -> (i32, i32, i32) {
    %c0_i32 = arith.constant 0 : i32
    %c0_i32_0 = arith.constant 0 : i32
    %c0_i32_1 = arith.constant 0 : i32
    return %c0_i32, %arg0, %c0_i32_0 : i32, i32, i32
  }
  func.func @transform_2(%arg0: i32) -> (i32, i32) {
    %c0_i32 = arith.constant 0 : i32
    %c0_i32_0 = arith.constant 0 : i32
    %c0_i32_1 = arith.constant 0 : i32
    return %c0_i32, %c0_i32_0 : i32, i32
  }
  func.func @transform_3(%arg0: i32) -> (i32, i32) {
    %c0_i32 = arith.constant 0 : i32
    %c0_i32_0 = arith.constant 0 : i32
    %c0_i32_1 = arith.constant 0 : i32
    return %c0_i32, %c0_i32_0 : i32, i32
  }
  func.func @transform_4(%arg0: i32) -> (i32, i32) {
    %c0_i32 = arith.constant 0 : i32
    %c0_i32_0 = arith.constant 0 : i32
    %c0_i32_1 = arith.constant 0 : i32
    return %c0_i32, %c0_i32_0 : i32, i32
  }
  func.func @transform_5(%arg0: i32) -> (i32, i32) {
    %c0_i32 = arith.constant 0 : i32
    %c0_i32_0 = arith.constant 0 : i32
    %c0_i32_1 = arith.constant 0 : i32
    return %c0_i32, %c0_i32_0 : i32, i32
  }
  func.func @transform_6(%arg0: i32) -> (i32, i32) {
    %c0_i32 = arith.constant 0 : i32
    %c0_i32_0 = arith.constant 0 : i32
    %c0_i32_1 = arith.constant 0 : i32
    return %c0_i32, %c0_i32_0 : i32, i32
  }
  func.func @transform_7(%arg0: i32) -> (i32, i32) {
    %c0_i32 = arith.constant 0 : i32
    %c0_i32_0 = arith.constant 0 : i32
    %c0_i32_1 = arith.constant 0 : i32
    return %c0_i32, %c0_i32_0 : i32, i32
  }
  func.func @transform_8(%arg0: i32) -> (i32, i32) {
    %c0_i32 = arith.constant 0 : i32
    %c0_i32_0 = arith.constant 0 : i32
    %c0_i32_1 = arith.constant 0 : i32
    return %c0_i32, %c0_i32_0 : i32, i32
  }
  func.func @transform_9(%arg0: i32) -> (i32, i32) {
    %c0_i32 = arith.constant 0 : i32
    %c0_i32_0 = arith.constant 0 : i32
    %c0_i32_1 = arith.constant 0 : i32
    return %c0_i32, %c0_i32_0 : i32, i32
  }
  func.func @transform_10(%arg0: i32) -> (i32, i32) {
    %c0_i32 = arith.constant 0 : i32
    %c0_i32_0 = arith.constant 0 : i32
    %c0_i32_1 = arith.constant 0 : i32
    return %c0_i32, %c0_i32_0 : i32, i32
  }
  func.func @transform_11(%arg0: i32) -> (i32, i32) {
    %c0_i32 = arith.constant 0 : i32
    %c0_i32_0 = arith.constant 0 : i32
    return %arg0, %c0_i32 : i32, i32
  }
}

</mosaic_0001>

<sc_bundles>
// kernel: kernel.6.cloned.1.call-start
scs
__scs_entry_jumppad:
0x0: {  	(pc) =	sbr.rel $0x88, $3  }
0x1: {  	(tag) =	ssettag $0x0;
	lr =	simm.s32 $0x1  }
0x2: {  	[smem:$0x3F7E] =	sst lr;
	_ =	strace $0xD0000000  }
0x3: {  	_ = 	snop  }
0x4: {  	_ = 	snop  }
0x5: {  	_ = 	snop  }
0x6: {  	_ = 	snop  }
0x7: {  	_ = 	snop  }
__scs_overlays_trampoline_lowered:
0x8: {  	[smem:$0x3F8D] =	sst s0  }
0x9: {  	[smem:$0x3F8E] =	sst s1  }
0xa: {  	[smem:$0x3F8F] =	sst s2  }
0xb: {  	[smem:$0x3F90] =	sst s3  }
0xc: {  	[smem:$0x3F91] =	sst s4  }
0xd: {  	[smem:$0x3F92] =	sst s5  }
0xe: {  	[smem:$0x3F93] =	sst s6  }
0xf: {  	[smem:$0x3F94] =	sst s7  }
0x10: {  	[smem:$0x3F95] =	sst s8  }
0x11: {  	[smem:$0x3F96] =	sst s9;
	s0 =	simm.s32 @!p0 $0x0  }
0x12: {  	s1 =	sld [smem:$0x3F7C];
	s0 =	simm.s32 @p0 $0x1  }
0x13: {  	[smem:$0x3F97] =	sst s0;
	s0 =	simm.s32 @!p1 $0x0  }
0x14: {  	s2 =	sld [smem:$0x3F7B];
	s0 =	simm.s32 @p1 $0x1  }
0x15: {  	[smem:$0x3F98] =	sst s0;
	s0 =	simm.s32 @!p2 $0x0  }
0x16: {  	s3 =	sld [smem:$0x3FDB];
	s0 =	simm.s32 @p2 $0x1  }
0x17: {  	s4 =	simm.s32 $0x1BF5;
	[smem:$0x3F9A] =	sst s0  }
0x18: {  	s0 =	sld [smem:$0x3F7D];
	_ =	swait.ge [sflag:s4], $0x0  }
0x19: {  	s7 =	sld [smem:$0x3F7E]  }
0x1a: {  	s8 =	sadd.s32 $0xFFFFE003, lr  }
0x1b: {  	s9 =	sadd.s32 $0xFFFFFEF7, lr;
	s5 =	simm.s32 $0xFFFFFFFF;
	p2 =	slt.u32 s8, $0xFFFFF086  }
0x1c: {  	p1 =	slt.u32 s9, $0xF7A;
	s5 =	simm.s32 @!p2 $0x0  }
0x1d: {  	s5 =	simm.s32 @p1 $0x1;
	p0 =	seq.s32 s7, s2  }
0x1e: {  	s7 =	smul.u32 @!p0 $0xF7A, s2;
	p2 =	seq.s32 @!p0 s5, $0x0  }
0x1f: {  	s9 =	smul.u32 $0xF7A, s1;
	s8 =	simm.s32 @!p0 $0x1BF5;
	p2 =	por !p2, p0  }
0x20: {  	[sflag:s8] =	ssyncset.s32 @!p0 $0xFFFFF086;
	s6 =	sadd.s32 @!p0 s3, s7;
	s7 =	simm.s32 @!p0 $0x108  }
0x21: {  	s3 =	sadd.s32 s3, s9;
	s6 =	sadd.s32 @!p0 $0x88, s6;
	s7 =	simm.s32 @p2 $0x1082  }
0x22: {  	[simem:s7], [sflag:s8] =	dma.local @!p0 [hbm:s6], $0xF7A  }
0x23: {  	s9 =	sor.u32 $0xD0000000, s2;
	s6 =	simm.s32 $0x108;
	_ =	swait.ge @!p0 [sflag:s8], $0x0  }
0x24: {  	s3 =	sadd.s32 $0x88, s3;
	s6 =	simm.s32 @!p1 $0x1082;
	[sflag:s4] =	ssyncset.s32 $0xFFFFF086  }
0x25: {  	[simem:s6], [sflag:s4] =	dma.local [hbm:s3], $0xF7A  }
0x26: {  	[smem:$0x3F7E] =	sst s1;
	(tag) =	ssettag s2;
	_ =	strace s9  }
0x27: {  	s1 =	sld [smem:$0x3F8E]  }
0x28: {  	s2 =	sld [smem:$0x3F8F]  }
0x29: {  	s4 =	sld [smem:$0x3F91]  }
0x2a: {  	p0 =	seq.s32 s5, $0x0;
	s5 =	sld [smem:$0x3F92]  }
0x2b: {  	s6 =	sld [smem:$0x3F93]  }
0x2c: {  	s7 =	sld [smem:$0x3F94]  }
0x2d: {  	s3 =	simm.s32 $0x108;
	s8 =	sld [smem:$0x3F95]  }
0x2e: {  	s3 =	simm.s32 @!p0 $0x1082;
	s9 =	sld [smem:$0x3F96]  }
0x2f: {  	lr =	sadd.s32 s0, s3;
	s0 =	sld [smem:$0x3F8D]  }
0x30: {  	s3 =	sld [smem:$0x3F90]  }
0x31: {  	[smem:$0x3F99] =	sst s10  }
0x32: {  	s10 =	sld [smem:$0x3F97];
	_ =	sdelay $0x3  }
0x33: {  	p0 =	seq.s32 s10, $0x1;
	s10 =	sld [smem:$0x3F99];
	_ =	sdelay $0x3  }
0x34: {  	[smem:$0x3F99] =	sst s10  }
0x35: {  	s10 =	sld [smem:$0x3F98];
	_ =	sdelay $0x3  }
0x36: {  	p1 =	seq.s32 s10, $0x1;
	s10 =	sld [smem:$0x3F99];
	_ =	sdelay $0x3  }
0x37: {  	[smem:$0x3F99] =	sst s10  }
0x38: {  	s10 =	sld [smem:$0x3F9A]  }
0x39: {  	_ = 	snop;
	(pc) =	sbr.ind lr, $3  }
0x3a: {  	_ = 	snop  }
0x3b: {  	_ = 	snop  }
0x3c: {  	p2 =	seq.s32 s10, $0x1;
	s10 =	sld [smem:$0x3F99]  }
0x3d: {  	_ =	shalt  }
0x3e: {  	_ =	shalt  }
0x3f: {  	_ =	shalt  }
0x40: {  	_ =	shalt  }
0x41: {  	_ =	shalt  }
0x42: {  	_ =	shalt  }
0x43: {  	_ =	shalt  }
0x44: {  	_ =	shalt  }
0x45: {  	_ =	shalt  }
0x46: {  	_ =	shalt  }
0x47: {  	_ =	shalt  }
0x48: {  	_ =	shalt  }
0x49: {  	_ =	shalt  }
0x4a: {  	_ =	shalt  }
0x4b: {  	_ =	shalt  }
0x4c: {  	_ =	shalt  }
0x4d: {  	_ =	shalt  }
0x4e: {  	_ =	shalt  }
0x4f: {  	_ =	shalt  }
0x50: {  	_ =	shalt  }
0x51: {  	_ =	shalt  }
0x52: {  	_ =	shalt  }
0x53: {  	_ =	shalt  }
0x54: {  	_ =	shalt  }
0x55: {  	_ =	shalt  }
0x56: {  	_ =	shalt  }
0x57: {  	_ =	shalt  }
0x58: {  	_ =	shalt  }
0x59: {  	_ =	shalt  }
0x5a: {  	_ =	shalt  }
0x5b: {  	_ =	shalt  }
0x5c: {  	_ =	shalt  }
0x5d: {  	_ =	shalt  }
0x5e: {  	_ =	shalt  }
0x5f: {  	_ =	shalt  }
0x60: {  	_ =	shalt  }
0x61: {  	_ =	shalt  }
0x62: {  	_ =	shalt  }
0x63: {  	_ =	shalt  }
0x64: {  	_ =	shalt  }
0x65: {  	_ =	shalt  }
0x66: {  	_ =	shalt  }
0x67: {  	_ =	shalt  }
0x68: {  	_ =	shalt  }
0x69: {  	_ =	shalt  }
0x6a: {  	_ =	shalt  }
0x6b: {  	_ =	shalt  }
0x6c: {  	_ =	shalt  }
0x6d: {  	_ =	shalt  }
0x6e: {  	_ =	shalt  }
0x6f: {  	_ =	shalt  }
0x70: {  	_ =	shalt  }
0x71: {  	_ =	shalt  }
0x72: {  	_ =	shalt  }
0x73: {  	_ =	shalt  }
0x74: {  	_ =	shalt  }
0x75: {  	_ =	shalt  }
0x76: {  	_ =	shalt  }
0x77: {  	_ =	shalt  }
0x78: {  	_ =	shalt  }
0x79: {  	_ =	shalt  }
0x7a: {  	_ =	shalt  }
0x7b: {  	_ =	shalt  }
0x7c: {  	_ =	shalt  }
0x7d: {  	_ =	shalt  }
0x7e: {  	_ =	shalt  }
0x7f: {  	_ =	shalt  }
0x80: {  	_ =	shalt  }
0x81: {  	_ =	shalt  }
0x82: {  	_ =	shalt  }
0x83: {  	_ =	shalt  }
0x84: {  	_ =	shalt  }
0x85: {  	_ =	shalt  }
0x86: {  	_ =	shalt  }
0x87: {  	_ =	shalt  }
.Lfunc_end0:
.L_simem_size_0:
called_computation_lowered:
.L_overlay_start_0:
0x88: {  	s2 =	sld [smem:$0x3FD9]  }
0x89: {  	s3 =	sld [smem:$0x3FFE];
	_ =	sdelay $0x1  }
0x8a: {  	s1 =	srdreg.scid  }
0x8b: {  	s0 =	sand.u32 $0x1, s1  }
0x8c: {  	s14 =	sshll.u32 s0, $0xA;
	s2 =	sadd.s32 s3, s2  }
0x8d: {  	s2 =	sadd.s32 s2, s14  }
0x8e: {  	[smem:$0x3FA5] =	sst s2  }
0x8f: {  	_ = 	snop  }
0x90: {  	s2 =	sld [smem:$0x3FD0];
	_ =	sdelay $0x2  }
0x91: {  	s15 =	simm.s32 $0xA;
	s4 =	simm.s32 $0x10  }
0x92: {  	[smem:s4], [sflag:s15] =	dma.local [hbm:s2], $0x1  }
0x93: {  	_ =	swait.eq [sflag:s15], $0x1  }
0x94: {  	[sflag:s15] =	ssyncset.done $0x0  }
0x95: {  	s16 =	sld [smem:$0x10];
	[sflag:s15] =	ssyncadd.s32 $0xFFFFFFFF  }
0x96: {  	s17 =	sld [smem:$0x11];
	(tm) =	ssettm $0x1  }
0x97: {  	s18 =	sld [smem:$0x3FFB];
	_ =	sdelay $0x3  }
0x98: {  	_ =	strace s18  }
0x99: {  	s4 =	sld [smem:$0x3FFC];
	_ =	sdelay $0x3  }
0x9a: {  	_ =	strace s4  }
0x9b: {  	s4 =	sld [smem:$0x3FFD];
	_ =	sdelay $0x3  }
0x9c: {  	_ =	strace s4  }
0x9d: {  	_ =	strace $0x8FFFFFFF  }
0x9e: {  	s19 =	sld [smem:$0x3FDB];
	_ =	sdelay $0x1  }
0x9f: {  	s5 =	simm.s32 $_scs_section_size  }
0xa0: {  	s6 =	simm.s32 $_size__tile_overlayer_lowered;
	s7 =	simm.s32 $_tile_overlayer_lowered  }
0xa1: {  	s22 =	simm.s32 $0x1BFF;
	s21 =	sshll.u32 s7, $0x1;
	s4 =	sadd.s32 s5, s19  }
0xa2: {  	s8 =	simm.s32 $0x0;
	s20 =	sshll.u32 s6, $0x1;
	s6 =	sadd.s32 s21, s4  }
0xa3: {  	[timem:s8], [sflag:s22] =	dma.local [hbm:s6], s20  }
0xa4: {  	_ =	swait.ge [sflag:s22], s20  }
0xa5: {  	s5 =	ssub.s32 $0x0, s20;
	[sflag:s22] =	ssyncset.done $0x0  }
0xa6: {  	[sflag:s22] =	ssyncadd.s32 s5;
	_ =	sdelay $0x1  }
0xa7: {  	s23 =	simm.s32 $0x1B8B  }
0xa8: {  	_ =	swait.ge [sflag:s23], $0x1  }
0xa9: {  	[sflag:s23] =	ssyncset.done $0x0  }
0xaa: {  	s25 =	simm.s32 $0x1B8E;
	s24 =	sld [smem:$0x3FFE];
	[sflag:s23] =	ssyncadd.s32 $0xFFFFFFFF  }
0xab: {  	s26 =	simm.s32 $execute0_lowered;
	[smem:$0x3FD2] =	sst s25  }
0xac: {  	s6 =	sshll.u32 s26, $0x1;
	_ =	strace $0x80000046;
	[dreg:$0x1] =	wrdreg $0xFFFFFFFF  }
0xad: {  	s28 =	simm.s32 $_size_execute0_lowered;
	s4 =	sadd.s32 s4, s6;
	[dreg:$0x0] =	wrdreg $0x0  }
0xae: {  	s6 =	sshll.u32 s28, $0x1;
	[dreg:$0x2] =	wrdreg s4  }
0xaf: {  	[dreg:$0x3] =	wrdreg s6  }
0xb0: {  	[dreg:$0x4] =	wrdreg $0xC0  }
0xb1: {  	_ =	task [dreg:s8], $0x5FFFF  }
0xb2: {  	[dreg:$0x1] =	wrdreg $0xFFFFFFFF  }
0xb3: {  	[dreg:$0x0] =	wrdreg $0x60  }
0xb4: {  	[dreg:$0x2] =	wrdreg s16  }
0xb5: {  	[dreg:$0x3] =	wrdreg s24  }
0xb6: {  	[dreg:$0x4] =	wrdreg s17  }
0xb7: {  	[dreg:$0x5] =	wrdreg $0xB6000  }
0xb8: {  	[dreg:$0x6] =	wrdreg $0x9  }
0xb9: {  	_ =	task.clear_ibuf [dreg:s8], $0x7FFFF;
	_ =	strace $0x90000046  }
0xba: {  	s29 =	simm.s32 $0x9;
	_ =	strace $0x80000048  }
0xbb: {  	_ =	swait.ge [sflag:s29], $0x1  }
0xbc: {  	[sflag:s29] =	ssyncadd.s32 $0xFFFFFFFF  }
0xbd: {  	_ =	strace $0x90000048  }
0xbe: {  	_ =	sfence  }
0xbf: {  	s30 =	sld [smem:$0x0];
	_ =	sdelay $0x2  }
0xc0: {  	s31 =	sshll.u32 s1, $0xD;
	s1 =	sshrl.u32 s1, $0x2  }
0xc1: {  	s3 =	sand.u32 $0x4000, s31;
	s1 =	sadd.s32 s1, s30  }
0xc2: {  	s0 =	sor.u32 s3, s0;
	s1 =	sshll.u32 s1, $0x11  }
0xc3: {  	s0 =	sor.u32 s1, s0  }
0xc4: {  	s0 =	sadd.s32 $0x8F2B, s0  }
0xc5: {  	[sflag:s0] =	ssyncadd.remote.s32 $0x1  }
0xc6: {  	_ =	sfence.sel $0xFFFF  }
0xc7: {  	[dreg:$0x0] =	wrdreg $0xFFFFFFFF;
	(pc) =	sbr.abs _section_cstart, $3  }
0xc8: {  	[dreg:$0x1] =	wrdreg $0xFFFFFFFF  }
0xc9: {  	_ =	task.clear_ibuf [dreg:s8], $0x2FFFF;
	_ =	strace $0x9FFFFFFF  }
0xca: {  	(tm) =	ssettm $0x7FFFFFFF  }
0xcb: {  	_ =	shalt  }
tec
execute0_lowered:
.L_overlay_start_1:
0x0: {  	(tag) =	ssettag $0x1  }
0x1: {  	s19 =	rddreg [dreg:$0x0]  }
0x2: {  	s1 =	srdreg.scid;
	s10 =	stileid.u32  }
0x3: {  	s0 =	rddreg [dreg:$0x1];
	s1 =	sand.u32 $0x1, s1;
	s5 =	sshll.u32 s10, $0x1  }
0x4: {  	s28 =	rddreg [dreg:$0x2];
	s20 =	smul.u32 $0x50000, s10;
	s16 =	sor.u32 s1, s5  }
0x5: {  	s24 =	rddreg [dreg:$0x3];
	s4 =	simm.s32 $0x0;
	s11 =	smul.u32 $0x2710, s16  }
0x6: {  	[smem:$0x7FF] =	sst s4;
	s26 =	sshrl.u32 s20, $0x2  }
0x7: {  	_ =	strace $0x80000047;
	s5 =	sadd.s32 s26, s24;
	[dreg:$0x5] =	wrdreg s11  }
0x8: {  	s6 =	sadd.s32 $0x4FB400, s0;
	s23 =	sadd.s32 $0x28, s11;
	[dreg:$0xc] =	wrdreg s5  }
0x9: {  	s3 =	smul.u32 $0x14000, s10;
	s25 =	sadd.s32 $0x50, s11;
	[dreg:$0x9] =	wrdreg s23  }
0xa: {  	s7 =	sadd.s32 $0x19400, s0;
	s10 =	sadd.s32 $0x1400, s5;
	[dreg:$0xa] =	wrdreg s25  }
0xb: {  	s18 =	sshrl.u32 s11, $0x3;
	s11 =	sadd.s32 $0x2800, s5;
	[dreg:$0xe] =	wrdreg s10  }
0xc: {  	s2 =	smul.u32 $0x140000, s1;
	s12 =	sadd.s32 $0x3C00, s5;
	[dreg:$0xf] =	wrdreg s11  }
0xd: {  	s1 =	ssub.s32 $0x2, s1;
	s13 =	sadd.s32 $0x5000, s5;
	[dreg:$0x10] =	wrdreg s12  }
0xe: {  	s17 =	sshrl.u32 s1, $0x1;
	s14 =	sadd.s32 $0x6400, s5;
	[dreg:$0x11] =	wrdreg s13  }
0xf: {  	s2 =	sadd.s32 s3, s2;
	s15 =	sadd.s32 $0x7800, s5;
	[dreg:$0x12] =	wrdreg s14  }
0x10: {  	s3 =	smul.u32 $0x27100, s16;
	s16 =	sadd.s32 $0x8C00, s5;
	[dreg:$0x13] =	wrdreg s15  }
0x11: {  	s1 =	ssub.s32 s1, s17;
	s17 =	sadd.s32 $0xA000, s5;
	[dreg:$0x14] =	wrdreg s16  }
0x12: {  	s8 =	sadd.s32 $0xF600, s0;
	s20 =	sadd.s32 $0xC800, s5;
	[dreg:$0x15] =	wrdreg s17  }
0x13: {  	s9 =	sadd.s32 $0x5800, s0;
	s26 =	sadd.s32 $0x12C00, s5;
	[dreg:$0x17] =	wrdreg s20  }
0x14: {  	s2 =	sshrl.u32 s2, $0x3;
	s21 =	sadd.s32 s8, s18;
	[dreg:$0x1c] =	wrdreg s26  }
0x15: {  	s0 =	sadd.s32 s2, s0;
	s2 =	sadd.s32 s9, s18;
	[dreg:$0x6] =	wrdreg s21  }
0x16: {  	s29 =	simm.s32 $0x2;
	s22 =	sadd.s32 s7, s3;
	[dreg:$0x7] =	wrdreg s2  }
0x17: {  	s30 =	simm.s32 $0x4;
	s3 =	smax.u32 s1, $0x1;
	[dreg:$0x8] =	wrdreg s22  }
0x18: {  	s31 =	simm.s32 $0x6;
	s18 =	sadd.s32 $0xB400, s5;
	[dreg:$0xd] =	wrdreg s3  }
0x19: {  	s23 =	sadd.s32 $0x10400, s5;
	s25 =	sadd.s32 $0x11800, s5;
	[dreg:$0x16] =	wrdreg s18  }
0x1a: {  	s13 =	simm.s32 $0xA;
	s10 =	simm.s32 $0x180;
	[dreg:$0x1a] =	wrdreg s23  }
0x1b: {  	s26 =	simm.s32 $0x5;
	s0 =	sadd.s32 $0x522600, s0;
	[dreg:$0x1b] =	wrdreg s25  }
0x1c: {  	s21 =	sadd.s32 $0xDC00, s5;
	s22 =	sadd.s32 $0xF000, s5;
	[dreg:$0xb] =	wrdreg s0  }
0x1d: {  	s18 =	simm.s32 $0x28;
	s25 =	simm.s32 $0x3;
	[dreg:$0x18] =	wrdreg s21  }
0x1e: {  	v0 =	vimm.f32 $0.0e+00;
	s2 =	simm.s32 $0x0;
	[dreg:$0x19] =	wrdreg s22;
	s0 =	simm.s32 $0x7  }
.LBB2_1:
0x1f: {  	[dreg:$0x1d] =	wrdreg s2;
	s1 =	simm.s32 $0x0;
	s2 =	simm.s32 $0x200  }
.LBB2_2:
0x20: {  	p0 =	sne.s32 s2, $0x4E00;
	[tilespmem:s1+$0xA270] =	vst v0  }
0x21: {  	[tilespmem:s1+$0xA200] =	vst v0  }
0x22: {  	[tilespmem:s1+$0xA210] =	vst v0  }
.Ltmp0:
0x23: {  	[tilespmem:s1+$0xA220] =	vst v0;
	(pc) =	sbr.rel @p0 .LBB2_2-.Ltmp0, $4  }
0x24: {  	[tilespmem:s1+$0xA230] =	vst v0  }
0x25: {  	[tilespmem:s1+$0xA240] =	vst v0  }
0x26: {  	[tilespmem:s1+$0xA250] =	vst v0  }
0x27: {  	[tilespmem:s1+$0xA260] =	vst v0;
	s1 =	sshra.s32 s2, $0x2;
	s2 =	sadd.s32 $0x200, s2  }
0x28: {  	[tilespmem:s1+$0xA270] =	vst v0  }
0x29: {  	[tilespmem:s1+$0xA200] =	vst v0  }
0x2a: {  	[tilespmem:s1+$0xA210] =	vst v0  }
0x2b: {  	[tilespmem:s1+$0xA220] =	vst v0  }
0x2c: {  	[tilespmem:s1+$0xA230] =	vst v0  }
0x2d: {  	[tilespmem:s1+$0xA240] =	vst v0  }
0x2e: {  	[tilespmem:s1+$0xA250] =	vst v0  }
0x2f: {  	[tilespmem:s1+$0xA260] =	vst v0;
	s2 =	simm.s32 $0xA200  }
0x30: {  	[spmem:s5] =	stream.linear.scatter [tilespmem:s2], [sflag:$0xA], $0x1400, $0x38;
	[tilespmem:$0x1F600] =	vst v63  }
0x31: {  	_ =	swait.ge [sflag:s13], $0x1400  }
0x32: {  	[sflag:s13] =	ssyncset.done $0x0  }
0x33: {  	s5 =	rddreg [dreg:$0xe];
	[sflag:s13] =	ssyncadd.s32 $0xFFFFEC00  }
0x34: {  	[spmem:s5] =	stream.linear.scatter [tilespmem:s2], [sflag:$0xA], $0x1400, $0x38;
	[tilespmem:$0x1F600] =	vst v63  }
0x35: {  	_ =	swait.ge [sflag:s13], $0x1400  }
0x36: {  	[sflag:s13] =	ssyncset.done $0x0  }
0x37: {  	s11 =	rddreg [dreg:$0xf];
	[sflag:s13] =	ssyncadd.s32 $0xFFFFEC00  }
0x38: {  	[spmem:s11] =	stream.linear.scatter [tilespmem:s2], [sflag:$0xA], $0x1400, $0x38;
	[tilespmem:$0x1F600] =	vst v63  }
0x39: {  	_ =	swait.ge [sflag:s13], $0x1400  }
0x3a: {  	[sflag:s13] =	ssyncset.done $0x0  }
0x3b: {  	s12 =	rddreg [dreg:$0x10];
	[sflag:s13] =	ssyncadd.s32 $0xFFFFEC00  }
0x3c: {  	[spmem:s12] =	stream.linear.scatter [tilespmem:s2], [sflag:$0xA], $0x1400, $0x38;
	[tilespmem:$0x1F600] =	vst v63  }
0x3d: {  	_ =	swait.ge [sflag:s13], $0x1400  }
0x3e: {  	[sflag:s13] =	ssyncset.done $0x0  }
0x3f: {  	s14 =	rddreg [dreg:$0x11];
	[sflag:s13] =	ssyncadd.s32 $0xFFFFEC00  }
0x40: {  	[spmem:s14] =	stream.linear.scatter [tilespmem:s2], [sflag:$0xA], $0x1400, $0x38;
	[tilespmem:$0x1F600] =	vst v63  }
0x41: {  	_ =	swait.ge [sflag:s13], $0x1400  }
0x42: {  	[sflag:s13] =	ssyncset.done $0x0  }
0x43: {  	s15 =	rddreg [dreg:$0x12];
	[sflag:s13] =	ssyncadd.s32 $0xFFFFEC00  }
0x44: {  	[spmem:s15] =	stream.linear.scatter [tilespmem:s2], [sflag:$0xA], $0x1400, $0x38;
	[tilespmem:$0x1F600] =	vst v63  }
0x45: {  	_ =	swait.ge [sflag:s13], $0x1400  }
0x46: {  	[sflag:s13] =	ssyncset.done $0x0  }
0x47: {  	s16 =	rddreg [dreg:$0x13];
	[sflag:s13] =	ssyncadd.s32 $0xFFFFEC00  }
0x48: {  	[spmem:s16] =	stream.linear.scatter [tilespmem:s2], [sflag:$0xA], $0x1400, $0x38;
	[tilespmem:$0x1F600] =	vst v63  }
0x49: {  	_ =	swait.ge [sflag:s13], $0x1400  }
0x4a: {  	[sflag:s13] =	ssyncset.done $0x0  }
0x4b: {  	s17 =	rddreg [dreg:$0x14];
	[sflag:s13] =	ssyncadd.s32 $0xFFFFEC00  }
0x4c: {  	[spmem:s17] =	stream.linear.scatter [tilespmem:s2], [sflag:$0xA], $0x1400, $0x38;
	[tilespmem:$0x1F600] =	vst v63  }
0x4d: {  	_ =	swait.ge [sflag:s13], $0x1400  }
0x4e: {  	[sflag:s13] =	ssyncset.done $0x0  }
0x4f: {  	s20 =	rddreg [dreg:$0x15];
	[sflag:s13] =	ssyncadd.s32 $0xFFFFEC00  }
0x50: {  	[spmem:s20] =	stream.linear.scatter [tilespmem:s2], [sflag:$0xA], $0x1400, $0x38;
	[tilespmem:$0x1F600] =	vst v63  }
0x51: {  	_ =	swait.ge [sflag:s13], $0x1400  }
0x52: {  	[sflag:s13] =	ssyncset.done $0x0  }
0x53: {  	s21 =	rddreg [dreg:$0x16];
	[sflag:s13] =	ssyncadd.s32 $0xFFFFEC00  }
0x54: {  	[spmem:s21] =	stream.linear.scatter [tilespmem:s2], [sflag:$0xA], $0x1400, $0x38;
	[tilespmem:$0x1F600] =	vst v63  }
0x55: {  	_ =	swait.ge [sflag:s13], $0x1400  }
0x56: {  	[sflag:s13] =	ssyncset.done $0x0  }
0x57: {  	s22 =	rddreg [dreg:$0x17];
	[sflag:s13] =	ssyncadd.s32 $0xFFFFEC00  }
0x58: {  	[spmem:s22] =	stream.linear.scatter [tilespmem:s2], [sflag:$0xA], $0x1400, $0x38;
	[tilespmem:$0x1F600] =	vst v63  }
0x59: {  	_ =	swait.ge [sflag:s13], $0x1400  }
0x5a: {  	[sflag:s13] =	ssyncset.done $0x0  }
0x5b: {  	s23 =	rddreg [dreg:$0x18];
	[sflag:s13] =	ssyncadd.s32 $0xFFFFEC00  }
0x5c: {  	[spmem:s23] =	stream.linear.scatter [tilespmem:s2], [sflag:$0xA], $0x1400, $0x38;
	[tilespmem:$0x1F600] =	vst v63  }
0x5d: {  	_ =	swait.ge [sflag:s13], $0x1400  }
0x5e: {  	[sflag:s13] =	ssyncset.done $0x0  }
0x5f: {  	s3 =	rddreg [dreg:$0x19];
	[sflag:s13] =	ssyncadd.s32 $0xFFFFEC00  }
0x60: {  	[spmem:s3] =	stream.linear.scatter [tilespmem:s2], [sflag:$0xA], $0x1400, $0x38;
	[tilespmem:$0x1F600] =	vst v63  }
0x61: {  	_ =	swait.ge [sflag:s13], $0x1400  }
0x62: {  	[sflag:s13] =	ssyncset.done $0x0  }
0x63: {  	s5 =	rddreg [dreg:$0x1a];
	[sflag:s13] =	ssyncadd.s32 $0xFFFFEC00  }
0x64: {  	[spmem:s5] =	stream.linear.scatter [tilespmem:s2], [sflag:$0xA], $0x1400, $0x38;
	[tilespmem:$0x1F600] =	vst v63  }
0x65: {  	_ =	swait.ge [sflag:s13], $0x1400  }
0x66: {  	[sflag:s13] =	ssyncset.done $0x0  }
0x67: {  	s11 =	rddreg [dreg:$0x1b];
	[sflag:s13] =	ssyncadd.s32 $0xFFFFEC00  }
0x68: {  	[spmem:s11] =	stream.linear.scatter [tilespmem:s2], [sflag:$0xA], $0x1400, $0x38;
	[tilespmem:$0x1F600] =	vst v63  }
0x69: {  	_ =	swait.ge [sflag:s13], $0x1400  }
0x6a: {  	[sflag:s13] =	ssyncset.done $0x0  }
0x6b: {  	s12 =	rddreg [dreg:$0x1c];
	[sflag:s13] =	ssyncadd.s32 $0xFFFFEC00  }
0x6c: {  	[spmem:s12] =	stream.linear.scatter [tilespmem:s2], [sflag:$0xA], $0x1400, $0x38;
	[tilespmem:$0x1F600] =	vst v63  }
0x6d: {  	_ =	swait.ge [sflag:s13], $0x1400  }
0x6e: {  	[sflag:s13] =	ssyncset.done $0x0  }
0x6f: {  	[sflag:s13] =	ssyncadd.s32 $0xFFFFEC00  }
0x70: {  	[bflag:$0x0] =	sbarrier.arrive $0xFFFF  }
0x71: {  	s17 =	simm.s32 $0x0;
	s14 =	rddreg [dreg:$0x6]  }
0x72: {  	[tilespmem:s17], [sflag:$0xA] =	stream.linear.gather [hbm4b:s14+s17], $0x28, $0x38;
	[tilespmem:$0x1F600] =	vst v63  }
0x73: {  	_ =	swait.ge [sflag:s13], $0x28  }
0x74: {  	[sflag:s13] =	ssyncset.done $0x0  }
0x75: {  	s16 =	simm.s32 $0x100;
	s15 =	rddreg [dreg:$0x7];
	[sflag:s13] =	ssyncadd.s32 $0xFFFFFFD8  }
0x76: {  	[tilespmem:s16], [sflag:$0xA] =	stream.linear.gather [hbm4b:s15+s17], $0x28, $0x38;
	[tilespmem:$0x1F600] =	vst v63  }
0x77: {  	_ =	swait.ge [sflag:s13], $0x28  }
0x78: {  	[sflag:s13] =	ssyncset.done $0x0  }
0x79: {  	s20 =	simm.s32 $0x200;
	[sflag:s13] =	ssyncadd.s32 $0xFFFFFFD8  }
0x7a: {  	[tilespmem:s20], [sflag:$0x1] =	stream.indirect.gather [hbm4b:s19+s18], $0x80, s17, s18, $0xb8;
	[tilespmem:$0x1F600] =	vst v63  }
0x7b: {  	s21 =	simm.s32 $0x2A00  }
0x7c: {  	[tilespmem:s21], [sflag:$0x3] =	stream.indirect.gather [hbm4b:s6+s18], $0x80, s16, s18, $0xb8;
	[tilespmem:$0x1F600] =	vst v63  }
0x7d: {  	s23 =	simm.s32 $0x5200;
	s22 =	rddreg [dreg:$0x8]  }
0x7e: {  	[tilespmem:s23], [sflag:$0x5] =	stream.linear.gather [hbm4b:s22+s17], $0x1400, $0x38;
	[tilespmem:$0x1F600] =	vst v63  }
.LBB2_4:
0x7f: {  	p0 =	seq.s32 s17, $0x0  }
0x80: {  	s1 =	simm.s32 @!p0 $0x9  }
0x81: {  	s21 =	smul.u32 $0x50, s17;
	_ =	swait.ge @!p0 [sflag:s1], $0x1400  }
0x82: {  	s2 =	rddreg [dreg:$0x9]  }
0x83: {  	s2 =	sadd.s32 s21, s2  }
0x84: {  	[sflag:s1] =	ssyncset.done @!p0 $0x0;
	s3 =	sshrl.u32 s2, $0x3  }
0x85: {  	s5 =	simm.s32 $0x80;
	[sflag:s1] =	ssyncadd.s32 @!p0 $0xFFFFEC00;
	s22 =	sadd.s32 s8, s3  }
0x86: {  	[tilespmem:s5], [sflag:$0xA] =	stream.linear.gather [hbm4b:s22+s4], $0x28, $0x38;
	[tilespmem:$0x1F600] =	vst v63  }
0x87: {  	_ =	swait.ge [sflag:s13], $0x28  }
0x88: {  	[sflag:s13] =	ssyncset.done $0x0  }
0x89: {  	s23 =	sadd.s32 s9, s3;
	[sflag:s13] =	ssyncadd.s32 $0xFFFFFFD8  }
0x8a: {  	[tilespmem:s10], [sflag:$0xA] =	stream.linear.gather [hbm4b:s23+s4], $0x28, $0x38;
	[tilespmem:$0x1F600] =	vst v63  }
0x8b: {  	_ =	swait.ge [sflag:s13], $0x28  }
0x8c: {  	[sflag:s13] =	ssyncset.done $0x0  }
0x8d: {  	s3 =	simm.s32 $0x1600;
	[sflag:s13] =	ssyncadd.s32 $0xFFFFFFD8  }
0x8e: {  	[tilespmem:s3], [sflag:$0x2] =	stream.indirect.gather [hbm4b:s19+s18], $0x80, s5, s18, $0xb8;
	[tilespmem:$0x1F600] =	vst v63  }
0x8f: {  	s11 =	simm.s32 $0x3E00  }
0x90: {  	[tilespmem:s11], [sflag:$0x4] =	stream.indirect.gather [hbm4b:s6+s18], $0x80, s10, s18, $0xb8;
	[tilespmem:$0x1F600] =	vst v63  }
0x91: {  	s11 =	sshll.u32 s2, $0x4  }
0x92: {  	s15 =	simm.s32 $0x6600;
	s16 =	simm.s32 $0x1;
	s14 =	sadd.s32 s7, s11  }
0x93: {  	[tilespmem:s15], [sflag:$0x6] =	stream.linear.gather [hbm4b:s14+s4], $0x1400, $0x38;
	[tilespmem:$0x1F600] =	vst v63  }
0x94: {  	_ =	swait.ge [sflag:s16], $0x1400  }
0x95: {  	[sflag:s16] =	ssyncset.done $0x0  }
0x96: {  	[sflag:s16] =	ssyncadd.s32 $0xFFFFEC00  }
0x97: {  	_ =	swait.ge [sflag:s25], $0x1400  }
0x98: {  	[sflag:s25] =	ssyncset.done $0x0  }
0x99: {  	[sflag:s25] =	ssyncadd.s32 $0xFFFFEC00  }
0x9a: {  	_ =	swait.ge [sflag:s26], $0x1400  }
0x9b: {  	[sflag:s26] =	ssyncset.done $0x0  }
0x9c: {  	s1 =	simm.s32 @!p0 $0x7;
	[sflag:s26] =	ssyncadd.s32 $0xFFFFEC00  }
0x9d: {  	_ =	swait.ge @!p0 [sflag:s1], $0x1400  }
0x9e: {  	[sflag:s1] =	ssyncset.done @!p0 $0x0  }
0x9f: {  	s20 =	smov.u32 s28;
	s28 =	simm.s32 $0x2B00;
	[sflag:s1] =	ssyncadd.s32 @!p0 $0xFFFFEC00  }
0xa0: {  	s5 =	simm.s32 $0x300;
	v1 =	vld [tilespmem:s28+$0x80]  }
0xa1: {  	s16 =	simm.s32 $0x5300;
	v2 =	vld [tilespmem:s5+$0x80]  }
0xa2: {  	v3 =	vld [tilespmem:s16+$0x80];
	_ =	sdelay $0x3  }
0xa3: {  	v4 =	vld [tilespmem:s5+$0x0];
	v1 =	vadd.f32 v1, v2  }
0xa4: {  	v2 =	vld [tilespmem:s28+$0x0];
	v5 =	vshll.u32 v3, $0x10  }
0xa5: {  	v6 =	vld [tilespmem:s16+$0x0];
	v1 =	vadd.f32 v5, v1  }
0xa6: {  	v7 =	vld [tilespmem:s28+$0xFFFFFF00];
	v3 =	vand.u32 $0xFFFF0000, v3  }
0xa7: {  	s22 =	simm.s32 $0x7B00;
	v5 =	vld [tilespmem:s5+$0xFFFFFF00];
	v3 =	vadd.f32 v3, v1  }
0xa8: {  	s23 =	simm.s32 $0xA300;
	v8 =	vld [tilespmem:s16+$0xFFFFFF00];
	[tilespmem:s22+$0x80] =	vst v1  }
0xa9: {  	v1 =	vadd.f32 v2, v4;
	[tilespmem:s23+$0x80] =	vst v3  }
0xaa: {  	v2 =	vshll.u32 v6, $0x10;
	v3 =	vld [tilespmem:s28+$0x90]  }
0xab: {  	v1 =	vadd.f32 v2, v1;
	v2 =	vld [tilespmem:s5+$0x90]  }
0xac: {  	v6 =	vand.u32 $0xFFFF0000, v6;
	v4 =	vld [tilespmem:s16+$0x90];
	v5 =	vadd.f32 v7, v5  }
0xad: {  	v10 =	vld [tilespmem:s5+$0xFFFFFF80];
	v9 =	vshll.u32 v8, $0x10;
	v6 =	vadd.f32 v6, v1  }
0xae: {  	v7 =	vld [tilespmem:s28+$0xFFFFFF80];
	[tilespmem:s22+$0x0] =	vst v1;
	v1 =	vadd.f32 v9, v5  }
0xaf: {  	v8 =	vand.u32 $0xFFFF0000, v8;
	v5 =	vld [tilespmem:s16+$0xFFFFFF80];
	[tilespmem:s23+$0x0] =	vst v6  }
0xb0: {  	v6 =	vadd.f32 v8, v1;
	v8 =	vld [tilespmem:s5+$0x10];
	v2 =	vadd.f32 v3, v2  }
0xb1: {  	[tilespmem:s22+$0xFFFFFF00] =	vst v1;
	v1 =	vld [tilespmem:s28+$0x10];
	v3 =	vshll.u32 v4, $0x10  }
0xb2: {  	v44 =	vld [tilespmem:s16+$0x10];
	v2 =	vadd.f32 v3, v2  }
0xb3: {  	v4 =	vand.u32 $0xFFFF0000, v4;
	[tilespmem:s23+$0xFFFFFF00] =	vst v6;
	v3 =	vadd.f32 v7, v10  }
0xb4: {  	v6 =	vld [tilespmem:s28+$0xFFFFFF10];
	v7 =	vshll.u32 v5, $0x10;
	v4 =	vadd.f32 v4, v2  }
0xb5: {  	v45 =	vld [tilespmem:s5+$0xFFFFFF10];
	v3 =	vadd.f32 v7, v3;
	[tilespmem:s22+$0x90] =	vst v2  }
0xb6: {  	v5 =	vand.u32 $0xFFFF0000, v5;
	v2 =	vld [tilespmem:s16+$0xFFFFFF10];
	v1 =	vadd.f32 v1, v8;
	[tilespmem:s23+$0x90] =	vst v4  }
0xb7: {  	v4 =	vadd.f32 v5, v3;
	v5 =	vshll.u32 v44, $0x10;
	v7 =	vld [tilespmem:s5+$0xA0]  }
0xb8: {  	[tilespmem:s22+$0xFFFFFF80] =	vst v3;
	v1 =	vadd.f32 v5, v1;
	v3 =	vld [tilespmem:s28+$0xA0]  }
0xb9: {  	v5 =	vld [tilespmem:s16+$0xA0];
	[tilespmem:s23+$0xFFFFFF80] =	vst v4;
	v4 =	vand.u32 $0xFFFF0000, v44  }
0xba: {  	v6 =	vadd.f32 v6, v45;
	v8 =	vld [tilespmem:s28+$0xFFFFFF90];
	v4 =	vadd.f32 v4, v1  }
0xbb: {  	v46 =	vshll.u32 v2, $0x10;
	v47 =	vld [tilespmem:s5+$0xFFFFFF90];
	[tilespmem:s22+$0x10] =	vst v1  }
0xbc: {  	v1 =	vadd.f32 v46, v6;
	v6 =	vld [tilespmem:s16+$0xFFFFFF90];
	[tilespmem:s23+$0x10] =	vst v4  }
0xbd: {  	v2 =	vand.u32 $0xFFFF0000, v2;
	v3 =	vadd.f32 v3, v7;
	v4 =	vld [tilespmem:s5+$0x20]  }
0xbe: {  	v2 =	vadd.f32 v2, v1;
	v7 =	vshll.u32 v5, $0x10;
	[tilespmem:s22+$0xFFFFFF10] =	vst v1;
	v1 =	vld [tilespmem:s28+$0x20]  }
0xbf: {  	v48 =	vld [tilespmem:s16+$0x20];
	v3 =	vadd.f32 v7, v3  }
0xc0: {  	v5 =	vand.u32 $0xFFFF0000, v5;
	[tilespmem:s23+$0xFFFFFF10] =	vst v2;
	v2 =	vadd.f32 v8, v47  }
0xc1: {  	v7 =	vld [tilespmem:s5+$0xFFFFFF20];
	v8 =	vshll.u32 v6, $0x10;
	v5 =	vadd.f32 v5, v3  }
0xc2: {  	v49 =	vld [tilespmem:s28+$0xFFFFFF20];
	v2 =	vadd.f32 v8, v2;
	[tilespmem:s22+$0xA0] =	vst v3  }
0xc3: {  	v6 =	vand.u32 $0xFFFF0000, v6;
	v3 =	vld [tilespmem:s16+$0xFFFFFF20];
	v1 =	vadd.f32 v1, v4;
	[tilespmem:s23+$0xA0] =	vst v5  }
0xc4: {  	v4 =	vadd.f32 v6, v2;
	v6 =	vshll.u32 v48, $0x10;
	v5 =	vld [tilespmem:s28+$0xB0]  }
0xc5: {  	[tilespmem:s22+$0xFFFFFF90] =	vst v2;
	v2 =	vld [tilespmem:s5+$0xB0];
	v1 =	vadd.f32 v6, v1  }
0xc6: {  	v6 =	vld [tilespmem:s16+$0xB0];
	[tilespmem:s23+$0xFFFFFF90] =	vst v4;
	v4 =	vand.u32 $0xFFFF0000, v48  }
0xc7: {  	v7 =	vadd.f32 v49, v7;
	v8 =	vld [tilespmem:s5+$0xFFFFFFA0];
	v4 =	vadd.f32 v4, v1  }
0xc8: {  	v50 =	vshll.u32 v3, $0x10;
	v51 =	vld [tilespmem:s28+$0xFFFFFFA0];
	[tilespmem:s22+$0x20] =	vst v1  }
0xc9: {  	v1 =	vadd.f32 v50, v7;
	v7 =	vld [tilespmem:s16+$0xFFFFFFA0];
	[tilespmem:s23+$0x20] =	vst v4  }
0xca: {  	v3 =	vand.u32 $0xFFFF0000, v3;
	v2 =	vadd.f32 v5, v2;
	v4 =	vld [tilespmem:s5+$0x30]  }
0xcb: {  	v3 =	vadd.f32 v3, v1;
	v5 =	vshll.u32 v6, $0x10;
	[tilespmem:s22+$0xFFFFFF20] =	vst v1;
	v1 =	vld [tilespmem:s28+$0x30]  }
0xcc: {  	v2 =	vadd.f32 v5, v2;
	v5 =	vld [tilespmem:s16+$0x30]  }
0xcd: {  	v6 =	vand.u32 $0xFFFF0000, v6;
	[tilespmem:s23+$0xFFFFFF20] =	vst v3;
	v3 =	vadd.f32 v51, v8  }
0xce: {  	v8 =	vld [tilespmem:s5+$0xFFFFFF30];
	v52 =	vshll.u32 v7, $0x10;
	v6 =	vadd.f32 v6, v2  }
0xcf: {  	v53 =	vld [tilespmem:s28+$0xFFFFFF30];
	v3 =	vadd.f32 v52, v3;
	[tilespmem:s22+$0xB0] =	vst v2  }
0xd0: {  	v7 =	vand.u32 $0xFFFF0000, v7;
	v2 =	vld [tilespmem:s16+$0xFFFFFF30];
	v1 =	vadd.f32 v1, v4;
	[tilespmem:s23+$0xB0] =	vst v6  }
0xd1: {  	v4 =	vadd.f32 v7, v3;
	v6 =	vshll.u32 v5, $0x10;
	v7 =	vld [tilespmem:s28+$0xC0]  }
0xd2: {  	[tilespmem:s22+$0xFFFFFFA0] =	vst v3;
	v3 =	vld [tilespmem:s5+$0xC0];
	v1 =	vadd.f32 v6, v1  }
0xd3: {  	[tilespmem:s23+$0xFFFFFFA0] =	vst v4;
	v4 =	vand.u32 $0xFFFF0000, v5;
	v5 =	vld [tilespmem:s16+$0xC0]  }
0xd4: {  	v6 =	vadd.f32 v53, v8;
	v8 =	vld [tilespmem:s5+$0xFFFFFFB0];
	v4 =	vadd.f32 v4, v1  }
0xd5: {  	v54 =	vshll.u32 v2, $0x10;
	[tilespmem:s22+$0x30] =	vst v1;
	v1 =	vld [tilespmem:s28+$0xFFFFFFB0]  }
0xd6: {  	v55 =	vld [tilespmem:s16+$0xFFFFFFB0];
	v6 =	vadd.f32 v54, v6;
	[tilespmem:s23+$0x30] =	vst v4  }
0xd7: {  	v2 =	vand.u32 $0xFFFF0000, v2;
	v3 =	vadd.f32 v7, v3;
	v4 =	vld [tilespmem:s5+$0x40]  }
0xd8: {  	v2 =	vadd.f32 v2, v6;
	[tilespmem:s22+$0xFFFFFF30] =	vst v6;
	v6 =	vld [tilespmem:s28+$0x40];
	v7 =	vshll.u32 v5, $0x10  }
0xd9: {  	v56 =	vld [tilespmem:s16+$0x40];
	v3 =	vadd.f32 v7, v3  }
0xda: {  	[tilespmem:s23+$0xFFFFFF30] =	vst v2;
	v2 =	vand.u32 $0xFFFF0000, v5;
	v1 =	vadd.f32 v1, v8  }
0xdb: {  	v7 =	vshll.u32 v55, $0x10;
	v5 =	vld [tilespmem:s5+$0xFFFFFF40];
	v2 =	vadd.f32 v2, v3  }
0xdc: {  	v8 =	vld [tilespmem:s28+$0xFFFFFF40];
	[tilespmem:s22+$0xC0] =	vst v3;
	v1 =	vadd.f32 v7, v1  }
0xdd: {  	v3 =	vld [tilespmem:s16+$0xFFFFFF40];
	v7 =	vand.u32 $0xFFFF0000, v55;
	v4 =	vadd.f32 v6, v4;
	[tilespmem:s23+$0xC0] =	vst v2  }
0xde: {  	v6 =	vshll.u32 v56, $0x10;
	v2 =	vadd.f32 v7, v1;
	v7 =	vld [tilespmem:s5+$0xD0]  }
0xdf: {  	[tilespmem:s22+$0xFFFFFFB0] =	vst v1;
	v1 =	vadd.f32 v6, v4;
	v4 =	vld [tilespmem:s28+$0xD0]  }
0xe0: {  	v6 =	vld [tilespmem:s16+$0xD0];
	[tilespmem:s23+$0xFFFFFFB0] =	vst v2;
	v2 =	vand.u32 $0xFFFF0000, v56  }
0xe1: {  	v5 =	vadd.f32 v8, v5;
	v8 =	vld [tilespmem:s5+$0xFFFFFFC0];
	v2 =	vadd.f32 v2, v1  }
0xe2: {  	v57 =	vshll.u32 v3, $0x10;
	[tilespmem:s22+$0x40] =	vst v1;
	v1 =	vld [tilespmem:s28+$0xFFFFFFC0]  }
0xe3: {  	v5 =	vadd.f32 v57, v5;
	v58 =	vld [tilespmem:s16+$0xFFFFFFC0];
	[tilespmem:s23+$0x40] =	vst v2  }
0xe4: {  	v2 =	vand.u32 $0xFFFF0000, v3;
	v3 =	vld [tilespmem:s5+$0x50];
	v4 =	vadd.f32 v4, v7  }
0xe5: {  	[tilespmem:s22+$0xFFFFFF40] =	vst v5;
	v2 =	vadd.f32 v2, v5;
	v5 =	vld [tilespmem:s28+$0x50];
	v7 =	vshll.u32 v6, $0x10  }
0xe6: {  	v59 =	vld [tilespmem:s16+$0x50];
	v4 =	vadd.f32 v7, v4  }
0xe7: {  	[tilespmem:s23+$0xFFFFFF40] =	vst v2;
	v1 =	vadd.f32 v1, v8;
	v2 =	vand.u32 $0xFFFF0000, v6  }
0xe8: {  	v7 =	vshll.u32 v58, $0x10;
	v6 =	vld [tilespmem:s5+$0xFFFFFF50];
	v2 =	vadd.f32 v2, v4  }
0xe9: {  	v8 =	vld [tilespmem:s28+$0xFFFFFF50];
	[tilespmem:s22+$0xD0] =	vst v4;
	v1 =	vadd.f32 v7, v1  }
0xea: {  	v4 =	vld [tilespmem:s16+$0xFFFFFF50];
	v7 =	vand.u32 $0xFFFF0000, v58;
	v3 =	vadd.f32 v5, v3;
	[tilespmem:s23+$0xD0] =	vst v2  }
0xeb: {  	v5 =	vshll.u32 v59, $0x10;
	v2 =	vadd.f32 v7, v1;
	v7 =	vld [tilespmem:s5+$0xE0]  }
0xec: {  	[tilespmem:s22+$0xFFFFFFC0] =	vst v1;
	v1 =	vadd.f32 v5, v3;
	v3 =	vld [tilespmem:s28+$0xE0]  }
0xed: {  	v5 =	vld [tilespmem:s16+$0xE0];
	[tilespmem:s23+$0xFFFFFFC0] =	vst v2  }
0xee: {  	v2 =	vand.u32 $0xFFFF0000, v59;
	v6 =	vadd.f32 v8, v6;
	v8 =	vld [tilespmem:s5+$0xFFFFFFD0]  }
0xef: {  	v2 =	vadd.f32 v2, v1;
	v60 =	vshll.u32 v4, $0x10;
	[tilespmem:s22+$0x50] =	vst v1;
	v1 =	vld [tilespmem:s28+$0xFFFFFFD0]  }
0xf0: {  	v61 =	vld [tilespmem:s16+$0xFFFFFFD0];
	v6 =	vadd.f32 v60, v6  }
0xf1: {  	[tilespmem:s23+$0x50] =	vst v2;
	v2 =	vand.u32 $0xFFFF0000, v4  }
0xf2: {  	v4 =	vld [tilespmem:s5+$0x60];
	v2 =	vadd.f32 v2, v6;
	v3 =	vadd.f32 v3, v7  }
0xf3: {  	v7 =	vshll.u32 v5, $0x10;
	[tilespmem:s22+$0xFFFFFF50] =	vst v6;
	v6 =	vld [tilespmem:s28+$0x60]  }
0xf4: {  	v62 =	vld [tilespmem:s16+$0x60];
	[tilespmem:s23+$0xFFFFFF50] =	vst v2;
	v2 =	vadd.f32 v7, v3;
	v1 =	vadd.f32 v1, v8  }
0xf5: {  	v5 =	vand.u32 $0xFFFF0000, v5;
	v7 =	vshll.u32 v61, $0x10;
	v3 =	vld [tilespmem:s5+$0xFFFFFF60]  }
0xf6: {  	v8 =	vld [tilespmem:s28+$0xFFFFFF60];
	v5 =	vadd.f32 v5, v2;
	v1 =	vadd.f32 v7, v1  }
0xf7: {  	[tilespmem:s22+$0xE0] =	vst v2;
	v2 =	vld [tilespmem:s16+$0xFFFFFF60];
	v7 =	vand.u32 $0xFFFF0000, v61  }
0xf8: {  	v4 =	vadd.f32 v6, v4;
	[tilespmem:s23+$0xE0] =	vst v5;
	v5 =	vadd.f32 v7, v1  }
0xf9: {  	v6 =	vshll.u32 v62, $0x10;
	[tilespmem:s22+$0xFFFFFFD0] =	vst v1;
	v7 =	vld [tilespmem:s5+$0xF0]  }
0xfa: {  	v1 =	vadd.f32 v6, v4;
	v63 =	vld [tilespmem:s28+$0xF0];
	[tilespmem:s23+$0xFFFFFFD0] =	vst v5  }
0xfb: {  	v5 =	vand.u32 $0xFFFF0000, v62;
	v3 =	vadd.f32 v8, v3;
	v4 =	vld [tilespmem:s28+$0xFFFFFFE0]  }
0xfc: {  	v6 =	vadd.f32 v5, v1;
	v8 =	vshll.u32 v2, $0x10;
	v5 =	vld [tilespmem:s5+$0xFFFFFFE0]  }
0xfd: {  	s12 =	smov.u32 s19;
	s3 =	simm.s32 $0x5300;
	s19 =	rddreg [dreg:$0x5];
	[tilespmem:s22+$0x60] =	vst v1;
	v8 =	vadd.f32 v8, v3;
	v3 =	vld [tilespmem:s16+$0xFFFFFFE0]  }
0xfe: {  	s10 =	simm.s32 $0x0;
	s14 =	simm.s32 $0x7D00;
	s15 =	simm.s32 $0xA500;
	v2 =	vand.u32 $0xFFFF0000, v2;
	[tilespmem:s23+$0x60] =	vst v6  }
0xff: {  	s1 =	simm.s32 $0x2D00;
	v1 =	vld [tilespmem:s16+$0xF0];
	s2 =	sadd.s32 s19, s21;
	s19 =	simm.s32 $0x300;
	[tilespmem:s22+$0xFFFFFF60] =	vst v8;
	v6 =	vadd.f32 v2, v8;
	v2 =	vadd.f32 v63, v7  }
.LBB2_5:
0x100: {  	s10 =	sadd.s32 $0x4, s10;
	v7 =	vld [tilespmem:s5+$0x70];
	s16 =	sadd.s32 $0x200, s16;
	s19 =	sadd.s32 $0x200, s19  }
0x101: {  	p0 =	slt.u32 s10, $0x24;
	[tilespmem:s23+$0xFFFFFF60] =	vst v6;
	v4 =	vadd.f32 v4, v5;
	v5 =	vld [tilespmem:s28+$0x70]  }
0x102: {  	v6 =	vshll.u32 v3, $0x10;
	v8 =	vld [tilespmem:s3+$0x70]  }
0x103: {  	v9 =	vld [tilespmem:s5+$0xFFFFFF70];
	v4 =	vadd.f32 v6, v4  }
0x104: {  	v3 =	vand.u32 $0xFFFF0000, v3;
	v6 =	vld [tilespmem:s28+$0xFFFFFF70]  }
0x105: {  	v10 =	vld [tilespmem:s3+$0xFFFFFF70];
	[tilespmem:s22+$0xFFFFFFE0] =	vst v4;
	v3 =	vadd.f32 v3, v4  }
0x106: {  	v4 =	vadd.f32 v5, v7  }
0x107: {  	[tilespmem:s23+$0xFFFFFFE0] =	vst v3;
	v3 =	vshll.u32 v8, $0x10  }
0x108: {  	v5 =	vld [tilespmem:s5+$0xFFFFFFF0];
	v3 =	vadd.f32 v3, v4;
	s5 =	smov.u32 s19  }
0x109: {  	v7 =	vand.u32 $0xFFFF0000, v8;
	v4 =	vld [tilespmem:s16+$0xFFFFFF00];
	v6 =	vadd.f32 v6, v9  }
0x10a: {  	v8 =	vshll.u32 v10, $0x10;
	v9 =	vld [tilespmem:s3+$0xFFFFFFF0];
	[tilespmem:s22+$0x70] =	vst v3;
	v3 =	vadd.f32 v7, v3;
	s3 =	smov.u32 s16  }
0x10b: {  	v6 =	vadd.f32 v8, v6  }
0x10c: {  	v8 =	vand.u32 $0xFFFF0000, v10;
	v7 =	vld [tilespmem:s19+$0x0];
	[tilespmem:s23+$0x70] =	vst v3  }
0x10d: {  	v3 =	vld [tilespmem:s16+$0x80];
	[tilespmem:s22+$0xFFFFFF70] =	vst v6;
	v6 =	vadd.f32 v8, v6  }
0x10e: {  	v8 =	vld [tilespmem:s1+$0x80]  }
0x10f: {  	v10 =	vld [tilespmem:s19+$0x80];
	[tilespmem:s23+$0xFFFFFF70] =	vst v6  }
0x110: {  	v6 =	vld [tilespmem:s16+$0xFFFFFF80]  }
0x111: {  	v11 =	vld [tilespmem:s19+$0xFFFFFF00]  }
0x112: {  	v12 =	vld [tilespmem:s16+$0x0]  }
0x113: {  	v13 =	vld [tilespmem:s1+$0x0]  }
0x114: {  	v8 =	vadd.f32 v8, v10;
	v10 =	vld [tilespmem:s28+$0xFFFFFFF0];
	s28 =	smov.u32 s1  }
0x115: {  	v15 =	vshll.u32 v3, $0x10;
	v14 =	vld [tilespmem:s1+$0xFFFFFF80]  }
0x116: {  	v16 =	vld [tilespmem:s19+$0xFFFFFF80];
	v8 =	vadd.f32 v15, v8  }
0x117: {  	v17 =	vshll.u32 v1, $0x10;
	v3 =	vand.u32 $0xFFFF0000, v3;
	v15 =	vld [tilespmem:s1+$0xFFFFFF00]  }
0x118: {  	v2 =	vadd.f32 v17, v2;
	v3 =	vadd.f32 v3, v8  }
0x119: {  	v1 =	vand.u32 $0xFFFF0000, v1;
	v7 =	vadd.f32 v13, v7;
	[tilespmem:s14+$0x80] =	vst v8;
	v5 =	vadd.f32 v10, v5  }
0x11a: {  	v1 =	vadd.f32 v1, v2;
	v8 =	vand.u32 $0xFFFF0000, v9;
	[tilespmem:s15+$0x80] =	vst v3;
	v3 =	vshll.u32 v9, $0x10  }
0x11b: {  	v10 =	vshll.u32 v12, $0x10;
	v9 =	vadd.f32 v14, v16;
	v13 =	vld [tilespmem:s1+$0x90];
	v3 =	vadd.f32 v3, v5;
	[tilespmem:s22+$0xF0] =	vst v2  }
0x11c: {  	v7 =	vadd.f32 v10, v7;
	v2 =	vshll.u32 v4, $0x10;
	v5 =	vshll.u32 v6, $0x10;
	v10 =	vld [tilespmem:s16+$0x90];
	[tilespmem:s23+$0xF0] =	vst v1  }
0x11d: {  	v1 =	vadd.f32 v15, v11;
	v5 =	vadd.f32 v5, v9;
	v9 =	vand.u32 $0xFFFF0000, v12;
	v11 =	vld [tilespmem:s19+$0x90];
	[tilespmem:s22+$0xFFFFFFF0] =	vst v3;
	s22 =	smov.u32 s14  }
0x11e: {  	v6 =	vand.u32 $0xFFFF0000, v6;
	v3 =	vadd.f32 v8, v3;
	[tilespmem:s14+$0x0] =	vst v7;
	v7 =	vadd.f32 v9, v7  }
0x11f: {  	v1 =	vadd.f32 v2, v1;
	[tilespmem:s14+$0xFFFFFF80] =	vst v5;
	v2 =	vadd.f32 v6, v5  }
0x120: {  	v4 =	vand.u32 $0xFFFF0000, v4;
	[tilespmem:s15+$0x0] =	vst v7  }
0x121: {  	[tilespmem:s14+$0xFFFFFF00] =	vst v1;
	v1 =	vadd.f32 v4, v1;
	v4 =	vld [tilespmem:s16+$0x10]  }
0x122: {  	v5 =	vld [tilespmem:s19+$0x10];
	v6 =	vadd.f32 v13, v11;
	[tilespmem:s23+$0xFFFFFFF0] =	vst v3;
	s23 =	smov.u32 s15  }
0x123: {  	v3 =	vshll.u32 v10, $0x10;
	[tilespmem:s15+$0xFFFFFF80] =	vst v2;
	v2 =	vld [tilespmem:s1+$0x10]  }
0x124: {  	v7 =	vld [tilespmem:s1+$0xFFFFFF90];
	v3 =	vadd.f32 v3, v6  }
0x125: {  	v6 =	vand.u32 $0xFFFF0000, v10;
	[tilespmem:s15+$0xFFFFFF00] =	vst v1;
	v1 =	vld [tilespmem:s19+$0xFFFFFF90]  }
0x126: {  	v8 =	vld [tilespmem:s16+$0xFFFFFF90];
	[tilespmem:s14+$0x90] =	vst v3;
	v3 =	vadd.f32 v6, v3  }
0x127: {  	v9 =	vshll.u32 v4, $0x10;
	v6 =	vld [tilespmem:s1+$0xFFFFFF10]  }
0x128: {  	v10 =	vld [tilespmem:s19+$0xFFFFFF10];
	[tilespmem:s15+$0x90] =	vst v3  }
0x129: {  	v4 =	vand.u32 $0xFFFF0000, v4;
	v2 =	vadd.f32 v2, v5;
	v3 =	vld [tilespmem:s16+$0xFFFFFF10]  }
0x12a: {  	v1 =	vadd.f32 v7, v1;
	v5 =	vld [tilespmem:s19+$0xA0]  }
0x12b: {  	v2 =	vadd.f32 v9, v2;
	v7 =	vshll.u32 v8, $0x10;
	v9 =	vld [tilespmem:s1+$0xA0]  }
0x12c: {  	v1 =	vadd.f32 v7, v1;
	v7 =	vld [tilespmem:s16+$0xA0]  }
0x12d: {  	v8 =	vand.u32 $0xFFFF0000, v8;
	v6 =	vadd.f32 v6, v10;
	[tilespmem:s14+$0x10] =	vst v2  }
0x12e: {  	v2 =	vadd.f32 v4, v2;
	v10 =	vshll.u32 v3, $0x10;
	[tilespmem:s14+$0xFFFFFF90] =	vst v1;
	v1 =	vadd.f32 v8, v1  }
0x12f: {  	v4 =	vadd.f32 v10, v6  }
0x130: {  	v3 =	vand.u32 $0xFFFF0000, v3;
	[tilespmem:s15+$0x10] =	vst v2;
	v2 =	vadd.f32 v9, v5  }
0x131: {  	v3 =	vadd.f32 v3, v4;
	[tilespmem:s15+$0xFFFFFF90] =	vst v1;
	v1 =	vld [tilespmem:s16+$0x20];
	v5 =	vshll.u32 v7, $0x10  }
0x132: {  	[tilespmem:s14+$0xFFFFFF10] =	vst v4;
	v4 =	vld [tilespmem:s19+$0x20];
	v2 =	vadd.f32 v5, v2  }
0x133: {  	v5 =	vand.u32 $0xFFFF0000, v7;
	[tilespmem:s15+$0xFFFFFF10] =	vst v3;
	v3 =	vld [tilespmem:s19+$0xFFFFFFA0]  }
0x134: {  	v6 =	vld [tilespmem:s1+$0x20];
	[tilespmem:s14+$0xA0] =	vst v2;
	v2 =	vadd.f32 v5, v2  }
0x135: {  	v5 =	vld [tilespmem:s19+$0xFFFFFF20]  }
0x136: {  	v7 =	vld [tilespmem:s16+$0xFFFFFF20];
	v8 =	vand.u32 $0xFFFF0000, v1;
	[tilespmem:s15+$0xA0] =	vst v2  }
0x137: {  	v2 =	vld [tilespmem:s16+$0xB0]  }
0x138: {  	v9 =	vld [tilespmem:s1+$0xB0]  }
0x139: {  	v10 =	vld [tilespmem:s1+$0xFFFFFF20];
	v4 =	vadd.f32 v6, v4  }
0x13a: {  	v1 =	vshll.u32 v1, $0x10;
	v6 =	vld [tilespmem:s19+$0xB0]  }
0x13b: {  	v11 =	vshll.u32 v7, $0x10;
	v12 =	vld [tilespmem:s1+$0xFFFFFFA0];
	v1 =	vadd.f32 v1, v4  }
0x13c: {  	v4 =	vld [tilespmem:s16+$0xFFFFFFA0]  }
0x13d: {  	v7 =	vand.u32 $0xFFFF0000, v7;
	[tilespmem:s14+$0x20] =	vst v1  }
0x13e: {  	v1 =	vadd.f32 v8, v1;
	v5 =	vadd.f32 v10, v5  }
0x13f: {  	v8 =	vshll.u32 v2, $0x10;
	v6 =	vadd.f32 v9, v6  }
0x140: {  	v5 =	vadd.f32 v11, v5;
	v3 =	vadd.f32 v12, v3;
	[tilespmem:s15+$0x20] =	vst v1  }
0x141: {  	v1 =	vshll.u32 v4, $0x10;
	v9 =	vld [tilespmem:s19+$0x30];
	v6 =	vadd.f32 v8, v6  }
0x142: {  	v2 =	vand.u32 $0xFFFF0000, v2;
	[tilespmem:s14+$0xFFFFFF20] =	vst v5;
	v5 =	vadd.f32 v7, v5;
	v1 =	vadd.f32 v1, v3;
	v3 =	vld [tilespmem:s1+$0x30]  }
0x143: {  	v4 =	vand.u32 $0xFFFF0000, v4;
	v7 =	vld [tilespmem:s16+$0x30];
	[tilespmem:s14+$0xB0] =	vst v6;
	v2 =	vadd.f32 v2, v6  }
0x144: {  	[tilespmem:s15+$0xFFFFFF20] =	vst v5;
	v4 =	vadd.f32 v4, v1  }
0x145: {  	v5 =	vld [tilespmem:s19+$0xFFFFFF30];
	[tilespmem:s14+$0xFFFFFFA0] =	vst v1  }
0x146: {  	v1 =	vld [tilespmem:s1+$0xFFFFFF30];
	[tilespmem:s15+$0xFFFFFFA0] =	vst v4  }
0x147: {  	v4 =	vld [tilespmem:s16+$0xFFFFFF30];
	v3 =	vadd.f32 v3, v9;
	[tilespmem:s15+$0xB0] =	vst v2  }
0x148: {  	v2 =	vshll.u32 v7, $0x10;
	v6 =	vld [tilespmem:s1+$0xC0]  }
0x149: {  	v2 =	vadd.f32 v2, v3;
	v3 =	vld [tilespmem:s19+$0xC0]  }
0x14a: {  	v7 =	vand.u32 $0xFFFF0000, v7;
	v8 =	vld [tilespmem:s16+$0xC0]  }
0x14b: {  	v1 =	vadd.f32 v1, v5;
	v5 =	vld [tilespmem:s19+$0xFFFFFFB0];
	[tilespmem:s14+$0x30] =	vst v2;
	v2 =	vadd.f32 v7, v2  }
0x14c: {  	v7 =	vshll.u32 v4, $0x10;
	v9 =	vld [tilespmem:s1+$0xFFFFFFB0]  }
0x14d: {  	v1 =	vadd.f32 v7, v1;
	v7 =	vld [tilespmem:s16+$0xFFFFFFB0];
	[tilespmem:s15+$0x30] =	vst v2  }
0x14e: {  	v2 =	vand.u32 $0xFFFF0000, v4;
	v4 =	vld [tilespmem:s19+$0x40];
	v3 =	vadd.f32 v6, v3  }
0x14f: {  	[tilespmem:s14+$0xFFFFFF30] =	vst v1;
	v1 =	vadd.f32 v2, v1;
	v2 =	vld [tilespmem:s1+$0x40];
	v6 =	vshll.u32 v8, $0x10  }
0x150: {  	v10 =	vld [tilespmem:s16+$0x40];
	v3 =	vadd.f32 v6, v3  }
0x151: {  	[tilespmem:s15+$0xFFFFFF30] =	vst v1;
	v1 =	vadd.f32 v9, v5;
	v5 =	vand.u32 $0xFFFF0000, v8  }
0x152: {  	v6 =	vld [tilespmem:s19+$0xFFFFFF40];
	v8 =	vshll.u32 v7, $0x10;
	[tilespmem:s14+$0xC0] =	vst v3;
	v3 =	vadd.f32 v5, v3  }
0x153: {  	v5 =	vld [tilespmem:s1+$0xFFFFFF40];
	v1 =	vadd.f32 v8, v1  }
0x154: {  	v7 =	vand.u32 $0xFFFF0000, v7;
	v8 =	vld [tilespmem:s16+$0xFFFFFF40];
	v2 =	vadd.f32 v2, v4;
	[tilespmem:s15+$0xC0] =	vst v3  }
0x155: {  	[tilespmem:s14+$0xFFFFFFB0] =	vst v1;
	v1 =	vadd.f32 v7, v1;
	v3 =	vshll.u32 v10, $0x10;
	v4 =	vld [tilespmem:s19+$0xD0]  }
0x156: {  	v2 =	vadd.f32 v3, v2;
	v3 =	vld [tilespmem:s1+$0xD0]  }
0x157: {  	[tilespmem:s15+$0xFFFFFFB0] =	vst v1;
	v1 =	vand.u32 $0xFFFF0000, v10;
	v7 =	vld [tilespmem:s16+$0xD0]  }
0x158: {  	v5 =	vadd.f32 v5, v6;
	v6 =	vld [tilespmem:s19+$0xFFFFFFC0];
	[tilespmem:s14+$0x40] =	vst v2;
	v1 =	vadd.f32 v1, v2  }
0x159: {  	v2 =	vshll.u32 v8, $0x10;
	v9 =	vld [tilespmem:s1+$0xFFFFFFC0]  }
0x15a: {  	v2 =	vadd.f32 v2, v5;
	v5 =	vld [tilespmem:s16+$0xFFFFFFC0];
	[tilespmem:s15+$0x40] =	vst v1  }
0x15b: {  	v1 =	vand.u32 $0xFFFF0000, v8;
	v8 =	vld [tilespmem:s19+$0x50];
	v3 =	vadd.f32 v3, v4  }
0x15c: {  	[tilespmem:s14+$0xFFFFFF40] =	vst v2;
	v1 =	vadd.f32 v1, v2;
	v2 =	vld [tilespmem:s1+$0x50];
	v4 =	vshll.u32 v7, $0x10  }
0x15d: {  	v10 =	vld [tilespmem:s16+$0x50];
	v3 =	vadd.f32 v4, v3  }
0x15e: {  	v4 =	vand.u32 $0xFFFF0000, v7;
	[tilespmem:s15+$0xFFFFFF40] =	vst v1;
	v1 =	vadd.f32 v9, v6  }
0x15f: {  	v6 =	vld [tilespmem:s19+$0xFFFFFF50];
	v7 =	vshll.u32 v5, $0x10;
	[tilespmem:s14+$0xD0] =	vst v3;
	v3 =	vadd.f32 v4, v3  }
0x160: {  	v4 =	vld [tilespmem:s1+$0xFFFFFF50];
	v1 =	vadd.f32 v7, v1  }
0x161: {  	v5 =	vand.u32 $0xFFFF0000, v5;
	v7 =	vld [tilespmem:s16+$0xFFFFFF50];
	v2 =	vadd.f32 v2, v8;
	[tilespmem:s15+$0xD0] =	vst v3  }
0x162: {  	[tilespmem:s14+$0xFFFFFFC0] =	vst v1;
	v1 =	vadd.f32 v5, v1;
	v3 =	vshll.u32 v10, $0x10;
	v5 =	vld [tilespmem:s19+$0xE0]  }
0x163: {  	v2 =	vadd.f32 v3, v2;
	v3 =	vld [tilespmem:s16+$0xE0]  }
0x164: {  	[tilespmem:s15+$0xFFFFFFC0] =	vst v1;
	v1 =	vand.u32 $0xFFFF0000, v10;
	v8 =	vld [tilespmem:s1+$0xE0]  }
0x165: {  	v4 =	vadd.f32 v4, v6;
	v6 =	vld [tilespmem:s19+$0xFFFFFFD0];
	[tilespmem:s14+$0x50] =	vst v2;
	v1 =	vadd.f32 v1, v2  }
0x166: {  	v2 =	vshll.u32 v7, $0x10;
	v9 =	vld [tilespmem:s1+$0xFFFFFFD0]  }
0x167: {  	v2 =	vadd.f32 v2, v4;
	v4 =	vld [tilespmem:s16+$0xFFFFFFD0];
	[tilespmem:s15+$0x50] =	vst v1  }
0x168: {  	v1 =	vand.u32 $0xFFFF0000, v7;
	v7 =	vld [tilespmem:s19+$0x60];
	v10 =	vshll.u32 v3, $0x10  }
0x169: {  	[tilespmem:s14+$0xFFFFFF50] =	vst v2;
	v1 =	vadd.f32 v1, v2;
	v2 =	vld [tilespmem:s1+$0x60];
	v5 =	vadd.f32 v8, v5  }
0x16a: {  	v8 =	vld [tilespmem:s16+$0x60]  }
0x16b: {  	[tilespmem:s15+$0xFFFFFF50] =	vst v1;
	v1 =	vadd.f32 v9, v6;
	v5 =	vadd.f32 v10, v5  }
0x16c: {  	v3 =	vand.u32 $0xFFFF0000, v3;
	v6 =	vld [tilespmem:s19+$0xFFFFFF60];
	v9 =	vshll.u32 v4, $0x10  }
0x16d: {  	v10 =	vld [tilespmem:s1+$0xFFFFFF60];
	v1 =	vadd.f32 v9, v1;
	[tilespmem:s14+$0xE0] =	vst v5;
	v3 =	vadd.f32 v3, v5  }
0x16e: {  	v4 =	vand.u32 $0xFFFF0000, v4;
	v9 =	vld [tilespmem:s16+$0xFFFFFF60];
	v2 =	vadd.f32 v2, v7  }
0x16f: {  	v4 =	vadd.f32 v4, v1;
	v5 =	vshll.u32 v8, $0x10;
	[tilespmem:s15+$0xE0] =	vst v3  }
0x170: {  	[tilespmem:s14+$0xFFFFFFD0] =	vst v1;
	v1 =	vadd.f32 v5, v2;
	v2 =	vld [tilespmem:s19+$0xF0]  }
0x171: {  	v3 =	vand.u32 $0xFFFF0000, v8;
	[tilespmem:s15+$0xFFFFFFD0] =	vst v4;
	v7 =	vld [tilespmem:s1+$0xF0]  }
.Ltmp1:
0x172: {  	v6 =	vadd.f32 v10, v6;
	v4 =	vld [tilespmem:s1+$0xFFFFFFE0];
	[tilespmem:s14+$0x60] =	vst v1;
	v1 =	vadd.f32 v3, v1;
	(pc) =	sbr.rel @p0 .LBB2_5-.Ltmp1, $4  }
0x173: {  	v3 =	vshll.u32 v9, $0x10;
	v5 =	vld [tilespmem:s19+$0xFFFFFFE0]  }
0x174: {  	v6 =	vadd.f32 v3, v6;
	v3 =	vld [tilespmem:s16+$0xFFFFFFE0];
	[tilespmem:s15+$0x60] =	vst v1  }
0x175: {  	v8 =	vand.u32 $0xFFFF0000, v9;
	v1 =	vld [tilespmem:s16+$0xF0]  }
0x176: {  	s1 =	sadd.s32 $0x200, s1;
	s14 =	sadd.s32 $0x200, s14;
	s15 =	sadd.s32 $0x200, s15;
	[tilespmem:s22+$0xFFFFFF60] =	vst v6;
	v6 =	vadd.f32 v8, v6;
	v2 =	vadd.f32 v7, v2  }
0x177: {  	v7 =	vld [tilespmem:s5+$0x70]  }
0x178: {  	v8 =	vld [tilespmem:s3+$0x70];
	v4 =	vadd.f32 v4, v5  }
0x179: {  	v5 =	vld [tilespmem:s28+$0x70];
	[tilespmem:s23+$0xFFFFFF60] =	vst v6;
	v6 =	vshll.u32 v3, $0x10  }
0x17a: {  	v9 =	vld [tilespmem:s5+$0xFFFFFF70];
	v4 =	vadd.f32 v6, v4  }
0x17b: {  	v3 =	vand.u32 $0xFFFF0000, v3;
	v6 =	vld [tilespmem:s28+$0xFFFFFF70]  }
0x17c: {  	v10 =	vld [tilespmem:s3+$0xFFFFFF70];
	v3 =	vadd.f32 v3, v4  }
0x17d: {  	[tilespmem:s22+$0xFFFFFFE0] =	vst v4  }
0x17e: {  	[tilespmem:s23+$0xFFFFFFE0] =	vst v3  }
0x17f: {  	v3 =	vadd.f32 v5, v7;
	v4 =	vld [tilespmem:s5+$0xFFFFFFF0]  }
0x180: {  	v5 =	vshll.u32 v8, $0x10;
	v6 =	vadd.f32 v6, v9;
	v7 =	vld [tilespmem:s28+$0xFFFFFFF0]  }
0x181: {  	v41 =	vld [tilespmem:s3+$0xFFFFFFF0];
	v3 =	vadd.f32 v5, v3;
	v5 =	vshll.u32 v10, $0x10  }
0x182: {  	v8 =	vand.u32 $0xFFFF0000, v8;
	v5 =	vadd.f32 v5, v6  }
0x183: {  	v6 =	vadd.f32 v8, v3;
	v8 =	vand.u32 $0xFFFF0000, v10  }
0x184: {  	[tilespmem:s22+$0x70] =	vst v3;
	v3 =	vadd.f32 v8, v5;
	v8 =	vshll.u32 v1, $0x10  }
0x185: {  	[tilespmem:s22+$0xFFFFFF70] =	vst v5;
	v2 =	vadd.f32 v8, v2;
	v4 =	vadd.f32 v7, v4  }
0x186: {  	v1 =	vand.u32 $0xFFFF0000, v1;
	[tilespmem:s23+$0x70] =	vst v6;
	v5 =	vshll.u32 v41, $0x10  }
0x187: {  	[tilespmem:s23+$0xFFFFFF70] =	vst v3;
	v1 =	vadd.f32 v1, v2;
	v3 =	vadd.f32 v5, v4  }
0x188: {  	v4 =	vand.u32 $0xFFFF0000, v41;
	[tilespmem:s22+$0xF0] =	vst v2  }
0x189: {  	[tilespmem:s23+$0xF0] =	vst v1;
	v1 =	vadd.f32 v4, v3  }
0x18a: {  	s1 =	sshll.u32 s2, $0x4;
	p0 =	seq.s32 s17, $0x7C;
	[tilespmem:s22+$0xFFFFFFF0] =	vst v3  }
0x18b: {  	s1 =	sadd.s32 s20, s1;
	s28 =	smov.u32 s20;
	s20 =	simm.s32 $0xA200;
	[tilespmem:s23+$0xFFFFFFF0] =	vst v1  }
0x18c: {  	[hbm4b:s1+s4] =	stream.linear.scatter [tilespmem:s20], [sflag:$0x7], $0x1400, $0x38;
	[tilespmem:$0x1F600] =	vst v63  }
0x18d: {  	s22 =	simm.s32 $0x100;
	s23 =	simm.s32 $0x7A00;
	s1 =	simm.s32 @!p0 $0x8  }
0x18e: {  	[spmem:s24] =	stream.indirect.scatter.add.f32 [tilespmem:s23], [sflag:$0x8], $0x80, s22, s18, $0xb8;
	[tilespmem:$0x1F600] =	vst v63  }
0x18f: {  	_ =	swait.ge @!p0 [sflag:s1], $0x1400  }
0x190: {  	s2 =	rddreg [dreg:$0xa]  }
0x191: {  	s2 =	sadd.s32 @!p0 s21, s2  }
0x192: {  	[sflag:s1] =	ssyncset.done @!p0 $0x0;
	s3 =	sshrl.u32 @!p0 s2, $0x3  }
0x193: {  	s5 =	simm.s32 @!p0 $0x0;
	[sflag:s1] =	ssyncadd.s32 @!p0 $0xFFFFEC00;
	s1 =	sadd.s32 @!p0 s8, s3  }
0x194: {  	[tilespmem:s5], [sflag:$0xA] =	stream.linear.gather @!p0 [hbm4b:s1+s5], $0x28, $0x38;
	[tilespmem:$0x1F600] =	vst v63  }
0x195: {  	s1 =	simm.s32 @!p0 $0xA  }
0x196: {  	_ =	swait.ge @!p0 [sflag:s1], $0x28  }
0x197: {  	[sflag:s1] =	ssyncset.done @!p0 $0x0  }
0x198: {  	s10 =	simm.s32 @!p0 $0x100;
	s3 =	sadd.s32 @!p0 s9, s3;
	[sflag:s1] =	ssyncadd.s32 @!p0 $0xFFFFFFD8  }
0x199: {  	[tilespmem:s10], [sflag:$0xA] =	stream.linear.gather @!p0 [hbm4b:s3+s5], $0x28, $0x38;
	[tilespmem:$0x1F600] =	vst v63  }
0x19a: {  	_ =	swait.ge @!p0 [sflag:s1], $0x28  }
0x19b: {  	[sflag:s1] =	ssyncset.done @!p0 $0x0  }
0x19c: {  	s3 =	simm.s32 @!p0 $0x200;
	[sflag:s1] =	ssyncadd.s32 @!p0 $0xFFFFFFD8;
	s1 =	simm.s32 @!p0 $0x28  }
0x19d: {  	[tilespmem:s3], [sflag:$0x1] =	stream.indirect.gather @!p0 [hbm4b:s12+s1], $0x80, s5, s1, $0xb8;
	[tilespmem:$0x1F600] =	vst v63  }
0x19e: {  	s3 =	simm.s32 @!p0 $0x2A00  }
0x19f: {  	[tilespmem:s3], [sflag:$0x3] =	stream.indirect.gather @!p0 [hbm4b:s6+s1], $0x80, s10, s1, $0xb8;
	[tilespmem:$0x1F600] =	vst v63  }
0x1a0: {  	s1 =	sshll.u32 @!p0 s2, $0x4  }
0x1a1: {  	s2 =	simm.s32 @!p0 $0x5200;
	s1 =	sadd.s32 @!p0 s7, s1  }
0x1a2: {  	[tilespmem:s2], [sflag:$0x5] =	stream.linear.gather @!p0 [hbm4b:s1+s5], $0x1400, $0x38;
	[tilespmem:$0x1F600] =	vst v63  }
0x1a3: {  	_ =	swait.ge [sflag:s29], $0x1400  }
0x1a4: {  	[sflag:s29] =	ssyncset.done $0x0  }
0x1a5: {  	[sflag:s29] =	ssyncadd.s32 $0xFFFFEC00  }
0x1a6: {  	_ =	swait.ge [sflag:s30], $0x1400  }
0x1a7: {  	[sflag:s30] =	ssyncset.done $0x0  }
0x1a8: {  	[sflag:s30] =	ssyncadd.s32 $0xFFFFEC00  }
0x1a9: {  	_ =	swait.ge [sflag:s31], $0x1400  }
0x1aa: {  	[sflag:s31] =	ssyncset.done $0x0  }
0x1ab: {  	[sflag:s31] =	ssyncadd.s32 $0xFFFFEC00  }
0x1ac: {  	_ =	swait.ge [sflag:s0], $0x1400  }
0x1ad: {  	[sflag:s0] =	ssyncset.done $0x0  }
0x1ae: {  	s23 =	simm.s32 $0x3F00;
	[sflag:s0] =	ssyncadd.s32 $0xFFFFEC00  }
0x1af: {  	s5 =	simm.s32 $0x1700;
	v1 =	vld [tilespmem:s23+$0x80]  }
0x1b0: {  	s16 =	simm.s32 $0x6700;
	v2 =	vld [tilespmem:s5+$0x80]  }
0x1b1: {  	v3 =	vld [tilespmem:s16+$0x80];
	_ =	sdelay $0x3  }
0x1b2: {  	v4 =	vld [tilespmem:s5+$0x0];
	v1 =	vadd.f32 v1, v2  }
0x1b3: {  	v2 =	vld [tilespmem:s23+$0x0];
	v5 =	vshll.u32 v3, $0x10  }
0x1b4: {  	v6 =	vld [tilespmem:s16+$0x0];
	v1 =	vadd.f32 v5, v1  }
0x1b5: {  	v7 =	vld [tilespmem:s23+$0xFFFFFF00];
	v3 =	vand.u32 $0xFFFF0000, v3  }
0x1b6: {  	s21 =	simm.s32 $0x8F00;
	v5 =	vld [tilespmem:s5+$0xFFFFFF00];
	v3 =	vadd.f32 v3, v1  }
0x1b7: {  	s22 =	simm.s32 $0xA300;
	v8 =	vld [tilespmem:s16+$0xFFFFFF00];
	[tilespmem:s21+$0x80] =	vst v1  }
0x1b8: {  	v1 =	vadd.f32 v2, v4;
	[tilespmem:s22+$0x80] =	vst v3  }
0x1b9: {  	v2 =	vshll.u32 v6, $0x10;
	v3 =	vld [tilespmem:s23+$0x90]  }
0x1ba: {  	v1 =	vadd.f32 v2, v1;
	v2 =	vld [tilespmem:s5+$0x90]  }
0x1bb: {  	v6 =	vand.u32 $0xFFFF0000, v6;
	v4 =	vld [tilespmem:s16+$0x90];
	v5 =	vadd.f32 v7, v5  }
0x1bc: {  	v43 =	vld [tilespmem:s5+$0xFFFFFF80];
	v42 =	vshll.u32 v8, $0x10;
	v6 =	vadd.f32 v6, v1  }
0x1bd: {  	v7 =	vld [tilespmem:s23+$0xFFFFFF80];
	[tilespmem:s21+$0x0] =	vst v1;
	v1 =	vadd.f32 v42, v5  }
0x1be: {  	v8 =	vand.u32 $0xFFFF0000, v8;
	v5 =	vld [tilespmem:s16+$0xFFFFFF80];
	[tilespmem:s22+$0x0] =	vst v6  }
0x1bf: {  	v6 =	vadd.f32 v8, v1;
	v8 =	vld [tilespmem:s5+$0x10];
	v2 =	vadd.f32 v3, v2  }
0x1c0: {  	[tilespmem:s21+$0xFFFFFF00] =	vst v1;
	v1 =	vld [tilespmem:s23+$0x10];
	v3 =	vshll.u32 v4, $0x10  }
0x1c1: {  	v44 =	vld [tilespmem:s16+$0x10];
	v2 =	vadd.f32 v3, v2  }
0x1c2: {  	v4 =	vand.u32 $0xFFFF0000, v4;
	[tilespmem:s22+$0xFFFFFF00] =	vst v6;
	v3 =	vadd.f32 v7, v43  }
0x1c3: {  	v6 =	vld [tilespmem:s23+$0xFFFFFF10];
	v7 =	vshll.u32 v5, $0x10;
	v4 =	vadd.f32 v4, v2  }
0x1c4: {  	v45 =	vld [tilespmem:s5+$0xFFFFFF10];
	v3 =	vadd.f32 v7, v3;
	[tilespmem:s21+$0x90] =	vst v2  }
0x1c5: {  	v5 =	vand.u32 $0xFFFF0000, v5;
	v2 =	vld [tilespmem:s16+$0xFFFFFF10];
	v1 =	vadd.f32 v1, v8;
	[tilespmem:s22+$0x90] =	vst v4  }
0x1c6: {  	v4 =	vadd.f32 v5, v3;
	v5 =	vshll.u32 v44, $0x10;
	v7 =	vld [tilespmem:s5+$0xA0]  }
0x1c7: {  	[tilespmem:s21+$0xFFFFFF80] =	vst v3;
	v1 =	vadd.f32 v5, v1;
	v3 =	vld [tilespmem:s23+$0xA0]  }
0x1c8: {  	v5 =	vld [tilespmem:s16+$0xA0];
	[tilespmem:s22+$0xFFFFFF80] =	vst v4;
	v4 =	vand.u32 $0xFFFF0000, v44  }
0x1c9: {  	v6 =	vadd.f32 v6, v45;
	v8 =	vld [tilespmem:s23+$0xFFFFFF90];
	v4 =	vadd.f32 v4, v1  }
0x1ca: {  	v46 =	vshll.u32 v2, $0x10;
	v47 =	vld [tilespmem:s5+$0xFFFFFF90];
	[tilespmem:s21+$0x10] =	vst v1  }
0x1cb: {  	v1 =	vadd.f32 v46, v6;
	v6 =	vld [tilespmem:s16+$0xFFFFFF90];
	[tilespmem:s22+$0x10] =	vst v4  }
0x1cc: {  	v2 =	vand.u32 $0xFFFF0000, v2;
	v3 =	vadd.f32 v3, v7;
	v4 =	vld [tilespmem:s5+$0x20]  }
0x1cd: {  	v2 =	vadd.f32 v2, v1;
	v7 =	vshll.u32 v5, $0x10;
	[tilespmem:s21+$0xFFFFFF10] =	vst v1;
	v1 =	vld [tilespmem:s23+$0x20]  }
0x1ce: {  	v48 =	vld [tilespmem:s16+$0x20];
	v3 =	vadd.f32 v7, v3  }
0x1cf: {  	v5 =	vand.u32 $0xFFFF0000, v5;
	[tilespmem:s22+$0xFFFFFF10] =	vst v2;
	v2 =	vadd.f32 v8, v47  }
0x1d0: {  	v7 =	vld [tilespmem:s5+$0xFFFFFF20];
	v8 =	vshll.u32 v6, $0x10;
	v5 =	vadd.f32 v5, v3  }
0x1d1: {  	v49 =	vld [tilespmem:s23+$0xFFFFFF20];
	v2 =	vadd.f32 v8, v2;
	[tilespmem:s21+$0xA0] =	vst v3  }
0x1d2: {  	v6 =	vand.u32 $0xFFFF0000, v6;
	v3 =	vld [tilespmem:s16+$0xFFFFFF20];
	v1 =	vadd.f32 v1, v4;
	[tilespmem:s22+$0xA0] =	vst v5  }
0x1d3: {  	v4 =	vadd.f32 v6, v2;
	v6 =	vshll.u32 v48, $0x10;
	v5 =	vld [tilespmem:s23+$0xB0]  }
0x1d4: {  	[tilespmem:s21+$0xFFFFFF90] =	vst v2;
	v2 =	vld [tilespmem:s5+$0xB0];
	v1 =	vadd.f32 v6, v1  }
0x1d5: {  	v6 =	vld [tilespmem:s16+$0xB0];
	[tilespmem:s22+$0xFFFFFF90] =	vst v4;
	v4 =	vand.u32 $0xFFFF0000, v48  }
0x1d6: {  	v7 =	vadd.f32 v49, v7;
	v8 =	vld [tilespmem:s5+$0xFFFFFFA0];
	v4 =	vadd.f32 v4, v1  }
0x1d7: {  	v50 =	vshll.u32 v3, $0x10;
	v51 =	vld [tilespmem:s23+$0xFFFFFFA0];
	[tilespmem:s21+$0x20] =	vst v1  }
0x1d8: {  	v1 =	vadd.f32 v50, v7;
	v7 =	vld [tilespmem:s16+$0xFFFFFFA0];
	[tilespmem:s22+$0x20] =	vst v4  }
0x1d9: {  	v3 =	vand.u32 $0xFFFF0000, v3;
	v2 =	vadd.f32 v5, v2;
	v4 =	vld [tilespmem:s5+$0x30]  }
0x1da: {  	v3 =	vadd.f32 v3, v1;
	v5 =	vshll.u32 v6, $0x10;
	[tilespmem:s21+$0xFFFFFF20] =	vst v1;
	v1 =	vld [tilespmem:s23+$0x30]  }
0x1db: {  	v2 =	vadd.f32 v5, v2;
	v5 =	vld [tilespmem:s16+$0x30]  }
0x1dc: {  	v6 =	vand.u32 $0xFFFF0000, v6;
	[tilespmem:s22+$0xFFFFFF20] =	vst v3;
	v3 =	vadd.f32 v51, v8  }
0x1dd: {  	v8 =	vld [tilespmem:s5+$0xFFFFFF30];
	v52 =	vshll.u32 v7, $0x10;
	v6 =	vadd.f32 v6, v2  }
0x1de: {  	v53 =	vld [tilespmem:s23+$0xFFFFFF30];
	v3 =	vadd.f32 v52, v3;
	[tilespmem:s21+$0xB0] =	vst v2  }
0x1df: {  	v7 =	vand.u32 $0xFFFF0000, v7;
	v2 =	vld [tilespmem:s16+$0xFFFFFF30];
	v1 =	vadd.f32 v1, v4;
	[tilespmem:s22+$0xB0] =	vst v6  }
0x1e0: {  	v4 =	vadd.f32 v7, v3;
	v6 =	vshll.u32 v5, $0x10;
	v7 =	vld [tilespmem:s23+$0xC0]  }
0x1e1: {  	[tilespmem:s21+$0xFFFFFFA0] =	vst v3;
	v3 =	vld [tilespmem:s5+$0xC0];
	v1 =	vadd.f32 v6, v1  }
0x1e2: {  	[tilespmem:s22+$0xFFFFFFA0] =	vst v4;
	v4 =	vand.u32 $0xFFFF0000, v5;
	v5 =	vld [tilespmem:s16+$0xC0]  }
0x1e3: {  	v6 =	vadd.f32 v53, v8;
	v8 =	vld [tilespmem:s5+$0xFFFFFFB0];
	v4 =	vadd.f32 v4, v1  }
0x1e4: {  	v54 =	vshll.u32 v2, $0x10;
	[tilespmem:s21+$0x30] =	vst v1;
	v1 =	vld [tilespmem:s23+$0xFFFFFFB0]  }
0x1e5: {  	v55 =	vld [tilespmem:s16+$0xFFFFFFB0];
	v6 =	vadd.f32 v54, v6;
	[tilespmem:s22+$0x30] =	vst v4  }
0x1e6: {  	v2 =	vand.u32 $0xFFFF0000, v2;
	v3 =	vadd.f32 v7, v3;
	v4 =	vld [tilespmem:s5+$0x40]  }
0x1e7: {  	v2 =	vadd.f32 v2, v6;
	[tilespmem:s21+$0xFFFFFF30] =	vst v6;
	v6 =	vld [tilespmem:s23+$0x40];
	v7 =	vshll.u32 v5, $0x10  }
0x1e8: {  	v56 =	vld [tilespmem:s16+$0x40];
	v3 =	vadd.f32 v7, v3  }
0x1e9: {  	[tilespmem:s22+$0xFFFFFF30] =	vst v2;
	v2 =	vand.u32 $0xFFFF0000, v5;
	v1 =	vadd.f32 v1, v8  }
0x1ea: {  	v7 =	vshll.u32 v55, $0x10;
	v5 =	vld [tilespmem:s5+$0xFFFFFF40];
	v2 =	vadd.f32 v2, v3  }
0x1eb: {  	v8 =	vld [tilespmem:s23+$0xFFFFFF40];
	[tilespmem:s21+$0xC0] =	vst v3;
	v1 =	vadd.f32 v7, v1  }
0x1ec: {  	v3 =	vld [tilespmem:s16+$0xFFFFFF40];
	v7 =	vand.u32 $0xFFFF0000, v55;
	v4 =	vadd.f32 v6, v4;
	[tilespmem:s22+$0xC0] =	vst v2  }
0x1ed: {  	v6 =	vshll.u32 v56, $0x10;
	v2 =	vadd.f32 v7, v1;
	v7 =	vld [tilespmem:s5+$0xD0]  }
0x1ee: {  	[tilespmem:s21+$0xFFFFFFB0] =	vst v1;
	v1 =	vadd.f32 v6, v4;
	v4 =	vld [tilespmem:s23+$0xD0]  }
0x1ef: {  	v6 =	vld [tilespmem:s16+$0xD0];
	[tilespmem:s22+$0xFFFFFFB0] =	vst v2;
	v2 =	vand.u32 $0xFFFF0000, v56  }
0x1f0: {  	v5 =	vadd.f32 v8, v5;
	v8 =	vld [tilespmem:s5+$0xFFFFFFC0];
	v2 =	vadd.f32 v2, v1  }
0x1f1: {  	v57 =	vshll.u32 v3, $0x10;
	[tilespmem:s21+$0x40] =	vst v1;
	v1 =	vld [tilespmem:s23+$0xFFFFFFC0]  }
0x1f2: {  	v5 =	vadd.f32 v57, v5;
	v58 =	vld [tilespmem:s16+$0xFFFFFFC0];
	[tilespmem:s22+$0x40] =	vst v2  }
0x1f3: {  	v2 =	vand.u32 $0xFFFF0000, v3;
	v3 =	vld [tilespmem:s5+$0x50];
	v4 =	vadd.f32 v4, v7  }
0x1f4: {  	[tilespmem:s21+$0xFFFFFF40] =	vst v5;
	v2 =	vadd.f32 v2, v5;
	v5 =	vld [tilespmem:s23+$0x50];
	v7 =	vshll.u32 v6, $0x10  }
0x1f5: {  	v59 =	vld [tilespmem:s16+$0x50];
	v4 =	vadd.f32 v7, v4  }
0x1f6: {  	[tilespmem:s22+$0xFFFFFF40] =	vst v2;
	v1 =	vadd.f32 v1, v8;
	v2 =	vand.u32 $0xFFFF0000, v6  }
0x1f7: {  	v7 =	vshll.u32 v58, $0x10;
	v6 =	vld [tilespmem:s5+$0xFFFFFF50];
	v2 =	vadd.f32 v2, v4  }
0x1f8: {  	v8 =	vld [tilespmem:s23+$0xFFFFFF50];
	[tilespmem:s21+$0xD0] =	vst v4;
	v1 =	vadd.f32 v7, v1  }
0x1f9: {  	v4 =	vld [tilespmem:s16+$0xFFFFFF50];
	v7 =	vand.u32 $0xFFFF0000, v58;
	v3 =	vadd.f32 v5, v3;
	[tilespmem:s22+$0xD0] =	vst v2  }
0x1fa: {  	v5 =	vshll.u32 v59, $0x10;
	v2 =	vadd.f32 v7, v1;
	v7 =	vld [tilespmem:s5+$0xE0]  }
0x1fb: {  	[tilespmem:s21+$0xFFFFFFC0] =	vst v1;
	v1 =	vadd.f32 v5, v3;
	v3 =	vld [tilespmem:s23+$0xE0]  }
0x1fc: {  	v5 =	vld [tilespmem:s16+$0xE0];
	[tilespmem:s22+$0xFFFFFFC0] =	vst v2  }
0x1fd: {  	v2 =	vand.u32 $0xFFFF0000, v59;
	v6 =	vadd.f32 v8, v6;
	v8 =	vld [tilespmem:s5+$0xFFFFFFD0]  }
0x1fe: {  	v2 =	vadd.f32 v2, v1;
	v60 =	vshll.u32 v4, $0x10;
	[tilespmem:s21+$0x50] =	vst v1;
	v1 =	vld [tilespmem:s23+$0xFFFFFFD0]  }
0x1ff: {  	v61 =	vld [tilespmem:s16+$0xFFFFFFD0];
	v6 =	vadd.f32 v60, v6  }
0x200: {  	[tilespmem:s22+$0x50] =	vst v2;
	v2 =	vand.u32 $0xFFFF0000, v4  }
0x201: {  	v4 =	vld [tilespmem:s5+$0x60];
	v2 =	vadd.f32 v2, v6;
	v3 =	vadd.f32 v3, v7  }
0x202: {  	v7 =	vshll.u32 v5, $0x10;
	[tilespmem:s21+$0xFFFFFF50] =	vst v6;
	v6 =	vld [tilespmem:s23+$0x60]  }
0x203: {  	v62 =	vld [tilespmem:s16+$0x60];
	[tilespmem:s22+$0xFFFFFF50] =	vst v2;
	v2 =	vadd.f32 v7, v3;
	v1 =	vadd.f32 v1, v8  }
0x204: {  	v5 =	vand.u32 $0xFFFF0000, v5;
	v7 =	vshll.u32 v61, $0x10;
	v3 =	vld [tilespmem:s5+$0xFFFFFF60]  }
0x205: {  	v8 =	vld [tilespmem:s23+$0xFFFFFF60];
	v5 =	vadd.f32 v5, v2;
	v1 =	vadd.f32 v7, v1  }
0x206: {  	[tilespmem:s21+$0xE0] =	vst v2;
	v2 =	vld [tilespmem:s16+$0xFFFFFF60];
	v7 =	vand.u32 $0xFFFF0000, v61  }
0x207: {  	v4 =	vadd.f32 v6, v4;
	[tilespmem:s22+$0xE0] =	vst v5;
	v5 =	vadd.f32 v7, v1  }
0x208: {  	v6 =	vshll.u32 v62, $0x10;
	[tilespmem:s21+$0xFFFFFFD0] =	vst v1;
	v7 =	vld [tilespmem:s5+$0xF0]  }
0x209: {  	v1 =	vadd.f32 v6, v4;
	v63 =	vld [tilespmem:s23+$0xF0];
	[tilespmem:s22+$0xFFFFFFD0] =	vst v5  }
0x20a: {  	v5 =	vand.u32 $0xFFFF0000, v62;
	v3 =	vadd.f32 v8, v3;
	v4 =	vld [tilespmem:s23+$0xFFFFFFE0]  }
0x20b: {  	v6 =	vadd.f32 v5, v1;
	v8 =	vshll.u32 v2, $0x10;
	v5 =	vld [tilespmem:s5+$0xFFFFFFE0]  }
0x20c: {  	s19 =	smov.u32 s12;
	[tilespmem:s21+$0x60] =	vst v1;
	v8 =	vadd.f32 v8, v3;
	v3 =	vld [tilespmem:s16+$0xFFFFFFE0]  }
0x20d: {  	s14 =	simm.s32 $0xA500;
	s15 =	simm.s32 $0x1700;
	s3 =	simm.s32 $0x0;
	v2 =	vand.u32 $0xFFFF0000, v2;
	[tilespmem:s22+$0x60] =	vst v6  }
0x20e: {  	s10 =	simm.s32 $0x9100;
	s1 =	simm.s32 $0x4100;
	s2 =	simm.s32 $0x6700;
	v1 =	vld [tilespmem:s16+$0xF0];
	[tilespmem:s21+$0xFFFFFF60] =	vst v8;
	v6 =	vadd.f32 v2, v8;
	v2 =	vadd.f32 v63, v7  }
.LBB2_7:
0x20f: {  	s3 =	sadd.s32 $0x4, s3;
	v7 =	vld [tilespmem:s5+$0x70];
	s16 =	sadd.s32 $0x200, s16;
	s15 =	sadd.s32 $0x200, s15  }
0x210: {  	p0 =	slt.u32 s3, $0x24;
	[tilespmem:s22+$0xFFFFFF60] =	vst v6;
	v4 =	vadd.f32 v4, v5;
	v5 =	vld [tilespmem:s23+$0x70]  }
0x211: {  	v6 =	vshll.u32 v3, $0x10;
	v8 =	vld [tilespmem:s2+$0x70]  }
0x212: {  	v9 =	vld [tilespmem:s5+$0xFFFFFF70];
	v4 =	vadd.f32 v6, v4  }
0x213: {  	v3 =	vand.u32 $0xFFFF0000, v3;
	v6 =	vld [tilespmem:s23+$0xFFFFFF70]  }
0x214: {  	v10 =	vld [tilespmem:s2+$0xFFFFFF70];
	[tilespmem:s21+$0xFFFFFFE0] =	vst v4;
	v3 =	vadd.f32 v3, v4  }
0x215: {  	v4 =	vadd.f32 v5, v7  }
0x216: {  	[tilespmem:s22+$0xFFFFFFE0] =	vst v3;
	v3 =	vshll.u32 v8, $0x10  }
0x217: {  	v5 =	vld [tilespmem:s5+$0xFFFFFFF0];
	v3 =	vadd.f32 v3, v4;
	s5 =	smov.u32 s15  }
0x218: {  	v7 =	vand.u32 $0xFFFF0000, v8;
	v4 =	vld [tilespmem:s16+$0xFFFFFF00];
	v6 =	vadd.f32 v6, v9  }
0x219: {  	v8 =	vshll.u32 v10, $0x10;
	v9 =	vld [tilespmem:s2+$0xFFFFFFF0];
	[tilespmem:s21+$0x70] =	vst v3;
	v3 =	vadd.f32 v7, v3;
	s2 =	smov.u32 s16  }
0x21a: {  	v6 =	vadd.f32 v8, v6  }
0x21b: {  	v8 =	vand.u32 $0xFFFF0000, v10;
	v7 =	vld [tilespmem:s15+$0x0];
	[tilespmem:s22+$0x70] =	vst v3  }
0x21c: {  	v3 =	vld [tilespmem:s16+$0x80];
	[tilespmem:s21+$0xFFFFFF70] =	vst v6;
	v6 =	vadd.f32 v8, v6  }
0x21d: {  	v8 =	vld [tilespmem:s1+$0x80]  }
0x21e: {  	v10 =	vld [tilespmem:s15+$0x80];
	[tilespmem:s22+$0xFFFFFF70] =	vst v6  }
0x21f: {  	v6 =	vld [tilespmem:s16+$0xFFFFFF80]  }
0x220: {  	v11 =	vld [tilespmem:s15+$0xFFFFFF00]  }
0x221: {  	v12 =	vld [tilespmem:s16+$0x0]  }
0x222: {  	v13 =	vld [tilespmem:s1+$0x0]  }
0x223: {  	v8 =	vadd.f32 v8, v10;
	v10 =	vld [tilespmem:s23+$0xFFFFFFF0];
	s23 =	smov.u32 s1  }
0x224: {  	v15 =	vshll.u32 v3, $0x10;
	v14 =	vld [tilespmem:s1+$0xFFFFFF80]  }
0x225: {  	v16 =	vld [tilespmem:s15+$0xFFFFFF80];
	v8 =	vadd.f32 v15, v8  }
0x226: {  	v17 =	vshll.u32 v1, $0x10;
	v3 =	vand.u32 $0xFFFF0000, v3;
	v15 =	vld [tilespmem:s1+$0xFFFFFF00]  }
0x227: {  	v2 =	vadd.f32 v17, v2;
	v3 =	vadd.f32 v3, v8  }
0x228: {  	v1 =	vand.u32 $0xFFFF0000, v1;
	v7 =	vadd.f32 v13, v7;
	[tilespmem:s10+$0x80] =	vst v8;
	v5 =	vadd.f32 v10, v5  }
0x229: {  	v1 =	vadd.f32 v1, v2;
	v8 =	vand.u32 $0xFFFF0000, v9;
	[tilespmem:s14+$0x80] =	vst v3;
	v3 =	vshll.u32 v9, $0x10  }
0x22a: {  	v10 =	vshll.u32 v12, $0x10;
	v9 =	vadd.f32 v14, v16;
	v13 =	vld [tilespmem:s1+$0x90];
	v3 =	vadd.f32 v3, v5;
	[tilespmem:s21+$0xF0] =	vst v2  }
0x22b: {  	v7 =	vadd.f32 v10, v7;
	v2 =	vshll.u32 v4, $0x10;
	v5 =	vshll.u32 v6, $0x10;
	v10 =	vld [tilespmem:s16+$0x90];
	[tilespmem:s22+$0xF0] =	vst v1  }
0x22c: {  	v1 =	vadd.f32 v15, v11;
	v5 =	vadd.f32 v5, v9;
	v9 =	vand.u32 $0xFFFF0000, v12;
	v11 =	vld [tilespmem:s15+$0x90];
	[tilespmem:s21+$0xFFFFFFF0] =	vst v3;
	s21 =	smov.u32 s10  }
0x22d: {  	v6 =	vand.u32 $0xFFFF0000, v6;
	v3 =	vadd.f32 v8, v3;
	[tilespmem:s10+$0x0] =	vst v7;
	v7 =	vadd.f32 v9, v7  }
0x22e: {  	v1 =	vadd.f32 v2, v1;
	[tilespmem:s10+$0xFFFFFF80] =	vst v5;
	v2 =	vadd.f32 v6, v5  }
0x22f: {  	v4 =	vand.u32 $0xFFFF0000, v4;
	[tilespmem:s14+$0x0] =	vst v7  }
0x230: {  	[tilespmem:s10+$0xFFFFFF00] =	vst v1;
	v1 =	vadd.f32 v4, v1;
	v4 =	vld [tilespmem:s16+$0x10]  }
0x231: {  	v5 =	vld [tilespmem:s15+$0x10];
	v6 =	vadd.f32 v13, v11;
	[tilespmem:s22+$0xFFFFFFF0] =	vst v3;
	s22 =	smov.u32 s14  }
0x232: {  	v3 =	vshll.u32 v10, $0x10;
	[tilespmem:s14+$0xFFFFFF80] =	vst v2;
	v2 =	vld [tilespmem:s1+$0x10]  }
0x233: {  	v7 =	vld [tilespmem:s1+$0xFFFFFF90];
	v3 =	vadd.f32 v3, v6  }
0x234: {  	v6 =	vand.u32 $0xFFFF0000, v10;
	[tilespmem:s14+$0xFFFFFF00] =	vst v1;
	v1 =	vld [tilespmem:s15+$0xFFFFFF90]  }
0x235: {  	v8 =	vld [tilespmem:s16+$0xFFFFFF90];
	[tilespmem:s10+$0x90] =	vst v3;
	v3 =	vadd.f32 v6, v3  }
0x236: {  	v9 =	vshll.u32 v4, $0x10;
	v6 =	vld [tilespmem:s1+$0xFFFFFF10]  }
0x237: {  	v10 =	vld [tilespmem:s15+$0xFFFFFF10];
	[tilespmem:s14+$0x90] =	vst v3  }
0x238: {  	v4 =	vand.u32 $0xFFFF0000, v4;
	v2 =	vadd.f32 v2, v5;
	v3 =	vld [tilespmem:s16+$0xFFFFFF10]  }
0x239: {  	v1 =	vadd.f32 v7, v1;
	v5 =	vld [tilespmem:s15+$0xA0]  }
0x23a: {  	v2 =	vadd.f32 v9, v2;
	v7 =	vshll.u32 v8, $0x10;
	v9 =	vld [tilespmem:s1+$0xA0]  }
0x23b: {  	v1 =	vadd.f32 v7, v1;
	v7 =	vld [tilespmem:s16+$0xA0]  }
0x23c: {  	v8 =	vand.u32 $0xFFFF0000, v8;
	v6 =	vadd.f32 v6, v10;
	[tilespmem:s10+$0x10] =	vst v2  }
0x23d: {  	v2 =	vadd.f32 v4, v2;
	v10 =	vshll.u32 v3, $0x10;
	[tilespmem:s10+$0xFFFFFF90] =	vst v1;
	v1 =	vadd.f32 v8, v1  }
0x23e: {  	v4 =	vadd.f32 v10, v6  }
0x23f: {  	v3 =	vand.u32 $0xFFFF0000, v3;
	[tilespmem:s14+$0x10] =	vst v2;
	v2 =	vadd.f32 v9, v5  }
0x240: {  	v3 =	vadd.f32 v3, v4;
	[tilespmem:s14+$0xFFFFFF90] =	vst v1;
	v1 =	vld [tilespmem:s16+$0x20];
	v5 =	vshll.u32 v7, $0x10  }
0x241: {  	[tilespmem:s10+$0xFFFFFF10] =	vst v4;
	v4 =	vld [tilespmem:s15+$0x20];
	v2 =	vadd.f32 v5, v2  }
0x242: {  	v5 =	vand.u32 $0xFFFF0000, v7;
	[tilespmem:s14+$0xFFFFFF10] =	vst v3;
	v3 =	vld [tilespmem:s15+$0xFFFFFFA0]  }
0x243: {  	v6 =	vld [tilespmem:s1+$0x20];
	[tilespmem:s10+$0xA0] =	vst v2;
	v2 =	vadd.f32 v5, v2  }
0x244: {  	v5 =	vld [tilespmem:s15+$0xFFFFFF20]  }
0x245: {  	v7 =	vld [tilespmem:s16+$0xFFFFFF20];
	v8 =	vand.u32 $0xFFFF0000, v1;
	[tilespmem:s14+$0xA0] =	vst v2  }
0x246: {  	v2 =	vld [tilespmem:s16+$0xB0]  }
0x247: {  	v9 =	vld [tilespmem:s1+$0xB0]  }
0x248: {  	v10 =	vld [tilespmem:s1+$0xFFFFFF20];
	v4 =	vadd.f32 v6, v4  }
0x249: {  	v1 =	vshll.u32 v1, $0x10;
	v6 =	vld [tilespmem:s15+$0xB0]  }
0x24a: {  	v11 =	vshll.u32 v7, $0x10;
	v12 =	vld [tilespmem:s1+$0xFFFFFFA0];
	v1 =	vadd.f32 v1, v4  }
0x24b: {  	v4 =	vld [tilespmem:s16+$0xFFFFFFA0]  }
0x24c: {  	v7 =	vand.u32 $0xFFFF0000, v7;
	[tilespmem:s10+$0x20] =	vst v1  }
0x24d: {  	v1 =	vadd.f32 v8, v1;
	v5 =	vadd.f32 v10, v5  }
0x24e: {  	v8 =	vshll.u32 v2, $0x10;
	v6 =	vadd.f32 v9, v6  }
0x24f: {  	v5 =	vadd.f32 v11, v5;
	v3 =	vadd.f32 v12, v3;
	[tilespmem:s14+$0x20] =	vst v1  }
0x250: {  	v1 =	vshll.u32 v4, $0x10;
	v9 =	vld [tilespmem:s15+$0x30];
	v6 =	vadd.f32 v8, v6  }
0x251: {  	v2 =	vand.u32 $0xFFFF0000, v2;
	[tilespmem:s10+$0xFFFFFF20] =	vst v5;
	v5 =	vadd.f32 v7, v5;
	v1 =	vadd.f32 v1, v3;
	v3 =	vld [tilespmem:s1+$0x30]  }
0x252: {  	v4 =	vand.u32 $0xFFFF0000, v4;
	v7 =	vld [tilespmem:s16+$0x30];
	[tilespmem:s10+$0xB0] =	vst v6;
	v2 =	vadd.f32 v2, v6  }
0x253: {  	[tilespmem:s14+$0xFFFFFF20] =	vst v5;
	v4 =	vadd.f32 v4, v1  }
0x254: {  	v5 =	vld [tilespmem:s15+$0xFFFFFF30];
	[tilespmem:s10+$0xFFFFFFA0] =	vst v1  }
0x255: {  	v1 =	vld [tilespmem:s1+$0xFFFFFF30];
	[tilespmem:s14+$0xFFFFFFA0] =	vst v4  }
0x256: {  	v4 =	vld [tilespmem:s16+$0xFFFFFF30];
	v3 =	vadd.f32 v3, v9;
	[tilespmem:s14+$0xB0] =	vst v2  }
0x257: {  	v2 =	vshll.u32 v7, $0x10;
	v6 =	vld [tilespmem:s1+$0xC0]  }
0x258: {  	v2 =	vadd.f32 v2, v3;
	v3 =	vld [tilespmem:s15+$0xC0]  }
0x259: {  	v7 =	vand.u32 $0xFFFF0000, v7;
	v8 =	vld [tilespmem:s16+$0xC0]  }
0x25a: {  	v1 =	vadd.f32 v1, v5;
	v5 =	vld [tilespmem:s15+$0xFFFFFFB0];
	[tilespmem:s10+$0x30] =	vst v2;
	v2 =	vadd.f32 v7, v2  }
0x25b: {  	v7 =	vshll.u32 v4, $0x10;
	v9 =	vld [tilespmem:s1+$0xFFFFFFB0]  }
0x25c: {  	v1 =	vadd.f32 v7, v1;
	v7 =	vld [tilespmem:s16+$0xFFFFFFB0];
	[tilespmem:s14+$0x30] =	vst v2  }
0x25d: {  	v2 =	vand.u32 $0xFFFF0000, v4;
	v4 =	vld [tilespmem:s15+$0x40];
	v3 =	vadd.f32 v6, v3  }
0x25e: {  	[tilespmem:s10+$0xFFFFFF30] =	vst v1;
	v1 =	vadd.f32 v2, v1;
	v2 =	vld [tilespmem:s1+$0x40];
	v6 =	vshll.u32 v8, $0x10  }
0x25f: {  	v10 =	vld [tilespmem:s16+$0x40];
	v3 =	vadd.f32 v6, v3  }
0x260: {  	[tilespmem:s14+$0xFFFFFF30] =	vst v1;
	v1 =	vadd.f32 v9, v5;
	v5 =	vand.u32 $0xFFFF0000, v8  }
0x261: {  	v6 =	vld [tilespmem:s15+$0xFFFFFF40];
	v8 =	vshll.u32 v7, $0x10;
	[tilespmem:s10+$0xC0] =	vst v3;
	v3 =	vadd.f32 v5, v3  }
0x262: {  	v5 =	vld [tilespmem:s1+$0xFFFFFF40];
	v1 =	vadd.f32 v8, v1  }
0x263: {  	v7 =	vand.u32 $0xFFFF0000, v7;
	v8 =	vld [tilespmem:s16+$0xFFFFFF40];
	v2 =	vadd.f32 v2, v4;
	[tilespmem:s14+$0xC0] =	vst v3  }
0x264: {  	[tilespmem:s10+$0xFFFFFFB0] =	vst v1;
	v1 =	vadd.f32 v7, v1;
	v3 =	vshll.u32 v10, $0x10;
	v4 =	vld [tilespmem:s15+$0xD0]  }
0x265: {  	v2 =	vadd.f32 v3, v2;
	v3 =	vld [tilespmem:s1+$0xD0]  }
0x266: {  	[tilespmem:s14+$0xFFFFFFB0] =	vst v1;
	v1 =	vand.u32 $0xFFFF0000, v10;
	v7 =	vld [tilespmem:s16+$0xD0]  }
0x267: {  	v5 =	vadd.f32 v5, v6;
	v6 =	vld [tilespmem:s15+$0xFFFFFFC0];
	[tilespmem:s10+$0x40] =	vst v2;
	v1 =	vadd.f32 v1, v2  }
0x268: {  	v2 =	vshll.u32 v8, $0x10;
	v9 =	vld [tilespmem:s1+$0xFFFFFFC0]  }
0x269: {  	v2 =	vadd.f32 v2, v5;
	v5 =	vld [tilespmem:s16+$0xFFFFFFC0];
	[tilespmem:s14+$0x40] =	vst v1  }
0x26a: {  	v1 =	vand.u32 $0xFFFF0000, v8;
	v8 =	vld [tilespmem:s15+$0x50];
	v3 =	vadd.f32 v3, v4  }
0x26b: {  	[tilespmem:s10+$0xFFFFFF40] =	vst v2;
	v1 =	vadd.f32 v1, v2;
	v2 =	vld [tilespmem:s1+$0x50];
	v4 =	vshll.u32 v7, $0x10  }
0x26c: {  	v10 =	vld [tilespmem:s16+$0x50];
	v3 =	vadd.f32 v4, v3  }
0x26d: {  	v4 =	vand.u32 $0xFFFF0000, v7;
	[tilespmem:s14+$0xFFFFFF40] =	vst v1;
	v1 =	vadd.f32 v9, v6  }
0x26e: {  	v6 =	vld [tilespmem:s15+$0xFFFFFF50];
	v7 =	vshll.u32 v5, $0x10;
	[tilespmem:s10+$0xD0] =	vst v3;
	v3 =	vadd.f32 v4, v3  }
0x26f: {  	v4 =	vld [tilespmem:s1+$0xFFFFFF50];
	v1 =	vadd.f32 v7, v1  }
0x270: {  	v5 =	vand.u32 $0xFFFF0000, v5;
	v7 =	vld [tilespmem:s16+$0xFFFFFF50];
	v2 =	vadd.f32 v2, v8;
	[tilespmem:s14+$0xD0] =	vst v3  }
0x271: {  	[tilespmem:s10+$0xFFFFFFC0] =	vst v1;
	v1 =	vadd.f32 v5, v1;
	v3 =	vshll.u32 v10, $0x10;
	v5 =	vld [tilespmem:s15+$0xE0]  }
0x272: {  	v2 =	vadd.f32 v3, v2;
	v3 =	vld [tilespmem:s16+$0xE0]  }
0x273: {  	[tilespmem:s14+$0xFFFFFFC0] =	vst v1;
	v1 =	vand.u32 $0xFFFF0000, v10;
	v8 =	vld [tilespmem:s1+$0xE0]  }
0x274: {  	v4 =	vadd.f32 v4, v6;
	v6 =	vld [tilespmem:s15+$0xFFFFFFD0];
	[tilespmem:s10+$0x50] =	vst v2;
	v1 =	vadd.f32 v1, v2  }
0x275: {  	v2 =	vshll.u32 v7, $0x10;
	v9 =	vld [tilespmem:s1+$0xFFFFFFD0]  }
0x276: {  	v2 =	vadd.f32 v2, v4;
	v4 =	vld [tilespmem:s16+$0xFFFFFFD0];
	[tilespmem:s14+$0x50] =	vst v1  }
0x277: {  	v1 =	vand.u32 $0xFFFF0000, v7;
	v7 =	vld [tilespmem:s15+$0x60];
	v10 =	vshll.u32 v3, $0x10  }
0x278: {  	[tilespmem:s10+$0xFFFFFF50] =	vst v2;
	v1 =	vadd.f32 v1, v2;
	v2 =	vld [tilespmem:s1+$0x60];
	v5 =	vadd.f32 v8, v5  }
0x279: {  	v8 =	vld [tilespmem:s16+$0x60]  }
0x27a: {  	[tilespmem:s14+$0xFFFFFF50] =	vst v1;
	v1 =	vadd.f32 v9, v6;
	v5 =	vadd.f32 v10, v5  }
0x27b: {  	v3 =	vand.u32 $0xFFFF0000, v3;
	v6 =	vld [tilespmem:s15+$0xFFFFFF60];
	v9 =	vshll.u32 v4, $0x10  }
0x27c: {  	v10 =	vld [tilespmem:s1+$0xFFFFFF60];
	v1 =	vadd.f32 v9, v1;
	[tilespmem:s10+$0xE0] =	vst v5;
	v3 =	vadd.f32 v3, v5  }
0x27d: {  	v4 =	vand.u32 $0xFFFF0000, v4;
	v9 =	vld [tilespmem:s16+$0xFFFFFF60];
	v2 =	vadd.f32 v2, v7  }
0x27e: {  	v4 =	vadd.f32 v4, v1;
	v5 =	vshll.u32 v8, $0x10;
	[tilespmem:s14+$0xE0] =	vst v3  }
0x27f: {  	[tilespmem:s10+$0xFFFFFFD0] =	vst v1;
	v1 =	vadd.f32 v5, v2;
	v2 =	vld [tilespmem:s15+$0xF0]  }
0x280: {  	v3 =	vand.u32 $0xFFFF0000, v8;
	[tilespmem:s14+$0xFFFFFFD0] =	vst v4;
	v7 =	vld [tilespmem:s1+$0xF0]  }
.Ltmp2:
0x281: {  	v6 =	vadd.f32 v10, v6;
	v4 =	vld [tilespmem:s1+$0xFFFFFFE0];
	[tilespmem:s10+$0x60] =	vst v1;
	v1 =	vadd.f32 v3, v1;
	(pc) =	sbr.rel @p0 .LBB2_7-.Ltmp2, $4  }
0x282: {  	v3 =	vshll.u32 v9, $0x10;
	v5 =	vld [tilespmem:s15+$0xFFFFFFE0]  }
0x283: {  	v6 =	vadd.f32 v3, v6;
	v3 =	vld [tilespmem:s16+$0xFFFFFFE0];
	[tilespmem:s14+$0x60] =	vst v1  }
0x284: {  	v8 =	vand.u32 $0xFFFF0000, v9;
	v1 =	vld [tilespmem:s16+$0xF0]  }
0x285: {  	s1 =	sadd.s32 $0x200, s1;
	s10 =	sadd.s32 $0x200, s10;
	s14 =	sadd.s32 $0x200, s14;
	[tilespmem:s21+$0xFFFFFF60] =	vst v6;
	v6 =	vadd.f32 v8, v6;
	v2 =	vadd.f32 v7, v2  }
0x286: {  	_ = 	snop  }
0x287: {  	v7 =	vld [tilespmem:s5+$0x70];
	v4 =	vadd.f32 v4, v5  }
0x288: {  	v52 =	vld [tilespmem:s23+$0x70];
	v53 =	vshll.u32 v3, $0x10  }
0x289: {  	v8 =	vld [tilespmem:s2+$0x70];
	[tilespmem:s22+$0xFFFFFF60] =	vst v6;
	v4 =	vadd.f32 v53, v4  }
0x28a: {  	v9 =	vld [tilespmem:s5+$0xFFFFFF70];
	v3 =	vand.u32 $0xFFFF0000, v3  }
0x28b: {  	v54 =	vld [tilespmem:s23+$0xFFFFFF70];
	v3 =	vadd.f32 v3, v4  }
0x28c: {  	v10 =	vld [tilespmem:s2+$0xFFFFFF70];
	[tilespmem:s21+$0xFFFFFFE0] =	vst v4  }
0x28d: {  	[tilespmem:s22+$0xFFFFFFE0] =	vst v3  }
0x28e: {  	v4 =	vld [tilespmem:s5+$0xFFFFFFF0]  }
0x28f: {  	v3 =	vadd.f32 v52, v7;
	v56 =	vld [tilespmem:s23+$0xFFFFFFF0]  }
0x290: {  	v61 =	vshll.u32 v1, $0x10;
	v55 =	vshll.u32 v8, $0x10;
	v6 =	vadd.f32 v54, v9;
	v58 =	vld [tilespmem:s2+$0xFFFFFFF0]  }
0x291: {  	v2 =	vadd.f32 v61, v2;
	v57 =	vshll.u32 v10, $0x10;
	v3 =	vadd.f32 v55, v3  }
0x292: {  	v8 =	vand.u32 $0xFFFF0000, v8;
	v5 =	vadd.f32 v57, v6  }
0x293: {  	[tilespmem:s21+$0xF0] =	vst v2;
	v60 =	vand.u32 $0xFFFF0000, v10;
	v59 =	vadd.f32 v8, v3  }
0x294: {  	v1 =	vand.u32 $0xFFFF0000, v1;
	[tilespmem:s21+$0x70] =	vst v3;
	v3 =	vadd.f32 v60, v5;
	v4 =	vadd.f32 v56, v4  }
0x295: {  	v1 =	vadd.f32 v1, v2;
	[tilespmem:s21+$0xFFFFFF70] =	vst v5;
	v62 =	vshll.u32 v58, $0x10  }
0x296: {  	[tilespmem:s22+$0xFFFFFF70] =	vst v3;
	v3 =	vadd.f32 v62, v4  }
0x297: {  	s17 =	sadd.s32 $0x1, s17;
	[tilespmem:s22+$0xF0] =	vst v1;
	v63 =	vand.u32 $0xFFFF0000, v58  }
0x298: {  	p0 =	sne.s32 s17, $0x7D;
	[tilespmem:s22+$0x70] =	vst v59;
	v1 =	vadd.f32 v63, v3  }
.Ltmp3:
0x299: {  	[tilespmem:s21+$0xFFFFFFF0] =	vst v3;
	(pc) =	sbr.rel @p0 .LBB2_4-.Ltmp3, $4  }
0x29a: {  	s1 =	sadd.s32 s28, s11;
	[tilespmem:s22+$0xFFFFFFF0] =	vst v1;
	s22 =	simm.s32 $0xA200  }
0x29b: {  	[hbm4b:s1+s4] =	stream.linear.scatter [tilespmem:s22], [sflag:$0x7], $0x1400, $0x38;
	[tilespmem:$0x1F600] =	vst v63  }
0x29c: {  	s10 =	simm.s32 $0x180;
	s23 =	simm.s32 $0x8E00  }
0x29d: {  	[spmem:s24] =	stream.indirect.scatter.add.f32 [tilespmem:s23], [sflag:$0x9], $0x80, s10, s18, $0xb8;
	[tilespmem:$0x1F600] =	vst v63  }
0x29e: {  	_ =	swait.ge [sflag:s0], $0x1400  }
0x29f: {  	[sflag:s0] =	ssyncset.done $0x0  }
0x2a0: {  	s1 =	simm.s32 $0x8;
	[sflag:s0] =	ssyncadd.s32 $0xFFFFEC00  }
0x2a1: {  	_ =	swait.ge [sflag:s1], $0x1400  }
0x2a2: {  	[sflag:s1] =	ssyncset.done $0x0  }
0x2a3: {  	s20 =	simm.s32 $0x9;
	[sflag:s1] =	ssyncadd.s32 $0xFFFFEC00  }
0x2a4: {  	_ =	swait.ge [sflag:s20], $0x1400  }
0x2a5: {  	[sflag:s20] =	ssyncset.done $0x0  }
0x2a6: {  	[sflag:s20] =	ssyncadd.s32 $0xFFFFEC00  }
0x2a7: {  	s21 =	stileid.u32;
	[bflag:$0x0] =	sbarrier.arrive $0xFFFF  }
0x2a8: {  	s1 =	sshll.u32 s21, $0x6;
	s5 =	rddreg [dreg:$0xc]  }
0x2a9: {  	s1 =	sor.u32 $0x1C0A, s1;
	s3 =	rddreg [dreg:$0xb];
	s2 =	sshrl.u32 s5, $0x3  }
0x2aa: {  	[hbm:s3], [sflag:s1] =	dma.local [spmem:s2], $0x2800  }
0x2ab: {  	_ =	swait.ge [sflag:s13], $0x2800  }
0x2ac: {  	s22 =	rddreg [dreg:$0x1d]  }
0x2ad: {  	s23 =	rddreg [dreg:$0xd];
	s2 =	sadd.s32 $0x1, s22  }
0x2ae: {  	p0 =	sne.s32 s2, s23  }
.Ltmp4:
0x2af: {  	_ = 	snop;
	(pc) =	sbr.rel @p0 .LBB2_1-.Ltmp4, $3  }
0x2b0: {  	_ =	sdelay $0x1  }
0x2b1: {  	[sflag:s13] =	ssyncset.done $0x0  }
0x2b2: {  	[sflag:s13] =	ssyncadd.s32 $0xFFFFD800  }
0x2b3: {  	_ =	sfence.sel $0x180000  }
0x2b4: {  	[bflag:$0x0] =	sbarrier.arrive $0xFFFF  }
0x2b5: {  	_ =	strace $0x90000047  }
0x2b6: {  	s0 =	stileid.u32;
	[bflag:$0x2] =	sbarrier.arrive $0xFFFF  }
0x2b7: {  	p0 =	sne.s32 s0, $0x0;
	s0 =	rddreg [dreg:$0x4]  }
0x2b8: {  	s0 =	sadd.s32 @!p0 $0x100000, s0  }
0x2b9: {  	[sflag:s0] =	ssyncadd.tile.s32 @!p0 $0x1;
	_ =	shalt  }
.Lfunc_end2:
_tile_overlayer_lowered:
.L_overlay_start_2:
0x2ba: {  	(tag) =	ssettag $0x2  }
0x2bb: {  	s0 =	rddreg [dreg:$0x0];
	s2 =	stileid.u32  }
0x2bc: {  	s1 =	rddreg [dreg:$0x1];
	p0 =	sne.s32 s2, $0x0  }
0x2bd: {  	s3 =	rddreg [dreg:$0x2];
	[bflag:$0x3] =	sbarrier.arrive $0xFFFF;
	s2 =	simm.s32 @!p0 $0x1C0A  }
0x2be: {  	[timem:s3], [sflag:s2] =	dma.local @!p0 [hbm:s0], s1  }
0x2bf: {  	s0 =	simm.s32 @!p0 $0xA  }
0x2c0: {  	_ =	swait.ge @!p0 [sflag:s0], s1  }
0x2c1: {  	s1 =	ssub.s32 @!p0 $0x0, s1;
	[sflag:s0] =	ssyncset.done @!p0 $0x0  }
0x2c2: {  	[sflag:s0] =	ssyncadd.s32 @!p0 s1  }
0x2c3: {  	[bflag:$0x3] =	sbarrier.arrive $0xFFFF  }
0x2c4: {  	_ =	shalt  }

</sc_bundles>
